<compile_context>
chip_gen: v7x
topology: tpu7x:2x2x1
jax: 0.10.2.dev20260603
libtpu: 0.0.44.dev20260713+nightly
codegen_flags: <defaults>
</compile_context>

<pallas_src>
import functools

import jax
import jax.numpy as jnp
from jax import lax
from jax.experimental import pallas as pl
from jax.experimental.pallas import tpu as pltpu
from jax.experimental.pallas import tpu_sc as plsc

DIM = 128
NENT = 100000
NSUBJ = 64
KN = 32
KP = 32
KE = 16
L_NB, L_PA, L_ED = 0.3, 0.3, 0.4

NC = 2
NS = 16
NW = NC * NS
SPW = NSUBJ // NW

BN = 10000
NBLK = NENT // (2 * BN)



def _accum_mean(rows_ref, k, base, inv_k, mean_ref, out_row):
    def body(r, acc):
        return tuple(acc[c] + rows_ref[base + r, pl.ds(c * 16, 16)]
                     for c in range(8))

    acc0 = tuple(jnp.zeros((16,), jnp.float32) for _ in range(8))
    acc = lax.fori_loop(0, k, body, acc0, unroll=4)
    for c in range(8):
        mean_ref[out_row, pl.ds(c * 16, 16)] = acc[c] * inv_k


@functools.lru_cache(maxsize=None)
def _build_sc_contexts():
  @functools.partial(
    pl.kernel,
    mesh=plsc.VectorSubcoreMesh(core_axis_name="c", subcore_axis_name="s"),
    out_type=(
        jax.ShapeDtypeStruct((3 * NSUBJ, DIM), jnp.float32),
        jax.ShapeDtypeStruct((NSUBJ, DIM), jnp.float32),
    ),
    scratch_types=[
        pltpu.VMEM((SPW * KN,), jnp.int32),
        pltpu.VMEM((SPW * KN, DIM), jnp.float32),
        pltpu.VMEM((SPW * KP,), jnp.int32),
        pltpu.VMEM((SPW * KP, DIM), jnp.float32),
        pltpu.VMEM((SPW * KE,), jnp.int32),
        pltpu.VMEM((SPW * KE, DIM), jnp.float32),
        pltpu.VMEM((8,), jnp.int32),
        pltpu.VMEM((8, DIM), jnp.float32),
        pltpu.VMEM((3 * SPW, DIM), jnp.float32),
        pltpu.SemaphoreType.DMA,
        pltpu.SemaphoreType.DMA,
        pltpu.SemaphoreType.DMA,
        pltpu.SemaphoreType.DMA,
    ],
  )
  def _sc_contexts(ids_hbm, ent_hbm, rel_hbm,
                   ctx_out, esub_out,
                   nb_i, nb_r, pa_i, pa_r, ed_i, ed_r, sj_i, sj_r, mean_v,
                   sem, isem, sjsem, osem):
    wid = lax.axis_index("s") * NC + lax.axis_index("c")

    ci_nb = pltpu.async_copy(
        ids_hbm.at[pl.ds(wid * (SPW * KN), SPW * KN)], nb_i, isem)
    ci_pa = pltpu.async_copy(
        ids_hbm.at[pl.ds(NW * SPW * KN + wid * (SPW * KP), SPW * KP)],
        pa_i, isem)
    ci_ed = pltpu.async_copy(
        ids_hbm.at[pl.ds(NW * SPW * (KN + KP) + wid * (SPW * KE), SPW * KE)],
        ed_i, isem)

    @pl.when(wid < 8)
    def _():
        pltpu.sync_copy(
            ids_hbm.at[pl.ds(NW * SPW * (KN + KP + KE) + wid * 8, 8)], sj_i)
        pltpu.async_copy(ent_hbm.at[sj_i], sj_r, sjsem)

    ci_nb.wait()
    cp_nb = pltpu.async_copy(ent_hbm.at[nb_i], nb_r, sem)
    ci_pa.wait()
    cp_pa = pltpu.async_copy(ent_hbm.at[pa_i], pa_r, sem)
    ci_ed.wait()
    cp_ed = pltpu.async_copy(rel_hbm.at[ed_i], ed_r, sem)

    cp_nb.wait()
    for s in range(SPW):
        _accum_mean(nb_r, KN, s * KN, 1.0 / KN, mean_v, s)
    co_nb = pltpu.make_async_copy(mean_v.at[pl.ds(0, SPW)],
                                  ctx_out.at[pl.ds(wid * SPW, SPW)], osem)
    co_nb.start()

    cp_pa.wait()
    for s in range(SPW):
        _accum_mean(pa_r, KP, s * KP, 1.0 / KP, mean_v, SPW + s)
    co_pa = pltpu.make_async_copy(mean_v.at[pl.ds(SPW, SPW)],
                                  ctx_out.at[pl.ds(NSUBJ + wid * SPW, SPW)],
                                  osem)
    co_pa.start()

    cp_ed.wait()
    for s in range(SPW):
        _accum_mean(ed_r, KE, s * KE, 1.0 / KE, mean_v, 2 * SPW + s)
    co_ed = pltpu.make_async_copy(mean_v.at[pl.ds(2 * SPW, SPW)],
                                  ctx_out.at[pl.ds(2 * NSUBJ + wid * SPW, SPW)],
                                  osem)
    co_ed.start()

    @pl.when(wid < 8)
    def _():
        pltpu.make_async_copy(ent_hbm.at[sj_i], sj_r, sjsem).wait()
        pltpu.sync_copy(sj_r, esub_out.at[pl.ds(wid * 8, 8)])

    co_nb.wait()
    co_pa.wait()
    co_ed.wait()

  return _sc_contexts



def _tc_body(ctx_ref, esub_ref, ent_lo_ref, ent_hi_ref, out_ref, s_ref):
    i = pl.program_id(0)

    @pl.when(i == 0)
    def _():
        s_ref[...] = jnp.zeros((3 * NSUBJ, DIM), jnp.float32)

    ctx = ctx_ref[...]
    bsum = jnp.zeros((3 * NSUBJ, 1), jnp.float32)
    for ent_ref in (ent_lo_ref, ent_hi_ref):
        ent = ent_ref[...]
        logits = lax.dot_general(ctx, ent, (((1,), (1,)), ((), ())),
                                 preferred_element_type=jnp.float32)
        bsum = bsum + jnp.sum(jnp.exp(logits), axis=1, keepdims=True)
    s_ref[...] = s_ref[...] + bsum

    @pl.when(i == NBLK - 1)
    def _():
        lse = jnp.log(s_ref[:, 0:1])
        es = esub_ref[...]
        d_nb = jnp.sum(ctx[0:NSUBJ] * es, axis=1, keepdims=True)
        d_pa = jnp.sum(ctx[NSUBJ:2 * NSUBJ] * es, axis=1, keepdims=True)
        d_ed = jnp.sum(ctx[2 * NSUBJ:] * es, axis=1, keepdims=True)
        loss = (L_NB * jnp.sum(lse[0:NSUBJ] - d_nb)
                + L_PA * jnp.sum(lse[NSUBJ:2 * NSUBJ] - d_pa)
                + L_ED * jnp.sum(lse[2 * NSUBJ:] - d_ed))
        out_ref[0, 0] = loss


def _tc_loss(ctx, esub, ent_emb):
    return pl.pallas_call(
        _tc_body,
        grid=(NBLK,),
        in_specs=[
            pl.BlockSpec((3 * NSUBJ, DIM), lambda i: (0, 0)),
            pl.BlockSpec((NSUBJ, DIM), lambda i: (0, 0)),
            pl.BlockSpec((BN, DIM), lambda i: (i, 0)),
            pl.BlockSpec((BN, DIM), lambda i: (i + NBLK, 0)),
        ],
        out_specs=pl.BlockSpec(memory_space=pltpu.SMEM),
        out_shape=jax.ShapeDtypeStruct((1, 1), jnp.float32),
        scratch_shapes=[
            pltpu.VMEM((3 * NSUBJ, DIM), jnp.float32),
        ],
    )(ctx, esub, ent_emb, ent_emb)


def kernel(htrs, neighbor_ids, path_ids, edge_ids, ent_emb, rel_emb):
    ed32 = edge_ids.reshape(KN, KN)
    subj2 = jnp.stack([htrs[:, 0], htrs[:, 2]], axis=1).reshape(2, 32)
    ids = jnp.concatenate(
        [neighbor_ids, path_ids, ed32, subj2], axis=0,
    ).astype(jnp.int32).reshape(-1)
    ctx, esub = _build_sc_contexts()(ids, ent_emb, rel_emb)
    loss = _tc_loss(ctx, esub, ent_emb)
    return loss.reshape(1)

# --- scband reference (transcript-rebuilt; emitter-appended) ---
"""Pipeline reference for scband-gakegraph-encoder-16106127360028 (READ-ONLY COPY).

The authoritative reference and input builder live on the scoring server;
editing this copy changes nothing except your own understanding.
"""

import jax, jax.numpy as jnp
import numpy as np

NUM_ENTITY = 100000
NUM_RELATION = 1000
DIM = 128
B = 32
K_N = 32
K_P = 32
K_E = 16
LAMBDAS = (0.3, 0.3, 0.4)


def setup_inputs(seed: int = 0) -> dict:
    key = jax.random.key(seed)
    k1, k2, k3, k4, k5, k6 = jax.random.split(key, 6)
    htrs = jax.random.randint(k1, (B, 3), 0, NUM_RELATION)
    neighbor_ids = jax.random.randint(k2, (2 * B, K_N), 0, NUM_ENTITY)
    path_ids = jax.random.randint(k3, (2 * B, K_P), 0, NUM_ENTITY)
    edge_ids = jax.random.randint(k4, (2 * B, K_E), 0, NUM_RELATION)
    ent_emb = jax.random.normal(k5, (NUM_ENTITY, DIM), dtype=jnp.float32) * 0.02
    rel_emb = jax.random.normal(k6, (NUM_RELATION, DIM), dtype=jnp.float32) * 0.02
    return {
        'htrs': htrs,
        'neighbor_ids': neighbor_ids,
        'path_ids': path_ids,
        'edge_ids': edge_ids,
        'ent_emb': ent_emb,
        'rel_emb': rel_emb,
    }


def _context_nll(subjects, ctx, ent_emb):
    # GAKE: p(s | c) = softmax over all entities of <e_s, mean(context embeddings)>
    logits = ctx @ ent_emb.T  # [2B, NUM_ENTITY]
    logp = jax.nn.log_softmax(logits, axis=-1)
    return -jnp.take_along_axis(logp, subjects[:, None], axis=1)[:, 0]


def reference(htrs, neighbor_ids, path_ids, edge_ids, ent_emb, rel_emb):
    # subjects in loop order h0, t0, h1, t1, ... matching the torch double loop
    subjects = jnp.stack([htrs[:, 0], htrs[:, 2]], axis=1).reshape(-1)  # [2B]
    c_nb = jnp.take(ent_emb, neighbor_ids, axis=0).mean(axis=1)  # neighbor context
    c_pa = jnp.take(ent_emb, path_ids, axis=0).mean(axis=1)      # path context
    c_ed = jnp.take(rel_emb, edge_ids, axis=0).mean(axis=1)      # edge context
    l_nb = _context_nll(subjects, c_nb, ent_emb)
    l_pa = _context_nll(subjects, c_pa, ent_emb)
    l_ed = _context_nll(subjects, c_ed, ent_emb)
    per_subject = LAMBDAS[0] * l_nb + LAMBDAS[1] * l_pa + LAMBDAS[2] * l_ed
    loss = jnp.sum(per_subject).reshape(1)  # accumulated like torch.zeros(1) += _loss
    return loss

if __name__ == "__main__":
    import jax
    _d = setup_inputs()
    print(jax.jit(kernel)(*tuple(_d.values())))

</pallas_src>

<mosaic_0001>
#map = affine_map<(d0, d1) -> (0)>
#map1 = affine_map<(d0, d1) -> (0, 0)>
module attributes {stable_mosaic.version = 14 : i64} {
  func.func @_sc_contexts(%arg0: i32, %arg1: i32, %arg2: memref<5184xi32, #tpu.memory_space<hbm>>, %arg3: memref<100000x128xf32, #tpu.memory_space<hbm>>, %arg4: memref<1000x128xf32, #tpu.memory_space<hbm>>, %arg5: memref<192x128xf32, #tpu.memory_space<hbm>>, %arg6: memref<64x128xf32, #tpu.memory_space<hbm>>, %arg7: memref<64xi32, #tpu.memory_space<vmem>>, %arg8: memref<64x128xf32, #tpu.memory_space<vmem>>, %arg9: memref<64xi32, #tpu.memory_space<vmem>>, %arg10: memref<64x128xf32, #tpu.memory_space<vmem>>, %arg11: memref<32xi32, #tpu.memory_space<vmem>>, %arg12: memref<32x128xf32, #tpu.memory_space<vmem>>, %arg13: memref<8xi32, #tpu.memory_space<vmem>>, %arg14: memref<8x128xf32, #tpu.memory_space<vmem>>, %arg15: memref<6x128xf32, #tpu.memory_space<vmem>>, %arg16: memref<!tpu.dma_semaphore, #tpu.memory_space<semaphore_mem>>, %arg17: memref<!tpu.dma_semaphore, #tpu.memory_space<semaphore_mem>>, %arg18: memref<!tpu.dma_semaphore, #tpu.memory_space<semaphore_mem>>, %arg19: memref<!tpu.dma_semaphore, #tpu.memory_space<semaphore_mem>>) attributes {dimension_semantics = [#tpu.dimension_semantics<core_parallel>, #tpu.dimension_semantics<subcore_parallel>], iteration_bounds = array<i64: 2, 16>, scalar_prefetch = 0 : i64, scratch_operands = 13 : i64, tpu.core_type = #tpu.core_type<sc_vector_subcore>, window_params = [{transform_indices = #map}, {transform_indices = #map1}, {transform_indices = #map1}, {transform_indices = #map1}, {transform_indices = #map1}]} {
    %mul3A = arith.constant 2 : i32
    %mul3A_0 = arith.muli %arg1, %mul3A : i32
    %add3A = arith.addi %mul3A_0, %arg0 : i32
    %mul3A_1 = arith.constant 64 : i32
    %mul3A_2 = arith.muli %add3A, %mul3A_1 : i32
    %dma_start3A = tpu.memref_slice %arg2[%mul3A_2] : memref<5184xi32, #tpu.memory_space<hbm>> -> memref<64xi32, #tpu.memory_space<hbm>>
    %dma_start3A_3 = tpu.memref_slice %arg2[%mul3A_2] : memref<5184xi32, #tpu.memory_space<hbm>> -> memref<64xi32, #tpu.memory_space<hbm>>
    tpu.enqueue_dma source(%dma_start3A_3 : memref<64xi32, #tpu.memory_space<hbm>>) target(%arg7 : memref<64xi32, #tpu.memory_space<vmem>>) target_semaphore(%arg17 : memref<!tpu.dma_semaphore, #tpu.memory_space<semaphore_mem>>)
    %mul3A_4 = arith.constant 64 : i32
    %mul3A_5 = arith.muli %add3A, %mul3A_4 : i32
    %add3A_6 = arith.constant 2048 : i32
    %add3A_7 = arith.addi %add3A_6, %mul3A_5 : i32
    %dma_start3A_8 = tpu.memref_slice %arg2[%add3A_7] : memref<5184xi32, #tpu.memory_space<hbm>> -> memref<64xi32, #tpu.memory_space<hbm>>
    %dma_start3A_9 = tpu.memref_slice %arg2[%add3A_7] : memref<5184xi32, #tpu.memory_space<hbm>> -> memref<64xi32, #tpu.memory_space<hbm>>
    tpu.enqueue_dma source(%dma_start3A_9 : memref<64xi32, #tpu.memory_space<hbm>>) target(%arg9 : memref<64xi32, #tpu.memory_space<vmem>>) target_semaphore(%arg17 : memref<!tpu.dma_semaphore, #tpu.memory_space<semaphore_mem>>)
    %mul3A_10 = arith.constant 32 : i32
    %mul3A_11 = arith.muli %add3A, %mul3A_10 : i32
    %add3A_12 = arith.constant 4096 : i32
    %add3A_13 = arith.addi %add3A_12, %mul3A_11 : i32
    %dma_start3A_14 = tpu.memref_slice %arg2[%add3A_13] : memref<5184xi32, #tpu.memory_space<hbm>> -> memref<32xi32, #tpu.memory_space<hbm>>
    %dma_start3A_15 = tpu.memref_slice %arg2[%add3A_13] : memref<5184xi32, #tpu.memory_space<hbm>> -> memref<32xi32, #tpu.memory_space<hbm>>
    tpu.enqueue_dma source(%dma_start3A_15 : memref<32xi32, #tpu.memory_space<hbm>>) target(%arg11 : memref<32xi32, #tpu.memory_space<vmem>>) target_semaphore(%arg17 : memref<!tpu.dma_semaphore, #tpu.memory_space<semaphore_mem>>)
    %lt3A = arith.constant 8 : i32
    %lt3A_16 = arith.cmpi slt, %add3A, %lt3A : i32
    %convert_element_type3A = arith.extui %lt3A_16 : i1 to i32
    %cond3A = arith.constant 0 : i32
    %cond3A_17 = arith.cmpi ne, %convert_element_type3A, %cond3A : i32
    scf.if %cond3A_17 {
      %mul3A_677 = arith.constant 8 : i32
      %mul3A_678 = arith.muli %add3A, %mul3A_677 : i32
      %add3A_679 = arith.constant 5120 : i32
      %add3A_680 = arith.addi %add3A_679, %mul3A_678 : i32
      "tpu.region"() ({
        %run_scoped3A = tpu.sem_alloc : memref<!tpu.dma_semaphore, #tpu.memory_space<semaphore_mem>>
        %dma_start3A_684 = tpu.memref_slice %arg2[%add3A_680] : memref<5184xi32, #tpu.memory_space<hbm>> -> memref<8xi32, #tpu.memory_space<hbm>>
        %dma_start3A_685 = tpu.memref_slice %arg2[%add3A_680] : memref<5184xi32, #tpu.memory_space<hbm>> -> memref<8xi32, #tpu.memory_space<hbm>>
        tpu.enqueue_dma source(%dma_start3A_685 : memref<8xi32, #tpu.memory_space<hbm>>) target(%arg13 : memref<8xi32, #tpu.memory_space<vmem>>) target_semaphore(%run_scoped3A : memref<!tpu.dma_semaphore, #tpu.memory_space<semaphore_mem>>)
        %dma_wait3A_686 = tpu.memref_slice %arg2[%add3A_680] : memref<5184xi32, #tpu.memory_space<hbm>> -> memref<8xi32, #tpu.memory_space<hbm>>
        %dma_wait3A_687 = tpu.memref_slice %arg2[%add3A_680] : memref<5184xi32, #tpu.memory_space<hbm>> -> memref<8xi32, #tpu.memory_space<hbm>>
        tpu.wait_dma2 semaphore(%run_scoped3A : memref<!tpu.dma_semaphore, #tpu.memory_space<semaphore_mem>>) src(%dma_wait3A_687 : memref<8xi32, #tpu.memory_space<hbm>>) dst(%arg13 : memref<8xi32, #tpu.memory_space<vmem>>)
        tpu.yield
      }) : () -> ()
      %dma_start3A_681 = arith.constant 0 : i32
      %dma_start3A_682 = arith.constant 0 : i32
      %dma_start3A_683 = tpu.memref_slice %arg3[%dma_start3A_681, %dma_start3A_682] : memref<100000x128xf32, #tpu.memory_space<hbm>> -> memref<100000x128xf32, #tpu.memory_space<hbm>>
      tpu.enqueue_indirect_dma source(%dma_start3A_683 : memref<100000x128xf32, #tpu.memory_space<hbm>>) target(%arg14 : memref<8x128xf32, #tpu.memory_space<vmem>>) offsets(%arg13 : memref<8xi32, #tpu.memory_space<vmem>>) semaphore(%arg18 : memref<!tpu.dma_semaphore, #tpu.memory_space<semaphore_mem>>)
    } else {
    }
    %dma_wait3A = tpu.memref_slice %arg2[%mul3A_2] : memref<5184xi32, #tpu.memory_space<hbm>> -> memref<64xi32, #tpu.memory_space<hbm>>
    %dma_wait3A_18 = tpu.memref_slice %arg2[%mul3A_2] : memref<5184xi32, #tpu.memory_space<hbm>> -> memref<64xi32, #tpu.memory_space<hbm>>
    tpu.wait_dma2 semaphore(%arg17 : memref<!tpu.dma_semaphore, #tpu.memory_space<semaphore_mem>>) src(%dma_wait3A_18 : memref<64xi32, #tpu.memory_space<hbm>>) dst(%arg7 : memref<64xi32, #tpu.memory_space<vmem>>)
    %dma_start3A_19 = arith.constant 0 : i32
    %dma_start3A_20 = arith.constant 0 : i32
    %dma_start3A_21 = tpu.memref_slice %arg3[%dma_start3A_19, %dma_start3A_20] : memref<100000x128xf32, #tpu.memory_space<hbm>> -> memref<100000x128xf32, #tpu.memory_space<hbm>>
    tpu.enqueue_indirect_dma source(%dma_start3A_21 : memref<100000x128xf32, #tpu.memory_space<hbm>>) target(%arg8 : memref<64x128xf32, #tpu.memory_space<vmem>>) offsets(%arg7 : memref<64xi32, #tpu.memory_space<vmem>>) semaphore(%arg16 : memref<!tpu.dma_semaphore, #tpu.memory_space<semaphore_mem>>)
    %dma_wait3A_22 = tpu.memref_slice %arg2[%add3A_7] : memref<5184xi32, #tpu.memory_space<hbm>> -> memref<64xi32, #tpu.memory_space<hbm>>
    %dma_wait3A_23 = tpu.memref_slice %arg2[%add3A_7] : memref<5184xi32, #tpu.memory_space<hbm>> -> memref<64xi32, #tpu.memory_space<hbm>>
    tpu.wait_dma2 semaphore(%arg17 : memref<!tpu.dma_semaphore, #tpu.memory_space<semaphore_mem>>) src(%dma_wait3A_23 : memref<64xi32, #tpu.memory_space<hbm>>) dst(%arg9 : memref<64xi32, #tpu.memory_space<vmem>>)
    %dma_start3A_24 = arith.constant 0 : i32
    %dma_start3A_25 = arith.constant 0 : i32
    %dma_start3A_26 = tpu.memref_slice %arg3[%dma_start3A_24, %dma_start3A_25] : memref<100000x128xf32, #tpu.memory_space<hbm>> -> memref<100000x128xf32, #tpu.memory_space<hbm>>
    tpu.enqueue_indirect_dma source(%dma_start3A_26 : memref<100000x128xf32, #tpu.memory_space<hbm>>) target(%arg10 : memref<64x128xf32, #tpu.memory_space<vmem>>) offsets(%arg9 : memref<64xi32, #tpu.memory_space<vmem>>) semaphore(%arg16 : memref<!tpu.dma_semaphore, #tpu.memory_space<semaphore_mem>>)
    %dma_wait3A_27 = tpu.memref_slice %arg2[%add3A_13] : memref<5184xi32, #tpu.memory_space<hbm>> -> memref<32xi32, #tpu.memory_space<hbm>>
    %dma_wait3A_28 = tpu.memref_slice %arg2[%add3A_13] : memref<5184xi32, #tpu.memory_space<hbm>> -> memref<32xi32, #tpu.memory_space<hbm>>
    tpu.wait_dma2 semaphore(%arg17 : memref<!tpu.dma_semaphore, #tpu.memory_space<semaphore_mem>>) src(%dma_wait3A_28 : memref<32xi32, #tpu.memory_space<hbm>>) dst(%arg11 : memref<32xi32, #tpu.memory_space<vmem>>)
    %dma_start3A_29 = arith.constant 0 : i32
    %dma_start3A_30 = arith.constant 0 : i32
    %dma_start3A_31 = tpu.memref_slice %arg4[%dma_start3A_29, %dma_start3A_30] : memref<1000x128xf32, #tpu.memory_space<hbm>> -> memref<1000x128xf32, #tpu.memory_space<hbm>>
    tpu.enqueue_indirect_dma source(%dma_start3A_31 : memref<1000x128xf32, #tpu.memory_space<hbm>>) target(%arg12 : memref<32x128xf32, #tpu.memory_space<vmem>>) offsets(%arg11 : memref<32xi32, #tpu.memory_space<vmem>>) semaphore(%arg16 : memref<!tpu.dma_semaphore, #tpu.memory_space<semaphore_mem>>)
    %dma_wait3A_32 = arith.constant 0 : i32
    %dma_wait3A_33 = arith.constant 0 : i32
    %dma_wait3A_34 = tpu.memref_slice %arg3[%dma_wait3A_32, %dma_wait3A_33] : memref<100000x128xf32, #tpu.memory_space<hbm>> -> memref<100000x128xf32, #tpu.memory_space<hbm>>
    tpu.wait_indirect_dma semaphore(%arg16 : memref<!tpu.dma_semaphore, #tpu.memory_space<semaphore_mem>>) src(%dma_wait3A_34 : memref<100000x128xf32, #tpu.memory_space<hbm>>) dst(%arg8 : memref<64x128xf32, #tpu.memory_space<vmem>>)
    %broadcast_in_dim3A = arith.constant 0.000000e+00 : f32
    %broadcast_in_dim3A_35 = vector.broadcast %broadcast_in_dim3A : f32 to vector<16xf32>
    %broadcast_in_dim3A_36 = arith.constant 0.000000e+00 : f32
    %broadcast_in_dim3A_37 = vector.broadcast %broadcast_in_dim3A_36 : f32 to vector<16xf32>
    %broadcast_in_dim3A_38 = arith.constant 0.000000e+00 : f32
    %broadcast_in_dim3A_39 = vector.broadcast %broadcast_in_dim3A_38 : f32 to vector<16xf32>
    %broadcast_in_dim3A_40 = arith.constant 0.000000e+00 : f32
    %broadcast_in_dim3A_41 = vector.broadcast %broadcast_in_dim3A_40 : f32 to vector<16xf32>
    %broadcast_in_dim3A_42 = arith.constant 0.000000e+00 : f32
    %broadcast_in_dim3A_43 = vector.broadcast %broadcast_in_dim3A_42 : f32 to vector<16xf32>
    %broadcast_in_dim3A_44 = arith.constant 0.000000e+00 : f32
    %broadcast_in_dim3A_45 = vector.broadcast %broadcast_in_dim3A_44 : f32 to vector<16xf32>
    %broadcast_in_dim3A_46 = arith.constant 0.000000e+00 : f32
    %broadcast_in_dim3A_47 = vector.broadcast %broadcast_in_dim3A_46 : f32 to vector<16xf32>
    %broadcast_in_dim3A_48 = arith.constant 0.000000e+00 : f32
    %broadcast_in_dim3A_49 = vector.broadcast %broadcast_in_dim3A_48 : f32 to vector<16xf32>
    %scan3A = arith.constant 0 : i32
    %scan3A_50 = arith.constant 32 : i32
    %scan3A_51 = arith.addi %scan3A, %scan3A_50 : i32
    %scan3A_52 = arith.constant 4 : i32
    %scan3A_53:8 = scf.for %scan3A_677 = %scan3A to %scan3A_51 step %scan3A_52 iter_args(%scan3A_678 = %broadcast_in_dim3A_35, %scan3A_679 = %broadcast_in_dim3A_37, %scan3A_680 = %broadcast_in_dim3A_39, %scan3A_681 = %broadcast_in_dim3A_41, %scan3A_682 = %broadcast_in_dim3A_43, %scan3A_683 = %broadcast_in_dim3A_45, %scan3A_684 = %broadcast_in_dim3A_47, %scan3A_685 = %broadcast_in_dim3A_49) -> (vector<16xf32>, vector<16xf32>, vector<16xf32>, vector<16xf32>, vector<16xf32>, vector<16xf32>, vector<16xf32>, vector<16xf32>)  : i32 {
      %add3A_686 = arith.constant 0 : i32
      %add3A_687 = arith.addi %add3A_686, %scan3A_677 : i32
      %get3A = arith.index_cast %add3A_687 : i32 to index
      %get3A_688 = arith.constant 0 : index
      %get3A_689 = tpu.vector_load %arg8[%get3A, %get3A_688] {strides = array<i32>} : memref<64x128xf32, #tpu.memory_space<vmem>>, vector<1x16xf32>,
      %get3A_690 = vector.shape_cast %get3A_689 : vector<1x16xf32> to vector<16xf32>
      %add3A_691 = arith.addf %scan3A_678, %get3A_690 : vector<16xf32>
      %add3A_692 = arith.constant 0 : i32
      %add3A_693 = arith.addi %add3A_692, %scan3A_677 : i32
      %get3A_694 = arith.index_cast %add3A_693 : i32 to index
      %get3A_695 = arith.constant 16 : index
      %get3A_696 = tpu.vector_load %arg8[%get3A_694, %get3A_695] {strides = array<i32>} : memref<64x128xf32, #tpu.memory_space<vmem>>, vector<1x16xf32>,
      %get3A_697 = vector.shape_cast %get3A_696 : vector<1x16xf32> to vector<16xf32>
      %add3A_698 = arith.addf %scan3A_679, %get3A_697 : vector<16xf32>
      %add3A_699 = arith.constant 0 : i32
      %add3A_700 = arith.addi %add3A_699, %scan3A_677 : i32
      %get3A_701 = arith.index_cast %add3A_700 : i32 to index
      %get3A_702 = arith.constant 32 : index
      %get3A_703 = tpu.vector_load %arg8[%get3A_701, %get3A_702] {strides = array<i32>} : memref<64x128xf32, #tpu.memory_space<vmem>>, vector<1x16xf32>,
      %get3A_704 = vector.shape_cast %get3A_703 : vector<1x16xf32> to vector<16xf32>
      %add3A_705 = arith.addf %scan3A_680, %get3A_704 : vector<16xf32>
      %add3A_706 = arith.constant 0 : i32
      %add3A_707 = arith.addi %add3A_706, %scan3A_677 : i32
      %get3A_708 = arith.index_cast %add3A_707 : i32 to index
      %get3A_709 = arith.constant 48 : index
      %get3A_710 = tpu.vector_load %arg8[%get3A_708, %get3A_709] {strides = array<i32>} : memref<64x128xf32, #tpu.memory_space<vmem>>, vector<1x16xf32>,
      %get3A_711 = vector.shape_cast %get3A_710 : vector<1x16xf32> to vector<16xf32>
      %add3A_712 = arith.addf %scan3A_681, %get3A_711 : vector<16xf32>
      %add3A_713 = arith.constant 0 : i32
      %add3A_714 = arith.addi %add3A_713, %scan3A_677 : i32
      %get3A_715 = arith.index_cast %add3A_714 : i32 to index
      %get3A_716 = arith.constant 64 : index
      %get3A_717 = tpu.vector_load %arg8[%get3A_715, %get3A_716] {strides = array<i32>} : memref<64x128xf32, #tpu.memory_space<vmem>>, vector<1x16xf32>,
      %get3A_718 = vector.shape_cast %get3A_717 : vector<1x16xf32> to vector<16xf32>
      %add3A_719 = arith.addf %scan3A_682, %get3A_718 : vector<16xf32>
      %add3A_720 = arith.constant 0 : i32
      %add3A_721 = arith.addi %add3A_720, %scan3A_677 : i32
      %get3A_722 = arith.index_cast %add3A_721 : i32 to index
      %get3A_723 = arith.constant 80 : index
      %get3A_724 = tpu.vector_load %arg8[%get3A_722, %get3A_723] {strides = array<i32>} : memref<64x128xf32, #tpu.memory_space<vmem>>, vector<1x16xf32>,
      %get3A_725 = vector.shape_cast %get3A_724 : vector<1x16xf32> to vector<16xf32>
      %add3A_726 = arith.addf %scan3A_683, %get3A_725 : vector<16xf32>
      %add3A_727 = arith.constant 0 : i32
      %add3A_728 = arith.addi %add3A_727, %scan3A_677 : i32
      %get3A_729 = arith.index_cast %add3A_728 : i32 to index
      %get3A_730 = arith.constant 96 : index
      %get3A_731 = tpu.vector_load %arg8[%get3A_729, %get3A_730] {strides = array<i32>} : memref<64x128xf32, #tpu.memory_space<vmem>>, vector<1x16xf32>,
      %get3A_732 = vector.shape_cast %get3A_731 : vector<1x16xf32> to vector<16xf32>
      %add3A_733 = arith.addf %scan3A_684, %get3A_732 : vector<16xf32>
      %add3A_734 = arith.constant 0 : i32
      %add3A_735 = arith.addi %add3A_734, %scan3A_677 : i32
      %get3A_736 = arith.index_cast %add3A_735 : i32 to index
      %get3A_737 = arith.constant 112 : index
      %get3A_738 = tpu.vector_load %arg8[%get3A_736, %get3A_737] {strides = array<i32>} : memref<64x128xf32, #tpu.memory_space<vmem>>, vector<1x16xf32>,
      %get3A_739 = vector.shape_cast %get3A_738 : vector<1x16xf32> to vector<16xf32>
      %add3A_740 = arith.addf %scan3A_685, %get3A_739 : vector<16xf32>
      %scan3A_741 = arith.constant 1 : i32
      %scan3A_742 = arith.addi %scan3A_677, %scan3A_741 : i32
      %add3A_743 = arith.constant 0 : i32
      %add3A_744 = arith.addi %add3A_743, %scan3A_742 : i32
      %get3A_745 = arith.index_cast %add3A_744 : i32 to index
      %get3A_746 = arith.constant 0 : index
      %get3A_747 = tpu.vector_load %arg8[%get3A_745, %get3A_746] {strides = array<i32>} : memref<64x128xf32, #tpu.memory_space<vmem>>, vector<1x16xf32>,
      %get3A_748 = vector.shape_cast %get3A_747 : vector<1x16xf32> to vector<16xf32>
      %add3A_749 = arith.addf %add3A_691, %get3A_748 : vector<16xf32>
      %add3A_750 = arith.constant 0 : i32
      %add3A_751 = arith.addi %add3A_750, %scan3A_742 : i32
      %get3A_752 = arith.index_cast %add3A_751 : i32 to index
      %get3A_753 = arith.constant 16 : index
      %get3A_754 = tpu.vector_load %arg8[%get3A_752, %get3A_753] {strides = array<i32>} : memref<64x128xf32, #tpu.memory_space<vmem>>, vector<1x16xf32>,
      %get3A_755 = vector.shape_cast %get3A_754 : vector<1x16xf32> to vector<16xf32>
      %add3A_756 = arith.addf %add3A_698, %get3A_755 : vector<16xf32>
      %add3A_757 = arith.constant 0 : i32
      %add3A_758 = arith.addi %add3A_757, %scan3A_742 : i32
      %get3A_759 = arith.index_cast %add3A_758 : i32 to index
      %get3A_760 = arith.constant 32 : index
      %get3A_761 = tpu.vector_load %arg8[%get3A_759, %get3A_760] {strides = array<i32>} : memref<64x128xf32, #tpu.memory_space<vmem>>, vector<1x16xf32>,
      %get3A_762 = vector.shape_cast %get3A_761 : vector<1x16xf32> to vector<16xf32>
      %add3A_763 = arith.addf %add3A_705, %get3A_762 : vector<16xf32>
      %add3A_764 = arith.constant 0 : i32
      %add3A_765 = arith.addi %add3A_764, %scan3A_742 : i32
      %get3A_766 = arith.index_cast %add3A_765 : i32 to index
      %get3A_767 = arith.constant 48 : index
      %get3A_768 = tpu.vector_load %arg8[%get3A_766, %get3A_767] {strides = array<i32>} : memref<64x128xf32, #tpu.memory_space<vmem>>, vector<1x16xf32>,
      %get3A_769 = vector.shape_cast %get3A_768 : vector<1x16xf32> to vector<16xf32>
      %add3A_770 = arith.addf %add3A_712, %get3A_769 : vector<16xf32>
      %add3A_771 = arith.constant 0 : i32
      %add3A_772 = arith.addi %add3A_771, %scan3A_742 : i32
      %get3A_773 = arith.index_cast %add3A_772 : i32 to index
      %get3A_774 = arith.constant 64 : index
      %get3A_775 = tpu.vector_load %arg8[%get3A_773, %get3A_774] {strides = array<i32>} : memref<64x128xf32, #tpu.memory_space<vmem>>, vector<1x16xf32>,
      %get3A_776 = vector.shape_cast %get3A_775 : vector<1x16xf32> to vector<16xf32>
      %add3A_777 = arith.addf %add3A_719, %get3A_776 : vector<16xf32>
      %add3A_778 = arith.constant 0 : i32
      %add3A_779 = arith.addi %add3A_778, %scan3A_742 : i32
      %get3A_780 = arith.index_cast %add3A_779 : i32 to index
      %get3A_781 = arith.constant 80 : index
      %get3A_782 = tpu.vector_load %arg8[%get3A_780, %get3A_781] {strides = array<i32>} : memref<64x128xf32, #tpu.memory_space<vmem>>, vector<1x16xf32>,
      %get3A_783 = vector.shape_cast %get3A_782 : vector<1x16xf32> to vector<16xf32>
      %add3A_784 = arith.addf %add3A_726, %get3A_783 : vector<16xf32>
      %add3A_785 = arith.constant 0 : i32
      %add3A_786 = arith.addi %add3A_785, %scan3A_742 : i32
      %get3A_787 = arith.index_cast %add3A_786 : i32 to index
      %get3A_788 = arith.constant 96 : index
      %get3A_789 = tpu.vector_load %arg8[%get3A_787, %get3A_788] {strides = array<i32>} : memref<64x128xf32, #tpu.memory_space<vmem>>, vector<1x16xf32>,
      %get3A_790 = vector.shape_cast %get3A_789 : vector<1x16xf32> to vector<16xf32>
      %add3A_791 = arith.addf %add3A_733, %get3A_790 : vector<16xf32>
      %add3A_792 = arith.constant 0 : i32
      %add3A_793 = arith.addi %add3A_792, %scan3A_742 : i32
      %get3A_794 = arith.index_cast %add3A_793 : i32 to index
      %get3A_795 = arith.constant 112 : index
      %get3A_796 = tpu.vector_load %arg8[%get3A_794, %get3A_795] {strides = array<i32>} : memref<64x128xf32, #tpu.memory_space<vmem>>, vector<1x16xf32>,
      %get3A_797 = vector.shape_cast %get3A_796 : vector<1x16xf32> to vector<16xf32>
      %add3A_798 = arith.addf %add3A_740, %get3A_797 : vector<16xf32>
      %scan3A_799 = arith.constant 2 : i32
      %scan3A_800 = arith.addi %scan3A_677, %scan3A_799 : i32
      %add3A_801 = arith.constant 0 : i32
      %add3A_802 = arith.addi %add3A_801, %scan3A_800 : i32
      %get3A_803 = arith.index_cast %add3A_802 : i32 to index
      %get3A_804 = arith.constant 0 : index
      %get3A_805 = tpu.vector_load %arg8[%get3A_803, %get3A_804] {strides = array<i32>} : memref<64x128xf32, #tpu.memory_space<vmem>>, vector<1x16xf32>,
      %get3A_806 = vector.shape_cast %get3A_805 : vector<1x16xf32> to vector<16xf32>
      %add3A_807 = arith.addf %add3A_749, %get3A_806 : vector<16xf32>
      %add3A_808 = arith.constant 0 : i32
      %add3A_809 = arith.addi %add3A_808, %scan3A_800 : i32
      %get3A_810 = arith.index_cast %add3A_809 : i32 to index
      %get3A_811 = arith.constant 16 : index
      %get3A_812 = tpu.vector_load %arg8[%get3A_810, %get3A_811] {strides = array<i32>} : memref<64x128xf32, #tpu.memory_space<vmem>>, vector<1x16xf32>,
      %get3A_813 = vector.shape_cast %get3A_812 : vector<1x16xf32> to vector<16xf32>
      %add3A_814 = arith.addf %add3A_756, %get3A_813 : vector<16xf32>
      %add3A_815 = arith.constant 0 : i32
      %add3A_816 = arith.addi %add3A_815, %scan3A_800 : i32
      %get3A_817 = arith.index_cast %add3A_816 : i32 to index
      %get3A_818 = arith.constant 32 : index
      %get3A_819 = tpu.vector_load %arg8[%get3A_817, %get3A_818] {strides = array<i32>} : memref<64x128xf32, #tpu.memory_space<vmem>>, vector<1x16xf32>,
      %get3A_820 = vector.shape_cast %get3A_819 : vector<1x16xf32> to vector<16xf32>
      %add3A_821 = arith.addf %add3A_763, %get3A_820 : vector<16xf32>
      %add3A_822 = arith.constant 0 : i32
      %add3A_823 = arith.addi %add3A_822, %scan3A_800 : i32
      %get3A_824 = arith.index_cast %add3A_823 : i32 to index
      %get3A_825 = arith.constant 48 : index
      %get3A_826 = tpu.vector_load %arg8[%get3A_824, %get3A_825] {strides = array<i32>} : memref<64x128xf32, #tpu.memory_space<vmem>>, vector<1x16xf32>,
      %get3A_827 = vector.shape_cast %get3A_826 : vector<1x16xf32> to vector<16xf32>
      %add3A_828 = arith.addf %add3A_770, %get3A_827 : vector<16xf32>
      %add3A_829 = arith.constant 0 : i32
      %add3A_830 = arith.addi %add3A_829, %scan3A_800 : i32
      %get3A_831 = arith.index_cast %add3A_830 : i32 to index
      %get3A_832 = arith.constant 64 : index
      %get3A_833 = tpu.vector_load %arg8[%get3A_831, %get3A_832] {strides = array<i32>} : memref<64x128xf32, #tpu.memory_space<vmem>>, vector<1x16xf32>,
      %get3A_834 = vector.shape_cast %get3A_833 : vector<1x16xf32> to vector<16xf32>
      %add3A_835 = arith.addf %add3A_777, %get3A_834 : vector<16xf32>
      %add3A_836 = arith.constant 0 : i32
      %add3A_837 = arith.addi %add3A_836, %scan3A_800 : i32
      %get3A_838 = arith.index_cast %add3A_837 : i32 to index
      %get3A_839 = arith.constant 80 : index
      %get3A_840 = tpu.vector_load %arg8[%get3A_838, %get3A_839] {strides = array<i32>} : memref<64x128xf32, #tpu.memory_space<vmem>>, vector<1x16xf32>,
      %get3A_841 = vector.shape_cast %get3A_840 : vector<1x16xf32> to vector<16xf32>
      %add3A_842 = arith.addf %add3A_784, %get3A_841 : vector<16xf32>
      %add3A_843 = arith.constant 0 : i32
      %add3A_844 = arith.addi %add3A_843, %scan3A_800 : i32
      %get3A_845 = arith.index_cast %add3A_844 : i32 to index
      %get3A_846 = arith.constant 96 : index
      %get3A_847 = tpu.vector_load %arg8[%get3A_845, %get3A_846] {strides = array<i32>} : memref<64x128xf32, #tpu.memory_space<vmem>>, vector<1x16xf32>,
      %get3A_848 = vector.shape_cast %get3A_847 : vector<1x16xf32> to vector<16xf32>
      %add3A_849 = arith.addf %add3A_791, %get3A_848 : vector<16xf32>
      %add3A_850 = arith.constant 0 : i32
      %add3A_851 = arith.addi %add3A_850, %scan3A_800 : i32
      %get3A_852 = arith.index_cast %add3A_851 : i32 to index
      %get3A_853 = arith.constant 112 : index
      %get3A_854 = tpu.vector_load %arg8[%get3A_852, %get3A_853] {strides = array<i32>} : memref<64x128xf32, #tpu.memory_space<vmem>>, vector<1x16xf32>,
      %get3A_855 = vector.shape_cast %get3A_854 : vector<1x16xf32> to vector<16xf32>
      %add3A_856 = arith.addf %add3A_798, %get3A_855 : vector<16xf32>
      %scan3A_857 = arith.constant 3 : i32
      %scan3A_858 = arith.addi %scan3A_677, %scan3A_857 : i32
      %add3A_859 = arith.constant 0 : i32
      %add3A_860 = arith.addi %add3A_859, %scan3A_858 : i32
      %get3A_861 = arith.index_cast %add3A_860 : i32 to index
      %get3A_862 = arith.constant 0 : index
      %get3A_863 = tpu.vector_load %arg8[%get3A_861, %get3A_862] {strides = array<i32>} : memref<64x128xf32, #tpu.memory_space<vmem>>, vector<1x16xf32>,
      %get3A_864 = vector.shape_cast %get3A_863 : vector<1x16xf32> to vector<16xf32>
      %add3A_865 = arith.addf %add3A_807, %get3A_864 : vector<16xf32>
      %add3A_866 = arith.constant 0 : i32
      %add3A_867 = arith.addi %add3A_866, %scan3A_858 : i32
      %get3A_868 = arith.index_cast %add3A_867 : i32 to index
      %get3A_869 = arith.constant 16 : index
      %get3A_870 = tpu.vector_load %arg8[%get3A_868, %get3A_869] {strides = array<i32>} : memref<64x128xf32, #tpu.memory_space<vmem>>, vector<1x16xf32>,
      %get3A_871 = vector.shape_cast %get3A_870 : vector<1x16xf32> to vector<16xf32>
      %add3A_872 = arith.addf %add3A_814, %get3A_871 : vector<16xf32>
      %add3A_873 = arith.constant 0 : i32
      %add3A_874 = arith.addi %add3A_873, %scan3A_858 : i32
      %get3A_875 = arith.index_cast %add3A_874 : i32 to index
      %get3A_876 = arith.constant 32 : index
      %get3A_877 = tpu.vector_load %arg8[%get3A_875, %get3A_876] {strides = array<i32>} : memref<64x128xf32, #tpu.memory_space<vmem>>, vector<1x16xf32>,
      %get3A_878 = vector.shape_cast %get3A_877 : vector<1x16xf32> to vector<16xf32>
      %add3A_879 = arith.addf %add3A_821, %get3A_878 : vector<16xf32>
      %add3A_880 = arith.constant 0 : i32
      %add3A_881 = arith.addi %add3A_880, %scan3A_858 : i32
      %get3A_882 = arith.index_cast %add3A_881 : i32 to index
      %get3A_883 = arith.constant 48 : index
      %get3A_884 = tpu.vector_load %arg8[%get3A_882, %get3A_883] {strides = array<i32>} : memref<64x128xf32, #tpu.memory_space<vmem>>, vector<1x16xf32>,
      %get3A_885 = vector.shape_cast %get3A_884 : vector<1x16xf32> to vector<16xf32>
      %add3A_886 = arith.addf %add3A_828, %get3A_885 : vector<16xf32>
      %add3A_887 = arith.constant 0 : i32
      %add3A_888 = arith.addi %add3A_887, %scan3A_858 : i32
      %get3A_889 = arith.index_cast %add3A_888 : i32 to index
      %get3A_890 = arith.constant 64 : index
      %get3A_891 = tpu.vector_load %arg8[%get3A_889, %get3A_890] {strides = array<i32>} : memref<64x128xf32, #tpu.memory_space<vmem>>, vector<1x16xf32>,
      %get3A_892 = vector.shape_cast %get3A_891 : vector<1x16xf32> to vector<16xf32>
      %add3A_893 = arith.addf %add3A_835, %get3A_892 : vector<16xf32>
      %add3A_894 = arith.constant 0 : i32
      %add3A_895 = arith.addi %add3A_894, %scan3A_858 : i32
      %get3A_896 = arith.index_cast %add3A_895 : i32 to index
      %get3A_897 = arith.constant 80 : index
      %get3A_898 = tpu.vector_load %arg8[%get3A_896, %get3A_897] {strides = array<i32>} : memref<64x128xf32, #tpu.memory_space<vmem>>, vector<1x16xf32>,
      %get3A_899 = vector.shape_cast %get3A_898 : vector<1x16xf32> to vector<16xf32>
      %add3A_900 = arith.addf %add3A_842, %get3A_899 : vector<16xf32>
      %add3A_901 = arith.constant 0 : i32
      %add3A_902 = arith.addi %add3A_901, %scan3A_858 : i32
      %get3A_903 = arith.index_cast %add3A_902 : i32 to index
      %get3A_904 = arith.constant 96 : index
      %get3A_905 = tpu.vector_load %arg8[%get3A_903, %get3A_904] {strides = array<i32>} : memref<64x128xf32, #tpu.memory_space<vmem>>, vector<1x16xf32>,
      %get3A_906 = vector.shape_cast %get3A_905 : vector<1x16xf32> to vector<16xf32>
      %add3A_907 = arith.addf %add3A_849, %get3A_906 : vector<16xf32>
      %add3A_908 = arith.constant 0 : i32
      %add3A_909 = arith.addi %add3A_908, %scan3A_858 : i32
      %get3A_910 = arith.index_cast %add3A_909 : i32 to index
      %get3A_911 = arith.constant 112 : index
      %get3A_912 = tpu.vector_load %arg8[%get3A_910, %get3A_911] {strides = array<i32>} : memref<64x128xf32, #tpu.memory_space<vmem>>, vector<1x16xf32>,
      %get3A_913 = vector.shape_cast %get3A_912 : vector<1x16xf32> to vector<16xf32>
      %add3A_914 = arith.addf %add3A_856, %get3A_913 : vector<16xf32>
      scf.yield %add3A_865, %add3A_872, %add3A_879, %add3A_886, %add3A_893, %add3A_900, %add3A_907, %add3A_914 : vector<16xf32>, vector<16xf32>, vector<16xf32>, vector<16xf32>, vector<16xf32>, vector<16xf32>, vector<16xf32>, vector<16xf32>
    }
    %scan3A_54 = arith.constant 32 : i32
    %mul3A_55 = arith.constant 3.125000e-02 : f32
    %mul3A_56 = vector.broadcast %mul3A_55 : f32 to vector<16xf32>
    %mul3A_57 = arith.mulf %scan3A_53#0, %mul3A_56 : vector<16xf32>
    %swap3A = arith.constant 0 : i32
    %swap3A_58 = arith.index_cast %swap3A : i32 to index
    %swap3A_59 = arith.constant 0 : index
    %swap3A_60 = tpu.vector_load %arg15[%swap3A_58, %swap3A_59] {strides = array<i32>} : memref<6x128xf32, #tpu.memory_space<vmem>>, vector<1x16xf32>,
    %swap3A_61 = vector.shape_cast %swap3A_60 : vector<1x16xf32> to vector<16xf32>
    %swap3A_62 = vector.shape_cast %mul3A_57 : vector<16xf32> to vector<1x16xf32>
    tpu.vector_store %arg15[%swap3A_58, %swap3A_59], %swap3A_62 {strides = array<i32>} : memref<6x128xf32, #tpu.memory_space<vmem>>, vector<1x16xf32>,
    %mul3A_63 = arith.constant 3.125000e-02 : f32
    %mul3A_64 = vector.broadcast %mul3A_63 : f32 to vector<16xf32>
    %mul3A_65 = arith.mulf %scan3A_53#1, %mul3A_64 : vector<16xf32>
    %swap3A_66 = arith.constant 0 : i32
    %swap3A_67 = arith.index_cast %swap3A_66 : i32 to index
    %swap3A_68 = arith.constant 16 : index
    %swap3A_69 = tpu.vector_load %arg15[%swap3A_67, %swap3A_68] {strides = array<i32>} : memref<6x128xf32, #tpu.memory_space<vmem>>, vector<1x16xf32>,
    %swap3A_70 = vector.shape_cast %swap3A_69 : vector<1x16xf32> to vector<16xf32>
    %swap3A_71 = vector.shape_cast %mul3A_65 : vector<16xf32> to vector<1x16xf32>
    tpu.vector_store %arg15[%swap3A_67, %swap3A_68], %swap3A_71 {strides = array<i32>} : memref<6x128xf32, #tpu.memory_space<vmem>>, vector<1x16xf32>,
    %mul3A_72 = arith.constant 3.125000e-02 : f32
    %mul3A_73 = vector.broadcast %mul3A_72 : f32 to vector<16xf32>
    %mul3A_74 = arith.mulf %scan3A_53#2, %mul3A_73 : vector<16xf32>
    %swap3A_75 = arith.constant 0 : i32
    %swap3A_76 = arith.index_cast %swap3A_75 : i32 to index
    %swap3A_77 = arith.constant 32 : index
    %swap3A_78 = tpu.vector_load %arg15[%swap3A_76, %swap3A_77] {strides = array<i32>} : memref<6x128xf32, #tpu.memory_space<vmem>>, vector<1x16xf32>,
    %swap3A_79 = vector.shape_cast %swap3A_78 : vector<1x16xf32> to vector<16xf32>
    %swap3A_80 = vector.shape_cast %mul3A_74 : vector<16xf32> to vector<1x16xf32>
    tpu.vector_store %arg15[%swap3A_76, %swap3A_77], %swap3A_80 {strides = array<i32>} : memref<6x128xf32, #tpu.memory_space<vmem>>, vector<1x16xf32>,
    %mul3A_81 = arith.constant 3.125000e-02 : f32
    %mul3A_82 = vector.broadcast %mul3A_81 : f32 to vector<16xf32>
    %mul3A_83 = arith.mulf %scan3A_53#3, %mul3A_82 : vector<16xf32>
    %swap3A_84 = arith.constant 0 : i32
    %swap3A_85 = arith.index_cast %swap3A_84 : i32 to index
    %swap3A_86 = arith.constant 48 : index
    %swap3A_87 = tpu.vector_load %arg15[%swap3A_85, %swap3A_86] {strides = array<i32>} : memref<6x128xf32, #tpu.memory_space<vmem>>, vector<1x16xf32>,
    %swap3A_88 = vector.shape_cast %swap3A_87 : vector<1x16xf32> to vector<16xf32>
    %swap3A_89 = vector.shape_cast %mul3A_83 : vector<16xf32> to vector<1x16xf32>
    tpu.vector_store %arg15[%swap3A_85, %swap3A_86], %swap3A_89 {strides = array<i32>} : memref<6x128xf32, #tpu.memory_space<vmem>>, vector<1x16xf32>,
    %mul3A_90 = arith.constant 3.125000e-02 : f32
    %mul3A_91 = vector.broadcast %mul3A_90 : f32 to vector<16xf32>
    %mul3A_92 = arith.mulf %scan3A_53#4, %mul3A_91 : vector<16xf32>
    %swap3A_93 = arith.constant 0 : i32
    %swap3A_94 = arith.index_cast %swap3A_93 : i32 to index
    %swap3A_95 = arith.constant 64 : index
    %swap3A_96 = tpu.vector_load %arg15[%swap3A_94, %swap3A_95] {strides = array<i32>} : memref<6x128xf32, #tpu.memory_space<vmem>>, vector<1x16xf32>,
    %swap3A_97 = vector.shape_cast %swap3A_96 : vector<1x16xf32> to vector<16xf32>
    %swap3A_98 = vector.shape_cast %mul3A_92 : vector<16xf32> to vector<1x16xf32>
    tpu.vector_store %arg15[%swap3A_94, %swap3A_95], %swap3A_98 {strides = array<i32>} : memref<6x128xf32, #tpu.memory_space<vmem>>, vector<1x16xf32>,
    %mul3A_99 = arith.constant 3.125000e-02 : f32
    %mul3A_100 = vector.broadcast %mul3A_99 : f32 to vector<16xf32>
    %mul3A_101 = arith.mulf %scan3A_53#5, %mul3A_100 : vector<16xf32>
    %swap3A_102 = arith.constant 0 : i32
    %swap3A_103 = arith.index_cast %swap3A_102 : i32 to index
    %swap3A_104 = arith.constant 80 : index
    %swap3A_105 = tpu.vector_load %arg15[%swap3A_103, %swap3A_104] {strides = array<i32>} : memref<6x128xf32, #tpu.memory_space<vmem>>, vector<1x16xf32>,
    %swap3A_106 = vector.shape_cast %swap3A_105 : vector<1x16xf32> to vector<16xf32>
    %swap3A_107 = vector.shape_cast %mul3A_101 : vector<16xf32> to vector<1x16xf32>
    tpu.vector_store %arg15[%swap3A_103, %swap3A_104], %swap3A_107 {strides = array<i32>} : memref<6x128xf32, #tpu.memory_space<vmem>>, vector<1x16xf32>,
    %mul3A_108 = arith.constant 3.125000e-02 : f32
    %mul3A_109 = vector.broadcast %mul3A_108 : f32 to vector<16xf32>
    %mul3A_110 = arith.mulf %scan3A_53#6, %mul3A_109 : vector<16xf32>
    %swap3A_111 = arith.constant 0 : i32
    %swap3A_112 = arith.index_cast %swap3A_111 : i32 to index
    %swap3A_113 = arith.constant 96 : index
    %swap3A_114 = tpu.vector_load %arg15[%swap3A_112, %swap3A_113] {strides = array<i32>} : memref<6x128xf32, #tpu.memory_space<vmem>>, vector<1x16xf32>,
    %swap3A_115 = vector.shape_cast %swap3A_114 : vector<1x16xf32> to vector<16xf32>
    %swap3A_116 = vector.shape_cast %mul3A_110 : vector<16xf32> to vector<1x16xf32>
    tpu.vector_store %arg15[%swap3A_112, %swap3A_113], %swap3A_116 {strides = array<i32>} : memref<6x128xf32, #tpu.memory_space<vmem>>, vector<1x16xf32>,
    %mul3A_117 = arith.constant 3.125000e-02 : f32
    %mul3A_118 = vector.broadcast %mul3A_117 : f32 to vector<16xf32>
    %mul3A_119 = arith.mulf %scan3A_53#7, %mul3A_118 : vector<16xf32>
    %swap3A_120 = arith.constant 0 : i32
    %swap3A_121 = arith.index_cast %swap3A_120 : i32 to index
    %swap3A_122 = arith.constant 112 : index
    %swap3A_123 = tpu.vector_load %arg15[%swap3A_121, %swap3A_122] {strides = array<i32>} : memref<6x128xf32, #tpu.memory_space<vmem>>, vector<1x16xf32>,
    %swap3A_124 = vector.shape_cast %swap3A_123 : vector<1x16xf32> to vector<16xf32>
    %swap3A_125 = vector.shape_cast %mul3A_119 : vector<16xf32> to vector<1x16xf32>
    tpu.vector_store %arg15[%swap3A_121, %swap3A_122], %swap3A_125 {strides = array<i32>} : memref<6x128xf32, #tpu.memory_space<vmem>>, vector<1x16xf32>,
    %broadcast_in_dim3A_126 = arith.constant 0.000000e+00 : f32
    %broadcast_in_dim3A_127 = vector.broadcast %broadcast_in_dim3A_126 : f32 to vector<16xf32>
    %broadcast_in_dim3A_128 = arith.constant 0.000000e+00 : f32
    %broadcast_in_dim3A_129 = vector.broadcast %broadcast_in_dim3A_128 : f32 to vector<16xf32>
    %broadcast_in_dim3A_130 = arith.constant 0.000000e+00 : f32
    %broadcast_in_dim3A_131 = vector.broadcast %broadcast_in_dim3A_130 : f32 to vector<16xf32>
    %broadcast_in_dim3A_132 = arith.constant 0.000000e+00 : f32
    %broadcast_in_dim3A_133 = vector.broadcast %broadcast_in_dim3A_132 : f32 to vector<16xf32>
    %broadcast_in_dim3A_134 = arith.constant 0.000000e+00 : f32
    %broadcast_in_dim3A_135 = vector.broadcast %broadcast_in_dim3A_134 : f32 to vector<16xf32>
    %broadcast_in_dim3A_136 = arith.constant 0.000000e+00 : f32
    %broadcast_in_dim3A_137 = vector.broadcast %broadcast_in_dim3A_136 : f32 to vector<16xf32>
    %broadcast_in_dim3A_138 = arith.constant 0.000000e+00 : f32
    %broadcast_in_dim3A_139 = vector.broadcast %broadcast_in_dim3A_138 : f32 to vector<16xf32>
    %broadcast_in_dim3A_140 = arith.constant 0.000000e+00 : f32
    %broadcast_in_dim3A_141 = vector.broadcast %broadcast_in_dim3A_140 : f32 to vector<16xf32>
    %scan3A_142 = arith.constant 0 : i32
    %scan3A_143 = arith.constant 32 : i32
    %scan3A_144 = arith.addi %scan3A_142, %scan3A_143 : i32
    %scan3A_145 = arith.constant 4 : i32
    %scan3A_146:8 = scf.for %scan3A_677 = %scan3A_142 to %scan3A_144 step %scan3A_145 iter_args(%scan3A_678 = %broadcast_in_dim3A_127, %scan3A_679 = %broadcast_in_dim3A_129, %scan3A_680 = %broadcast_in_dim3A_131, %scan3A_681 = %broadcast_in_dim3A_133, %scan3A_682 = %broadcast_in_dim3A_135, %scan3A_683 = %broadcast_in_dim3A_137, %scan3A_684 = %broadcast_in_dim3A_139, %scan3A_685 = %broadcast_in_dim3A_141) -> (vector<16xf32>, vector<16xf32>, vector<16xf32>, vector<16xf32>, vector<16xf32>, vector<16xf32>, vector<16xf32>, vector<16xf32>)  : i32 {
      %add3A_686 = arith.constant 32 : i32
      %add3A_687 = arith.addi %add3A_686, %scan3A_677 : i32
      %get3A = arith.index_cast %add3A_687 : i32 to index
      %get3A_688 = arith.constant 0 : index
      %get3A_689 = tpu.vector_load %arg8[%get3A, %get3A_688] {strides = array<i32>} : memref<64x128xf32, #tpu.memory_space<vmem>>, vector<1x16xf32>,
      %get3A_690 = vector.shape_cast %get3A_689 : vector<1x16xf32> to vector<16xf32>
      %add3A_691 = arith.addf %scan3A_678, %get3A_690 : vector<16xf32>
      %add3A_692 = arith.constant 32 : i32
      %add3A_693 = arith.addi %add3A_692, %scan3A_677 : i32
      %get3A_694 = arith.index_cast %add3A_693 : i32 to index
      %get3A_695 = arith.constant 16 : index
      %get3A_696 = tpu.vector_load %arg8[%get3A_694, %get3A_695] {strides = array<i32>} : memref<64x128xf32, #tpu.memory_space<vmem>>, vector<1x16xf32>,
      %get3A_697 = vector.shape_cast %get3A_696 : vector<1x16xf32> to vector<16xf32>
      %add3A_698 = arith.addf %scan3A_679, %get3A_697 : vector<16xf32>
      %add3A_699 = arith.constant 32 : i32
      %add3A_700 = arith.addi %add3A_699, %scan3A_677 : i32
      %get3A_701 = arith.index_cast %add3A_700 : i32 to index
      %get3A_702 = arith.constant 32 : index
      %get3A_703 = tpu.vector_load %arg8[%get3A_701, %get3A_702] {strides = array<i32>} : memref<64x128xf32, #tpu.memory_space<vmem>>, vector<1x16xf32>,
      %get3A_704 = vector.shape_cast %get3A_703 : vector<1x16xf32> to vector<16xf32>
      %add3A_705 = arith.addf %scan3A_680, %get3A_704 : vector<16xf32>
      %add3A_706 = arith.constant 32 : i32
      %add3A_707 = arith.addi %add3A_706, %scan3A_677 : i32
      %get3A_708 = arith.index_cast %add3A_707 : i32 to index
      %get3A_709 = arith.constant 48 : index
      %get3A_710 = tpu.vector_load %arg8[%get3A_708, %get3A_709] {strides = array<i32>} : memref<64x128xf32, #tpu.memory_space<vmem>>, vector<1x16xf32>,
      %get3A_711 = vector.shape_cast %get3A_710 : vector<1x16xf32> to vector<16xf32>
      %add3A_712 = arith.addf %scan3A_681, %get3A_711 : vector<16xf32>
      %add3A_713 = arith.constant 32 : i32
      %add3A_714 = arith.addi %add3A_713, %scan3A_677 : i32
      %get3A_715 = arith.index_cast %add3A_714 : i32 to index
      %get3A_716 = arith.constant 64 : index
      %get3A_717 = tpu.vector_load %arg8[%get3A_715, %get3A_716] {strides = array<i32>} : memref<64x128xf32, #tpu.memory_space<vmem>>, vector<1x16xf32>,
      %get3A_718 = vector.shape_cast %get3A_717 : vector<1x16xf32> to vector<16xf32>
      %add3A_719 = arith.addf %scan3A_682, %get3A_718 : vector<16xf32>
      %add3A_720 = arith.constant 32 : i32
      %add3A_721 = arith.addi %add3A_720, %scan3A_677 : i32
      %get3A_722 = arith.index_cast %add3A_721 : i32 to index
      %get3A_723 = arith.constant 80 : index
      %get3A_724 = tpu.vector_load %arg8[%get3A_722, %get3A_723] {strides = array<i32>} : memref<64x128xf32, #tpu.memory_space<vmem>>, vector<1x16xf32>,
      %get3A_725 = vector.shape_cast %get3A_724 : vector<1x16xf32> to vector<16xf32>
      %add3A_726 = arith.addf %scan3A_683, %get3A_725 : vector<16xf32>
      %add3A_727 = arith.constant 32 : i32
      %add3A_728 = arith.addi %add3A_727, %scan3A_677 : i32
      %get3A_729 = arith.index_cast %add3A_728 : i32 to index
      %get3A_730 = arith.constant 96 : index
      %get3A_731 = tpu.vector_load %arg8[%get3A_729, %get3A_730] {strides = array<i32>} : memref<64x128xf32, #tpu.memory_space<vmem>>, vector<1x16xf32>,
      %get3A_732 = vector.shape_cast %get3A_731 : vector<1x16xf32> to vector<16xf32>
      %add3A_733 = arith.addf %scan3A_684, %get3A_732 : vector<16xf32>
      %add3A_734 = arith.constant 32 : i32
      %add3A_735 = arith.addi %add3A_734, %scan3A_677 : i32
      %get3A_736 = arith.index_cast %add3A_735 : i32 to index
      %get3A_737 = arith.constant 112 : index
      %get3A_738 = tpu.vector_load %arg8[%get3A_736, %get3A_737] {strides = array<i32>} : memref<64x128xf32, #tpu.memory_space<vmem>>, vector<1x16xf32>,
      %get3A_739 = vector.shape_cast %get3A_738 : vector<1x16xf32> to vector<16xf32>
      %add3A_740 = arith.addf %scan3A_685, %get3A_739 : vector<16xf32>
      %scan3A_741 = arith.constant 1 : i32
      %scan3A_742 = arith.addi %scan3A_677, %scan3A_741 : i32
      %add3A_743 = arith.constant 32 : i32
      %add3A_744 = arith.addi %add3A_743, %scan3A_742 : i32
      %get3A_745 = arith.index_cast %add3A_744 : i32 to index
      %get3A_746 = arith.constant 0 : index
      %get3A_747 = tpu.vector_load %arg8[%get3A_745, %get3A_746] {strides = array<i32>} : memref<64x128xf32, #tpu.memory_space<vmem>>, vector<1x16xf32>,
      %get3A_748 = vector.shape_cast %get3A_747 : vector<1x16xf32> to vector<16xf32>
      %add3A_749 = arith.addf %add3A_691, %get3A_748 : vector<16xf32>
      %add3A_750 = arith.constant 32 : i32
      %add3A_751 = arith.addi %add3A_750, %scan3A_742 : i32
      %get3A_752 = arith.index_cast %add3A_751 : i32 to index
      %get3A_753 = arith.constant 16 : index
      %get3A_754 = tpu.vector_load %arg8[%get3A_752, %get3A_753] {strides = array<i32>} : memref<64x128xf32, #tpu.memory_space<vmem>>, vector<1x16xf32>,
      %get3A_755 = vector.shape_cast %get3A_754 : vector<1x16xf32> to vector<16xf32>
      %add3A_756 = arith.addf %add3A_698, %get3A_755 : vector<16xf32>
      %add3A_757 = arith.constant 32 : i32
      %add3A_758 = arith.addi %add3A_757, %scan3A_742 : i32
      %get3A_759 = arith.index_cast %add3A_758 : i32 to index
      %get3A_760 = arith.constant 32 : index
      %get3A_761 = tpu.vector_load %arg8[%get3A_759, %get3A_760] {strides = array<i32>} : memref<64x128xf32, #tpu.memory_space<vmem>>, vector<1x16xf32>,
      %get3A_762 = vector.shape_cast %get3A_761 : vector<1x16xf32> to vector<16xf32>
      %add3A_763 = arith.addf %add3A_705, %get3A_762 : vector<16xf32>
      %add3A_764 = arith.constant 32 : i32
      %add3A_765 = arith.addi %add3A_764, %scan3A_742 : i32
      %get3A_766 = arith.index_cast %add3A_765 : i32 to index
      %get3A_767 = arith.constant 48 : index
      %get3A_768 = tpu.vector_load %arg8[%get3A_766, %get3A_767] {strides = array<i32>} : memref<64x128xf32, #tpu.memory_space<vmem>>, vector<1x16xf32>,
      %get3A_769 = vector.shape_cast %get3A_768 : vector<1x16xf32> to vector<16xf32>
      %add3A_770 = arith.addf %add3A_712, %get3A_769 : vector<16xf32>
      %add3A_771 = arith.constant 32 : i32
      %add3A_772 = arith.addi %add3A_771, %scan3A_742 : i32
      %get3A_773 = arith.index_cast %add3A_772 : i32 to index
      %get3A_774 = arith.constant 64 : index
      %get3A_775 = tpu.vector_load %arg8[%get3A_773, %get3A_774] {strides = array<i32>} : memref<64x128xf32, #tpu.memory_space<vmem>>, vector<1x16xf32>,
      %get3A_776 = vector.shape_cast %get3A_775 : vector<1x16xf32> to vector<16xf32>
      %add3A_777 = arith.addf %add3A_719, %get3A_776 : vector<16xf32>
      %add3A_778 = arith.constant 32 : i32
      %add3A_779 = arith.addi %add3A_778, %scan3A_742 : i32
      %get3A_780 = arith.index_cast %add3A_779 : i32 to index
      %get3A_781 = arith.constant 80 : index
      %get3A_782 = tpu.vector_load %arg8[%get3A_780, %get3A_781] {strides = array<i32>} : memref<64x128xf32, #tpu.memory_space<vmem>>, vector<1x16xf32>,
      %get3A_783 = vector.shape_cast %get3A_782 : vector<1x16xf32> to vector<16xf32>
      %add3A_784 = arith.addf %add3A_726, %get3A_783 : vector<16xf32>
      %add3A_785 = arith.constant 32 : i32
      %add3A_786 = arith.addi %add3A_785, %scan3A_742 : i32
      %get3A_787 = arith.index_cast %add3A_786 : i32 to index
      %get3A_788 = arith.constant 96 : index
      %get3A_789 = tpu.vector_load %arg8[%get3A_787, %get3A_788] {strides = array<i32>} : memref<64x128xf32, #tpu.memory_space<vmem>>, vector<1x16xf32>,
      %get3A_790 = vector.shape_cast %get3A_789 : vector<1x16xf32> to vector<16xf32>
      %add3A_791 = arith.addf %add3A_733, %get3A_790 : vector<16xf32>
      %add3A_792 = arith.constant 32 : i32
      %add3A_793 = arith.addi %add3A_792, %scan3A_742 : i32
      %get3A_794 = arith.index_cast %add3A_793 : i32 to index
      %get3A_795 = arith.constant 112 : index
      %get3A_796 = tpu.vector_load %arg8[%get3A_794, %get3A_795] {strides = array<i32>} : memref<64x128xf32, #tpu.memory_space<vmem>>, vector<1x16xf32>,
      %get3A_797 = vector.shape_cast %get3A_796 : vector<1x16xf32> to vector<16xf32>
      %add3A_798 = arith.addf %add3A_740, %get3A_797 : vector<16xf32>
      %scan3A_799 = arith.constant 2 : i32
      %scan3A_800 = arith.addi %scan3A_677, %scan3A_799 : i32
      %add3A_801 = arith.constant 32 : i32
      %add3A_802 = arith.addi %add3A_801, %scan3A_800 : i32
      %get3A_803 = arith.index_cast %add3A_802 : i32 to index
      %get3A_804 = arith.constant 0 : index
      %get3A_805 = tpu.vector_load %arg8[%get3A_803, %get3A_804] {strides = array<i32>} : memref<64x128xf32, #tpu.memory_space<vmem>>, vector<1x16xf32>,
      %get3A_806 = vector.shape_cast %get3A_805 : vector<1x16xf32> to vector<16xf32>
      %add3A_807 = arith.addf %add3A_749, %get3A_806 : vector<16xf32>
      %add3A_808 = arith.constant 32 : i32
      %add3A_809 = arith.addi %add3A_808, %scan3A_800 : i32
      %get3A_810 = arith.index_cast %add3A_809 : i32 to index
      %get3A_811 = arith.constant 16 : index
      %get3A_812 = tpu.vector_load %arg8[%get3A_810, %get3A_811] {strides = array<i32>} : memref<64x128xf32, #tpu.memory_space<vmem>>, vector<1x16xf32>,
      %get3A_813 = vector.shape_cast %get3A_812 : vector<1x16xf32> to vector<16xf32>
      %add3A_814 = arith.addf %add3A_756, %get3A_813 : vector<16xf32>
      %add3A_815 = arith.constant 32 : i32
      %add3A_816 = arith.addi %add3A_815, %scan3A_800 : i32
      %get3A_817 = arith.index_cast %add3A_816 : i32 to index
      %get3A_818 = arith.constant 32 : index
      %get3A_819 = tpu.vector_load %arg8[%get3A_817, %get3A_818] {strides = array<i32>} : memref<64x128xf32, #tpu.memory_space<vmem>>, vector<1x16xf32>,
      %get3A_820 = vector.shape_cast %get3A_819 : vector<1x16xf32> to vector<16xf32>
      %add3A_821 = arith.addf %add3A_763, %get3A_820 : vector<16xf32>
      %add3A_822 = arith.constant 32 : i32
      %add3A_823 = arith.addi %add3A_822, %scan3A_800 : i32
      %get3A_824 = arith.index_cast %add3A_823 : i32 to index
      %get3A_825 = arith.constant 48 : index
      %get3A_826 = tpu.vector_load %arg8[%get3A_824, %get3A_825] {strides = array<i32>} : memref<64x128xf32, #tpu.memory_space<vmem>>, vector<1x16xf32>,
      %get3A_827 = vector.shape_cast %get3A_826 : vector<1x16xf32> to vector<16xf32>
      %add3A_828 = arith.addf %add3A_770, %get3A_827 : vector<16xf32>
      %add3A_829 = arith.constant 32 : i32
      %add3A_830 = arith.addi %add3A_829, %scan3A_800 : i32
      %get3A_831 = arith.index_cast %add3A_830 : i32 to index
      %get3A_832 = arith.constant 64 : index
      %get3A_833 = tpu.vector_load %arg8[%get3A_831, %get3A_832] {strides = array<i32>} : memref<64x128xf32, #tpu.memory_space<vmem>>, vector<1x16xf32>,
      %get3A_834 = vector.shape_cast %get3A_833 : vector<1x16xf32> to vector<16xf32>
      %add3A_835 = arith.addf %add3A_777, %get3A_834 : vector<16xf32>
      %add3A_836 = arith.constant 32 : i32
      %add3A_837 = arith.addi %add3A_836, %scan3A_800 : i32
      %get3A_838 = arith.index_cast %add3A_837 : i32 to index
      %get3A_839 = arith.constant 80 : index
      %get3A_840 = tpu.vector_load %arg8[%get3A_838, %get3A_839] {strides = array<i32>} : memref<64x128xf32, #tpu.memory_space<vmem>>, vector<1x16xf32>,
      %get3A_841 = vector.shape_cast %get3A_840 : vector<1x16xf32> to vector<16xf32>
      %add3A_842 = arith.addf %add3A_784, %get3A_841 : vector<16xf32>
      %add3A_843 = arith.constant 32 : i32
      %add3A_844 = arith.addi %add3A_843, %scan3A_800 : i32
      %get3A_845 = arith.index_cast %add3A_844 : i32 to index
      %get3A_846 = arith.constant 96 : index
      %get3A_847 = tpu.vector_load %arg8[%get3A_845, %get3A_846] {strides = array<i32>} : memref<64x128xf32, #tpu.memory_space<vmem>>, vector<1x16xf32>,
      %get3A_848 = vector.shape_cast %get3A_847 : vector<1x16xf32> to vector<16xf32>
      %add3A_849 = arith.addf %add3A_791, %get3A_848 : vector<16xf32>
      %add3A_850 = arith.constant 32 : i32
      %add3A_851 = arith.addi %add3A_850, %scan3A_800 : i32
      %get3A_852 = arith.index_cast %add3A_851 : i32 to index
      %get3A_853 = arith.constant 112 : index
      %get3A_854 = tpu.vector_load %arg8[%get3A_852, %get3A_853] {strides = array<i32>} : memref<64x128xf32, #tpu.memory_space<vmem>>, vector<1x16xf32>,
      %get3A_855 = vector.shape_cast %get3A_854 : vector<1x16xf32> to vector<16xf32>
      %add3A_856 = arith.addf %add3A_798, %get3A_855 : vector<16xf32>
      %scan3A_857 = arith.constant 3 : i32
      %scan3A_858 = arith.addi %scan3A_677, %scan3A_857 : i32
      %add3A_859 = arith.constant 32 : i32
      %add3A_860 = arith.addi %add3A_859, %scan3A_858 : i32
      %get3A_861 = arith.index_cast %add3A_860 : i32 to index
      %get3A_862 = arith.constant 0 : index
      %get3A_863 = tpu.vector_load %arg8[%get3A_861, %get3A_862] {strides = array<i32>} : memref<64x128xf32, #tpu.memory_space<vmem>>, vector<1x16xf32>,
      %get3A_864 = vector.shape_cast %get3A_863 : vector<1x16xf32> to vector<16xf32>
      %add3A_865 = arith.addf %add3A_807, %get3A_864 : vector<16xf32>
      %add3A_866 = arith.constant 32 : i32
      %add3A_867 = arith.addi %add3A_866, %scan3A_858 : i32
      %get3A_868 = arith.index_cast %add3A_867 : i32 to index
      %get3A_869 = arith.constant 16 : index
      %get3A_870 = tpu.vector_load %arg8[%get3A_868, %get3A_869] {strides = array<i32>} : memref<64x128xf32, #tpu.memory_space<vmem>>, vector<1x16xf32>,
      %get3A_871 = vector.shape_cast %get3A_870 : vector<1x16xf32> to vector<16xf32>
      %add3A_872 = arith.addf %add3A_814, %get3A_871 : vector<16xf32>
      %add3A_873 = arith.constant 32 : i32
      %add3A_874 = arith.addi %add3A_873, %scan3A_858 : i32
      %get3A_875 = arith.index_cast %add3A_874 : i32 to index
      %get3A_876 = arith.constant 32 : index
      %get3A_877 = tpu.vector_load %arg8[%get3A_875, %get3A_876] {strides = array<i32>} : memref<64x128xf32, #tpu.memory_space<vmem>>, vector<1x16xf32>,
      %get3A_878 = vector.shape_cast %get3A_877 : vector<1x16xf32> to vector<16xf32>
      %add3A_879 = arith.addf %add3A_821, %get3A_878 : vector<16xf32>
      %add3A_880 = arith.constant 32 : i32
      %add3A_881 = arith.addi %add3A_880, %scan3A_858 : i32
      %get3A_882 = arith.index_cast %add3A_881 : i32 to index
      %get3A_883 = arith.constant 48 : index
      %get3A_884 = tpu.vector_load %arg8[%get3A_882, %get3A_883] {strides = array<i32>} : memref<64x128xf32, #tpu.memory_space<vmem>>, vector<1x16xf32>,
      %get3A_885 = vector.shape_cast %get3A_884 : vector<1x16xf32> to vector<16xf32>
      %add3A_886 = arith.addf %add3A_828, %get3A_885 : vector<16xf32>
      %add3A_887 = arith.constant 32 : i32
      %add3A_888 = arith.addi %add3A_887, %scan3A_858 : i32
      %get3A_889 = arith.index_cast %add3A_888 : i32 to index
      %get3A_890 = arith.constant 64 : index
      %get3A_891 = tpu.vector_load %arg8[%get3A_889, %get3A_890] {strides = array<i32>} : memref<64x128xf32, #tpu.memory_space<vmem>>, vector<1x16xf32>,
      %get3A_892 = vector.shape_cast %get3A_891 : vector<1x16xf32> to vector<16xf32>
      %add3A_893 = arith.addf %add3A_835, %get3A_892 : vector<16xf32>
      %add3A_894 = arith.constant 32 : i32
      %add3A_895 = arith.addi %add3A_894, %scan3A_858 : i32
      %get3A_896 = arith.index_cast %add3A_895 : i32 to index
      %get3A_897 = arith.constant 80 : index
      %get3A_898 = tpu.vector_load %arg8[%get3A_896, %get3A_897] {strides = array<i32>} : memref<64x128xf32, #tpu.memory_space<vmem>>, vector<1x16xf32>,
      %get3A_899 = vector.shape_cast %get3A_898 : vector<1x16xf32> to vector<16xf32>
      %add3A_900 = arith.addf %add3A_842, %get3A_899 : vector<16xf32>
      %add3A_901 = arith.constant 32 : i32
      %add3A_902 = arith.addi %add3A_901, %scan3A_858 : i32
      %get3A_903 = arith.index_cast %add3A_902 : i32 to index
      %get3A_904 = arith.constant 96 : index
      %get3A_905 = tpu.vector_load %arg8[%get3A_903, %get3A_904] {strides = array<i32>} : memref<64x128xf32, #tpu.memory_space<vmem>>, vector<1x16xf32>,
      %get3A_906 = vector.shape_cast %get3A_905 : vector<1x16xf32> to vector<16xf32>
      %add3A_907 = arith.addf %add3A_849, %get3A_906 : vector<16xf32>
      %add3A_908 = arith.constant 32 : i32
      %add3A_909 = arith.addi %add3A_908, %scan3A_858 : i32
      %get3A_910 = arith.index_cast %add3A_909 : i32 to index
      %get3A_911 = arith.constant 112 : index
      %get3A_912 = tpu.vector_load %arg8[%get3A_910, %get3A_911] {strides = array<i32>} : memref<64x128xf32, #tpu.memory_space<vmem>>, vector<1x16xf32>,
      %get3A_913 = vector.shape_cast %get3A_912 : vector<1x16xf32> to vector<16xf32>
      %add3A_914 = arith.addf %add3A_856, %get3A_913 : vector<16xf32>
      scf.yield %add3A_865, %add3A_872, %add3A_879, %add3A_886, %add3A_893, %add3A_900, %add3A_907, %add3A_914 : vector<16xf32>, vector<16xf32>, vector<16xf32>, vector<16xf32>, vector<16xf32>, vector<16xf32>, vector<16xf32>, vector<16xf32>
    }
    %scan3A_147 = arith.constant 32 : i32
    %mul3A_148 = arith.constant 3.125000e-02 : f32
    %mul3A_149 = vector.broadcast %mul3A_148 : f32 to vector<16xf32>
    %mul3A_150 = arith.mulf %scan3A_146#0, %mul3A_149 : vector<16xf32>
    %swap3A_151 = arith.constant 1 : i32
    %swap3A_152 = arith.index_cast %swap3A_151 : i32 to index
    %swap3A_153 = arith.constant 0 : index
    %swap3A_154 = tpu.vector_load %arg15[%swap3A_152, %swap3A_153] {strides = array<i32>} : memref<6x128xf32, #tpu.memory_space<vmem>>, vector<1x16xf32>,
    %swap3A_155 = vector.shape_cast %swap3A_154 : vector<1x16xf32> to vector<16xf32>
    %swap3A_156 = vector.shape_cast %mul3A_150 : vector<16xf32> to vector<1x16xf32>
    tpu.vector_store %arg15[%swap3A_152, %swap3A_153], %swap3A_156 {strides = array<i32>} : memref<6x128xf32, #tpu.memory_space<vmem>>, vector<1x16xf32>,
    %mul3A_157 = arith.constant 3.125000e-02 : f32
    %mul3A_158 = vector.broadcast %mul3A_157 : f32 to vector<16xf32>
    %mul3A_159 = arith.mulf %scan3A_146#1, %mul3A_158 : vector<16xf32>
    %swap3A_160 = arith.constant 1 : i32
    %swap3A_161 = arith.index_cast %swap3A_160 : i32 to index
    %swap3A_162 = arith.constant 16 : index
    %swap3A_163 = tpu.vector_load %arg15[%swap3A_161, %swap3A_162] {strides = array<i32>} : memref<6x128xf32, #tpu.memory_space<vmem>>, vector<1x16xf32>,
    %swap3A_164 = vector.shape_cast %swap3A_163 : vector<1x16xf32> to vector<16xf32>
    %swap3A_165 = vector.shape_cast %mul3A_159 : vector<16xf32> to vector<1x16xf32>
    tpu.vector_store %arg15[%swap3A_161, %swap3A_162], %swap3A_165 {strides = array<i32>} : memref<6x128xf32, #tpu.memory_space<vmem>>, vector<1x16xf32>,
    %mul3A_166 = arith.constant 3.125000e-02 : f32
    %mul3A_167 = vector.broadcast %mul3A_166 : f32 to vector<16xf32>
    %mul3A_168 = arith.mulf %scan3A_146#2, %mul3A_167 : vector<16xf32>
    %swap3A_169 = arith.constant 1 : i32
    %swap3A_170 = arith.index_cast %swap3A_169 : i32 to index
    %swap3A_171 = arith.constant 32 : index
    %swap3A_172 = tpu.vector_load %arg15[%swap3A_170, %swap3A_171] {strides = array<i32>} : memref<6x128xf32, #tpu.memory_space<vmem>>, vector<1x16xf32>,
    %swap3A_173 = vector.shape_cast %swap3A_172 : vector<1x16xf32> to vector<16xf32>
    %swap3A_174 = vector.shape_cast %mul3A_168 : vector<16xf32> to vector<1x16xf32>
    tpu.vector_store %arg15[%swap3A_170, %swap3A_171], %swap3A_174 {strides = array<i32>} : memref<6x128xf32, #tpu.memory_space<vmem>>, vector<1x16xf32>,
    %mul3A_175 = arith.constant 3.125000e-02 : f32
    %mul3A_176 = vector.broadcast %mul3A_175 : f32 to vector<16xf32>
    %mul3A_177 = arith.mulf %scan3A_146#3, %mul3A_176 : vector<16xf32>
    %swap3A_178 = arith.constant 1 : i32
    %swap3A_179 = arith.index_cast %swap3A_178 : i32 to index
    %swap3A_180 = arith.constant 48 : index
    %swap3A_181 = tpu.vector_load %arg15[%swap3A_179, %swap3A_180] {strides = array<i32>} : memref<6x128xf32, #tpu.memory_space<vmem>>, vector<1x16xf32>,
    %swap3A_182 = vector.shape_cast %swap3A_181 : vector<1x16xf32> to vector<16xf32>
    %swap3A_183 = vector.shape_cast %mul3A_177 : vector<16xf32> to vector<1x16xf32>
    tpu.vector_store %arg15[%swap3A_179, %swap3A_180], %swap3A_183 {strides = array<i32>} : memref<6x128xf32, #tpu.memory_space<vmem>>, vector<1x16xf32>,
    %mul3A_184 = arith.constant 3.125000e-02 : f32
    %mul3A_185 = vector.broadcast %mul3A_184 : f32 to vector<16xf32>
    %mul3A_186 = arith.mulf %scan3A_146#4, %mul3A_185 : vector<16xf32>
    %swap3A_187 = arith.constant 1 : i32
    %swap3A_188 = arith.index_cast %swap3A_187 : i32 to index
    %swap3A_189 = arith.constant 64 : index
    %swap3A_190 = tpu.vector_load %arg15[%swap3A_188, %swap3A_189] {strides = array<i32>} : memref<6x128xf32, #tpu.memory_space<vmem>>, vector<1x16xf32>,
    %swap3A_191 = vector.shape_cast %swap3A_190 : vector<1x16xf32> to vector<16xf32>
    %swap3A_192 = vector.shape_cast %mul3A_186 : vector<16xf32> to vector<1x16xf32>
    tpu.vector_store %arg15[%swap3A_188, %swap3A_189], %swap3A_192 {strides = array<i32>} : memref<6x128xf32, #tpu.memory_space<vmem>>, vector<1x16xf32>,
    %mul3A_193 = arith.constant 3.125000e-02 : f32
    %mul3A_194 = vector.broadcast %mul3A_193 : f32 to vector<16xf32>
    %mul3A_195 = arith.mulf %scan3A_146#5, %mul3A_194 : vector<16xf32>
    %swap3A_196 = arith.constant 1 : i32
    %swap3A_197 = arith.index_cast %swap3A_196 : i32 to index
    %swap3A_198 = arith.constant 80 : index
    %swap3A_199 = tpu.vector_load %arg15[%swap3A_197, %swap3A_198] {strides = array<i32>} : memref<6x128xf32, #tpu.memory_space<vmem>>, vector<1x16xf32>,
    %swap3A_200 = vector.shape_cast %swap3A_199 : vector<1x16xf32> to vector<16xf32>
    %swap3A_201 = vector.shape_cast %mul3A_195 : vector<16xf32> to vector<1x16xf32>
    tpu.vector_store %arg15[%swap3A_197, %swap3A_198], %swap3A_201 {strides = array<i32>} : memref<6x128xf32, #tpu.memory_space<vmem>>, vector<1x16xf32>,
    %mul3A_202 = arith.constant 3.125000e-02 : f32
    %mul3A_203 = vector.broadcast %mul3A_202 : f32 to vector<16xf32>
    %mul3A_204 = arith.mulf %scan3A_146#6, %mul3A_203 : vector<16xf32>
    %swap3A_205 = arith.constant 1 : i32
    %swap3A_206 = arith.index_cast %swap3A_205 : i32 to index
    %swap3A_207 = arith.constant 96 : index
    %swap3A_208 = tpu.vector_load %arg15[%swap3A_206, %swap3A_207] {strides = array<i32>} : memref<6x128xf32, #tpu.memory_space<vmem>>, vector<1x16xf32>,
    %swap3A_209 = vector.shape_cast %swap3A_208 : vector<1x16xf32> to vector<16xf32>
    %swap3A_210 = vector.shape_cast %mul3A_204 : vector<16xf32> to vector<1x16xf32>
    tpu.vector_store %arg15[%swap3A_206, %swap3A_207], %swap3A_210 {strides = array<i32>} : memref<6x128xf32, #tpu.memory_space<vmem>>, vector<1x16xf32>,
    %mul3A_211 = arith.constant 3.125000e-02 : f32
    %mul3A_212 = vector.broadcast %mul3A_211 : f32 to vector<16xf32>
    %mul3A_213 = arith.mulf %scan3A_146#7, %mul3A_212 : vector<16xf32>
    %swap3A_214 = arith.constant 1 : i32
    %swap3A_215 = arith.index_cast %swap3A_214 : i32 to index
    %swap3A_216 = arith.constant 112 : index
    %swap3A_217 = tpu.vector_load %arg15[%swap3A_215, %swap3A_216] {strides = array<i32>} : memref<6x128xf32, #tpu.memory_space<vmem>>, vector<1x16xf32>,
    %swap3A_218 = vector.shape_cast %swap3A_217 : vector<1x16xf32> to vector<16xf32>
    %swap3A_219 = vector.shape_cast %mul3A_213 : vector<16xf32> to vector<1x16xf32>
    tpu.vector_store %arg15[%swap3A_215, %swap3A_216], %swap3A_219 {strides = array<i32>} : memref<6x128xf32, #tpu.memory_space<vmem>>, vector<1x16xf32>,
    %mul3A_220 = arith.constant 2 : i32
    %mul3A_221 = arith.muli %add3A, %mul3A_220 : i32
    %dma_start3A_222 = arith.constant 0 : i32
    %dma_start3A_223 = arith.constant 0 : i32
    %dma_start3A_224 = tpu.memref_slice %arg15[%dma_start3A_222, %dma_start3A_223] : memref<6x128xf32, #tpu.memory_space<vmem>> -> memref<2x128xf32, #tpu.memory_space<vmem>>
    %dma_start3A_225 = arith.constant 0 : i32
    %dma_start3A_226 = tpu.memref_slice %arg5[%mul3A_221, %dma_start3A_225] : memref<192x128xf32, #tpu.memory_space<hbm>> -> memref<2x128xf32, #tpu.memory_space<hbm>>
    %dma_start3A_227 = arith.constant 0 : i32
    %dma_start3A_228 = tpu.memref_slice %arg5[%mul3A_221, %dma_start3A_227] : memref<192x128xf32, #tpu.memory_space<hbm>> -> memref<2x128xf32, #tpu.memory_space<hbm>>
    %dma_start3A_229 = arith.constant 0 : i32
    %dma_start3A_230 = arith.constant 0 : i32
    %dma_start3A_231 = tpu.memref_slice %arg15[%dma_start3A_229, %dma_start3A_230] : memref<6x128xf32, #tpu.memory_space<vmem>> -> memref<2x128xf32, #tpu.memory_space<vmem>>
    tpu.enqueue_dma source(%dma_start3A_231 : memref<2x128xf32, #tpu.memory_space<vmem>>) target(%dma_start3A_228 : memref<2x128xf32, #tpu.memory_space<hbm>>) target_semaphore(%arg19 : memref<!tpu.dma_semaphore, #tpu.memory_space<semaphore_mem>>)
    %dma_wait3A_232 = arith.constant 0 : i32
    %dma_wait3A_233 = arith.constant 0 : i32
    %dma_wait3A_234 = tpu.memref_slice %arg3[%dma_wait3A_232, %dma_wait3A_233] : memref<100000x128xf32, #tpu.memory_space<hbm>> -> memref<100000x128xf32, #tpu.memory_space<hbm>>
    tpu.wait_indirect_dma semaphore(%arg16 : memref<!tpu.dma_semaphore, #tpu.memory_space<semaphore_mem>>) src(%dma_wait3A_234 : memref<100000x128xf32, #tpu.memory_space<hbm>>) dst(%arg10 : memref<64x128xf32, #tpu.memory_space<vmem>>)
    %broadcast_in_dim3A_235 = arith.constant 0.000000e+00 : f32
    %broadcast_in_dim3A_236 = vector.broadcast %broadcast_in_dim3A_235 : f32 to vector<16xf32>
    %broadcast_in_dim3A_237 = arith.constant 0.000000e+00 : f32
    %broadcast_in_dim3A_238 = vector.broadcast %broadcast_in_dim3A_237 : f32 to vector<16xf32>
    %broadcast_in_dim3A_239 = arith.constant 0.000000e+00 : f32
    %broadcast_in_dim3A_240 = vector.broadcast %broadcast_in_dim3A_239 : f32 to vector<16xf32>
    %broadcast_in_dim3A_241 = arith.constant 0.000000e+00 : f32
    %broadcast_in_dim3A_242 = vector.broadcast %broadcast_in_dim3A_241 : f32 to vector<16xf32>
    %broadcast_in_dim3A_243 = arith.constant 0.000000e+00 : f32
    %broadcast_in_dim3A_244 = vector.broadcast %broadcast_in_dim3A_243 : f32 to vector<16xf32>
    %broadcast_in_dim3A_245 = arith.constant 0.000000e+00 : f32
    %broadcast_in_dim3A_246 = vector.broadcast %broadcast_in_dim3A_245 : f32 to vector<16xf32>
    %broadcast_in_dim3A_247 = arith.constant 0.000000e+00 : f32
    %broadcast_in_dim3A_248 = vector.broadcast %broadcast_in_dim3A_247 : f32 to vector<16xf32>
    %broadcast_in_dim3A_249 = arith.constant 0.000000e+00 : f32
    %broadcast_in_dim3A_250 = vector.broadcast %broadcast_in_dim3A_249 : f32 to vector<16xf32>
    %scan3A_251 = arith.constant 0 : i32
    %scan3A_252 = arith.constant 32 : i32
    %scan3A_253 = arith.addi %scan3A_251, %scan3A_252 : i32
    %scan3A_254 = arith.constant 4 : i32
    %scan3A_255:8 = scf.for %scan3A_677 = %scan3A_251 to %scan3A_253 step %scan3A_254 iter_args(%scan3A_678 = %broadcast_in_dim3A_236, %scan3A_679 = %broadcast_in_dim3A_238, %scan3A_680 = %broadcast_in_dim3A_240, %scan3A_681 = %broadcast_in_dim3A_242, %scan3A_682 = %broadcast_in_dim3A_244, %scan3A_683 = %broadcast_in_dim3A_246, %scan3A_684 = %broadcast_in_dim3A_248, %scan3A_685 = %broadcast_in_dim3A_250) -> (vector<16xf32>, vector<16xf32>, vector<16xf32>, vector<16xf32>, vector<16xf32>, vector<16xf32>, vector<16xf32>, vector<16xf32>)  : i32 {
      %add3A_686 = arith.constant 0 : i32
      %add3A_687 = arith.addi %add3A_686, %scan3A_677 : i32
      %get3A = arith.index_cast %add3A_687 : i32 to index
      %get3A_688 = arith.constant 0 : index
      %get3A_689 = tpu.vector_load %arg10[%get3A, %get3A_688] {strides = array<i32>} : memref<64x128xf32, #tpu.memory_space<vmem>>, vector<1x16xf32>,
      %get3A_690 = vector.shape_cast %get3A_689 : vector<1x16xf32> to vector<16xf32>
      %add3A_691 = arith.addf %scan3A_678, %get3A_690 : vector<16xf32>
      %add3A_692 = arith.constant 0 : i32
      %add3A_693 = arith.addi %add3A_692, %scan3A_677 : i32
      %get3A_694 = arith.index_cast %add3A_693 : i32 to index
      %get3A_695 = arith.constant 16 : index
      %get3A_696 = tpu.vector_load %arg10[%get3A_694, %get3A_695] {strides = array<i32>} : memref<64x128xf32, #tpu.memory_space<vmem>>, vector<1x16xf32>,
      %get3A_697 = vector.shape_cast %get3A_696 : vector<1x16xf32> to vector<16xf32>
      %add3A_698 = arith.addf %scan3A_679, %get3A_697 : vector<16xf32>
      %add3A_699 = arith.constant 0 : i32
      %add3A_700 = arith.addi %add3A_699, %scan3A_677 : i32
      %get3A_701 = arith.index_cast %add3A_700 : i32 to index
      %get3A_702 = arith.constant 32 : index
      %get3A_703 = tpu.vector_load %arg10[%get3A_701, %get3A_702] {strides = array<i32>} : memref<64x128xf32, #tpu.memory_space<vmem>>, vector<1x16xf32>,
      %get3A_704 = vector.shape_cast %get3A_703 : vector<1x16xf32> to vector<16xf32>
      %add3A_705 = arith.addf %scan3A_680, %get3A_704 : vector<16xf32>
      %add3A_706 = arith.constant 0 : i32
      %add3A_707 = arith.addi %add3A_706, %scan3A_677 : i32
      %get3A_708 = arith.index_cast %add3A_707 : i32 to index
      %get3A_709 = arith.constant 48 : index
      %get3A_710 = tpu.vector_load %arg10[%get3A_708, %get3A_709] {strides = array<i32>} : memref<64x128xf32, #tpu.memory_space<vmem>>, vector<1x16xf32>,
      %get3A_711 = vector.shape_cast %get3A_710 : vector<1x16xf32> to vector<16xf32>
      %add3A_712 = arith.addf %scan3A_681, %get3A_711 : vector<16xf32>
      %add3A_713 = arith.constant 0 : i32
      %add3A_714 = arith.addi %add3A_713, %scan3A_677 : i32
      %get3A_715 = arith.index_cast %add3A_714 : i32 to index
      %get3A_716 = arith.constant 64 : index
      %get3A_717 = tpu.vector_load %arg10[%get3A_715, %get3A_716] {strides = array<i32>} : memref<64x128xf32, #tpu.memory_space<vmem>>, vector<1x16xf32>,
      %get3A_718 = vector.shape_cast %get3A_717 : vector<1x16xf32> to vector<16xf32>
      %add3A_719 = arith.addf %scan3A_682, %get3A_718 : vector<16xf32>
      %add3A_720 = arith.constant 0 : i32
      %add3A_721 = arith.addi %add3A_720, %scan3A_677 : i32
      %get3A_722 = arith.index_cast %add3A_721 : i32 to index
      %get3A_723 = arith.constant 80 : index
      %get3A_724 = tpu.vector_load %arg10[%get3A_722, %get3A_723] {strides = array<i32>} : memref<64x128xf32, #tpu.memory_space<vmem>>, vector<1x16xf32>,
      %get3A_725 = vector.shape_cast %get3A_724 : vector<1x16xf32> to vector<16xf32>
      %add3A_726 = arith.addf %scan3A_683, %get3A_725 : vector<16xf32>
      %add3A_727 = arith.constant 0 : i32
      %add3A_728 = arith.addi %add3A_727, %scan3A_677 : i32
      %get3A_729 = arith.index_cast %add3A_728 : i32 to index
      %get3A_730 = arith.constant 96 : index
      %get3A_731 = tpu.vector_load %arg10[%get3A_729, %get3A_730] {strides = array<i32>} : memref<64x128xf32, #tpu.memory_space<vmem>>, vector<1x16xf32>,
      %get3A_732 = vector.shape_cast %get3A_731 : vector<1x16xf32> to vector<16xf32>
      %add3A_733 = arith.addf %scan3A_684, %get3A_732 : vector<16xf32>
      %add3A_734 = arith.constant 0 : i32
      %add3A_735 = arith.addi %add3A_734, %scan3A_677 : i32
      %get3A_736 = arith.index_cast %add3A_735 : i32 to index
      %get3A_737 = arith.constant 112 : index
      %get3A_738 = tpu.vector_load %arg10[%get3A_736, %get3A_737] {strides = array<i32>} : memref<64x128xf32, #tpu.memory_space<vmem>>, vector<1x16xf32>,
      %get3A_739 = vector.shape_cast %get3A_738 : vector<1x16xf32> to vector<16xf32>
      %add3A_740 = arith.addf %scan3A_685, %get3A_739 : vector<16xf32>
      %scan3A_741 = arith.constant 1 : i32
      %scan3A_742 = arith.addi %scan3A_677, %scan3A_741 : i32
      %add3A_743 = arith.constant 0 : i32
      %add3A_744 = arith.addi %add3A_743, %scan3A_742 : i32
      %get3A_745 = arith.index_cast %add3A_744 : i32 to index
      %get3A_746 = arith.constant 0 : index
      %get3A_747 = tpu.vector_load %arg10[%get3A_745, %get3A_746] {strides = array<i32>} : memref<64x128xf32, #tpu.memory_space<vmem>>, vector<1x16xf32>,
      %get3A_748 = vector.shape_cast %get3A_747 : vector<1x16xf32> to vector<16xf32>
      %add3A_749 = arith.addf %add3A_691, %get3A_748 : vector<16xf32>
      %add3A_750 = arith.constant 0 : i32
      %add3A_751 = arith.addi %add3A_750, %scan3A_742 : i32
      %get3A_752 = arith.index_cast %add3A_751 : i32 to index
      %get3A_753 = arith.constant 16 : index
      %get3A_754 = tpu.vector_load %arg10[%get3A_752, %get3A_753] {strides = array<i32>} : memref<64x128xf32, #tpu.memory_space<vmem>>, vector<1x16xf32>,
      %get3A_755 = vector.shape_cast %get3A_754 : vector<1x16xf32> to vector<16xf32>
      %add3A_756 = arith.addf %add3A_698, %get3A_755 : vector<16xf32>
      %add3A_757 = arith.constant 0 : i32
      %add3A_758 = arith.addi %add3A_757, %scan3A_742 : i32
      %get3A_759 = arith.index_cast %add3A_758 : i32 to index
      %get3A_760 = arith.constant 32 : index
      %get3A_761 = tpu.vector_load %arg10[%get3A_759, %get3A_760] {strides = array<i32>} : memref<64x128xf32, #tpu.memory_space<vmem>>, vector<1x16xf32>,
      %get3A_762 = vector.shape_cast %get3A_761 : vector<1x16xf32> to vector<16xf32>
      %add3A_763 = arith.addf %add3A_705, %get3A_762 : vector<16xf32>
      %add3A_764 = arith.constant 0 : i32
      %add3A_765 = arith.addi %add3A_764, %scan3A_742 : i32
      %get3A_766 = arith.index_cast %add3A_765 : i32 to index
      %get3A_767 = arith.constant 48 : index
      %get3A_768 = tpu.vector_load %arg10[%get3A_766, %get3A_767] {strides = array<i32>} : memref<64x128xf32, #tpu.memory_space<vmem>>, vector<1x16xf32>,
      %get3A_769 = vector.shape_cast %get3A_768 : vector<1x16xf32> to vector<16xf32>
      %add3A_770 = arith.addf %add3A_712, %get3A_769 : vector<16xf32>
      %add3A_771 = arith.constant 0 : i32
      %add3A_772 = arith.addi %add3A_771, %scan3A_742 : i32
      %get3A_773 = arith.index_cast %add3A_772 : i32 to index
      %get3A_774 = arith.constant 64 : index
      %get3A_775 = tpu.vector_load %arg10[%get3A_773, %get3A_774] {strides = array<i32>} : memref<64x128xf32, #tpu.memory_space<vmem>>, vector<1x16xf32>,
      %get3A_776 = vector.shape_cast %get3A_775 : vector<1x16xf32> to vector<16xf32>
      %add3A_777 = arith.addf %add3A_719, %get3A_776 : vector<16xf32>
      %add3A_778 = arith.constant 0 : i32
      %add3A_779 = arith.addi %add3A_778, %scan3A_742 : i32
      %get3A_780 = arith.index_cast %add3A_779 : i32 to index
      %get3A_781 = arith.constant 80 : index
      %get3A_782 = tpu.vector_load %arg10[%get3A_780, %get3A_781] {strides = array<i32>} : memref<64x128xf32, #tpu.memory_space<vmem>>, vector<1x16xf32>,
      %get3A_783 = vector.shape_cast %get3A_782 : vector<1x16xf32> to vector<16xf32>
      %add3A_784 = arith.addf %add3A_726, %get3A_783 : vector<16xf32>
      %add3A_785 = arith.constant 0 : i32
      %add3A_786 = arith.addi %add3A_785, %scan3A_742 : i32
      %get3A_787 = arith.index_cast %add3A_786 : i32 to index
      %get3A_788 = arith.constant 96 : index
      %get3A_789 = tpu.vector_load %arg10[%get3A_787, %get3A_788] {strides = array<i32>} : memref<64x128xf32, #tpu.memory_space<vmem>>, vector<1x16xf32>,
      %get3A_790 = vector.shape_cast %get3A_789 : vector<1x16xf32> to vector<16xf32>
      %add3A_791 = arith.addf %add3A_733, %get3A_790 : vector<16xf32>
      %add3A_792 = arith.constant 0 : i32
      %add3A_793 = arith.addi %add3A_792, %scan3A_742 : i32
      %get3A_794 = arith.index_cast %add3A_793 : i32 to index
      %get3A_795 = arith.constant 112 : index
      %get3A_796 = tpu.vector_load %arg10[%get3A_794, %get3A_795] {strides = array<i32>} : memref<64x128xf32, #tpu.memory_space<vmem>>, vector<1x16xf32>,
      %get3A_797 = vector.shape_cast %get3A_796 : vector<1x16xf32> to vector<16xf32>
      %add3A_798 = arith.addf %add3A_740, %get3A_797 : vector<16xf32>
      %scan3A_799 = arith.constant 2 : i32
      %scan3A_800 = arith.addi %scan3A_677, %scan3A_799 : i32
      %add3A_801 = arith.constant 0 : i32
      %add3A_802 = arith.addi %add3A_801, %scan3A_800 : i32
      %get3A_803 = arith.index_cast %add3A_802 : i32 to index
      %get3A_804 = arith.constant 0 : index
      %get3A_805 = tpu.vector_load %arg10[%get3A_803, %get3A_804] {strides = array<i32>} : memref<64x128xf32, #tpu.memory_space<vmem>>, vector<1x16xf32>,
      %get3A_806 = vector.shape_cast %get3A_805 : vector<1x16xf32> to vector<16xf32>
      %add3A_807 = arith.addf %add3A_749, %get3A_806 : vector<16xf32>
      %add3A_808 = arith.constant 0 : i32
      %add3A_809 = arith.addi %add3A_808, %scan3A_800 : i32
      %get3A_810 = arith.index_cast %add3A_809 : i32 to index
      %get3A_811 = arith.constant 16 : index
      %get3A_812 = tpu.vector_load %arg10[%get3A_810, %get3A_811] {strides = array<i32>} : memref<64x128xf32, #tpu.memory_space<vmem>>, vector<1x16xf32>,
      %get3A_813 = vector.shape_cast %get3A_812 : vector<1x16xf32> to vector<16xf32>
      %add3A_814 = arith.addf %add3A_756, %get3A_813 : vector<16xf32>
      %add3A_815 = arith.constant 0 : i32
      %add3A_816 = arith.addi %add3A_815, %scan3A_800 : i32
      %get3A_817 = arith.index_cast %add3A_816 : i32 to index
      %get3A_818 = arith.constant 32 : index
      %get3A_819 = tpu.vector_load %arg10[%get3A_817, %get3A_818] {strides = array<i32>} : memref<64x128xf32, #tpu.memory_space<vmem>>, vector<1x16xf32>,
      %get3A_820 = vector.shape_cast %get3A_819 : vector<1x16xf32> to vector<16xf32>
      %add3A_821 = arith.addf %add3A_763, %get3A_820 : vector<16xf32>
      %add3A_822 = arith.constant 0 : i32
      %add3A_823 = arith.addi %add3A_822, %scan3A_800 : i32
      %get3A_824 = arith.index_cast %add3A_823 : i32 to index
      %get3A_825 = arith.constant 48 : index
      %get3A_826 = tpu.vector_load %arg10[%get3A_824, %get3A_825] {strides = array<i32>} : memref<64x128xf32, #tpu.memory_space<vmem>>, vector<1x16xf32>,
      %get3A_827 = vector.shape_cast %get3A_826 : vector<1x16xf32> to vector<16xf32>
      %add3A_828 = arith.addf %add3A_770, %get3A_827 : vector<16xf32>
      %add3A_829 = arith.constant 0 : i32
      %add3A_830 = arith.addi %add3A_829, %scan3A_800 : i32
      %get3A_831 = arith.index_cast %add3A_830 : i32 to index
      %get3A_832 = arith.constant 64 : index
      %get3A_833 = tpu.vector_load %arg10[%get3A_831, %get3A_832] {strides = array<i32>} : memref<64x128xf32, #tpu.memory_space<vmem>>, vector<1x16xf32>,
      %get3A_834 = vector.shape_cast %get3A_833 : vector<1x16xf32> to vector<16xf32>
      %add3A_835 = arith.addf %add3A_777, %get3A_834 : vector<16xf32>
      %add3A_836 = arith.constant 0 : i32
      %add3A_837 = arith.addi %add3A_836, %scan3A_800 : i32
      %get3A_838 = arith.index_cast %add3A_837 : i32 to index
      %get3A_839 = arith.constant 80 : index
      %get3A_840 = tpu.vector_load %arg10[%get3A_838, %get3A_839] {strides = array<i32>} : memref<64x128xf32, #tpu.memory_space<vmem>>, vector<1x16xf32>,
      %get3A_841 = vector.shape_cast %get3A_840 : vector<1x16xf32> to vector<16xf32>
      %add3A_842 = arith.addf %add3A_784, %get3A_841 : vector<16xf32>
      %add3A_843 = arith.constant 0 : i32
      %add3A_844 = arith.addi %add3A_843, %scan3A_800 : i32
      %get3A_845 = arith.index_cast %add3A_844 : i32 to index
      %get3A_846 = arith.constant 96 : index
      %get3A_847 = tpu.vector_load %arg10[%get3A_845, %get3A_846] {strides = array<i32>} : memref<64x128xf32, #tpu.memory_space<vmem>>, vector<1x16xf32>,
      %get3A_848 = vector.shape_cast %get3A_847 : vector<1x16xf32> to vector<16xf32>
      %add3A_849 = arith.addf %add3A_791, %get3A_848 : vector<16xf32>
      %add3A_850 = arith.constant 0 : i32
      %add3A_851 = arith.addi %add3A_850, %scan3A_800 : i32
      %get3A_852 = arith.index_cast %add3A_851 : i32 to index
      %get3A_853 = arith.constant 112 : index
      %get3A_854 = tpu.vector_load %arg10[%get3A_852, %get3A_853] {strides = array<i32>} : memref<64x128xf32, #tpu.memory_space<vmem>>, vector<1x16xf32>,
      %get3A_855 = vector.shape_cast %get3A_854 : vector<1x16xf32> to vector<16xf32>
      %add3A_856 = arith.addf %add3A_798, %get3A_855 : vector<16xf32>
      %scan3A_857 = arith.constant 3 : i32
      %scan3A_858 = arith.addi %scan3A_677, %scan3A_857 : i32
      %add3A_859 = arith.constant 0 : i32
      %add3A_860 = arith.addi %add3A_859, %scan3A_858 : i32
      %get3A_861 = arith.index_cast %add3A_860 : i32 to index
      %get3A_862 = arith.constant 0 : index
      %get3A_863 = tpu.vector_load %arg10[%get3A_861, %get3A_862] {strides = array<i32>} : memref<64x128xf32, #tpu.memory_space<vmem>>, vector<1x16xf32>,
      %get3A_864 = vector.shape_cast %get3A_863 : vector<1x16xf32> to vector<16xf32>
      %add3A_865 = arith.addf %add3A_807, %get3A_864 : vector<16xf32>
      %add3A_866 = arith.constant 0 : i32
      %add3A_867 = arith.addi %add3A_866, %scan3A_858 : i32
      %get3A_868 = arith.index_cast %add3A_867 : i32 to index
      %get3A_869 = arith.constant 16 : index
      %get3A_870 = tpu.vector_load %arg10[%get3A_868, %get3A_869] {strides = array<i32>} : memref<64x128xf32, #tpu.memory_space<vmem>>, vector<1x16xf32>,
      %get3A_871 = vector.shape_cast %get3A_870 : vector<1x16xf32> to vector<16xf32>
      %add3A_872 = arith.addf %add3A_814, %get3A_871 : vector<16xf32>
      %add3A_873 = arith.constant 0 : i32
      %add3A_874 = arith.addi %add3A_873, %scan3A_858 : i32
      %get3A_875 = arith.index_cast %add3A_874 : i32 to index
      %get3A_876 = arith.constant 32 : index
      %get3A_877 = tpu.vector_load %arg10[%get3A_875, %get3A_876] {strides = array<i32>} : memref<64x128xf32, #tpu.memory_space<vmem>>, vector<1x16xf32>,
      %get3A_878 = vector.shape_cast %get3A_877 : vector<1x16xf32> to vector<16xf32>
      %add3A_879 = arith.addf %add3A_821, %get3A_878 : vector<16xf32>
      %add3A_880 = arith.constant 0 : i32
      %add3A_881 = arith.addi %add3A_880, %scan3A_858 : i32
      %get3A_882 = arith.index_cast %add3A_881 : i32 to index
      %get3A_883 = arith.constant 48 : index
      %get3A_884 = tpu.vector_load %arg10[%get3A_882, %get3A_883] {strides = array<i32>} : memref<64x128xf32, #tpu.memory_space<vmem>>, vector<1x16xf32>,
      %get3A_885 = vector.shape_cast %get3A_884 : vector<1x16xf32> to vector<16xf32>
      %add3A_886 = arith.addf %add3A_828, %get3A_885 : vector<16xf32>
      %add3A_887 = arith.constant 0 : i32
      %add3A_888 = arith.addi %add3A_887, %scan3A_858 : i32
      %get3A_889 = arith.index_cast %add3A_888 : i32 to index
      %get3A_890 = arith.constant 64 : index
      %get3A_891 = tpu.vector_load %arg10[%get3A_889, %get3A_890] {strides = array<i32>} : memref<64x128xf32, #tpu.memory_space<vmem>>, vector<1x16xf32>,
      %get3A_892 = vector.shape_cast %get3A_891 : vector<1x16xf32> to vector<16xf32>
      %add3A_893 = arith.addf %add3A_835, %get3A_892 : vector<16xf32>
      %add3A_894 = arith.constant 0 : i32
      %add3A_895 = arith.addi %add3A_894, %scan3A_858 : i32
      %get3A_896 = arith.index_cast %add3A_895 : i32 to index
      %get3A_897 = arith.constant 80 : index
      %get3A_898 = tpu.vector_load %arg10[%get3A_896, %get3A_897] {strides = array<i32>} : memref<64x128xf32, #tpu.memory_space<vmem>>, vector<1x16xf32>,
      %get3A_899 = vector.shape_cast %get3A_898 : vector<1x16xf32> to vector<16xf32>
      %add3A_900 = arith.addf %add3A_842, %get3A_899 : vector<16xf32>
      %add3A_901 = arith.constant 0 : i32
      %add3A_902 = arith.addi %add3A_901, %scan3A_858 : i32
      %get3A_903 = arith.index_cast %add3A_902 : i32 to index
      %get3A_904 = arith.constant 96 : index
      %get3A_905 = tpu.vector_load %arg10[%get3A_903, %get3A_904] {strides = array<i32>} : memref<64x128xf32, #tpu.memory_space<vmem>>, vector<1x16xf32>,
      %get3A_906 = vector.shape_cast %get3A_905 : vector<1x16xf32> to vector<16xf32>
      %add3A_907 = arith.addf %add3A_849, %get3A_906 : vector<16xf32>
      %add3A_908 = arith.constant 0 : i32
      %add3A_909 = arith.addi %add3A_908, %scan3A_858 : i32
      %get3A_910 = arith.index_cast %add3A_909 : i32 to index
      %get3A_911 = arith.constant 112 : index
      %get3A_912 = tpu.vector_load %arg10[%get3A_910, %get3A_911] {strides = array<i32>} : memref<64x128xf32, #tpu.memory_space<vmem>>, vector<1x16xf32>,
      %get3A_913 = vector.shape_cast %get3A_912 : vector<1x16xf32> to vector<16xf32>
      %add3A_914 = arith.addf %add3A_856, %get3A_913 : vector<16xf32>
      scf.yield %add3A_865, %add3A_872, %add3A_879, %add3A_886, %add3A_893, %add3A_900, %add3A_907, %add3A_914 : vector<16xf32>, vector<16xf32>, vector<16xf32>, vector<16xf32>, vector<16xf32>, vector<16xf32>, vector<16xf32>, vector<16xf32>
    }
    %scan3A_256 = arith.constant 32 : i32
    %mul3A_257 = arith.constant 3.125000e-02 : f32
    %mul3A_258 = vector.broadcast %mul3A_257 : f32 to vector<16xf32>
    %mul3A_259 = arith.mulf %scan3A_255#0, %mul3A_258 : vector<16xf32>
    %swap3A_260 = arith.constant 2 : i32
    %swap3A_261 = arith.index_cast %swap3A_260 : i32 to index
    %swap3A_262 = arith.constant 0 : index
    %swap3A_263 = tpu.vector_load %arg15[%swap3A_261, %swap3A_262] {strides = array<i32>} : memref<6x128xf32, #tpu.memory_space<vmem>>, vector<1x16xf32>,
    %swap3A_264 = vector.shape_cast %swap3A_263 : vector<1x16xf32> to vector<16xf32>
    %swap3A_265 = vector.shape_cast %mul3A_259 : vector<16xf32> to vector<1x16xf32>
    tpu.vector_store %arg15[%swap3A_261, %swap3A_262], %swap3A_265 {strides = array<i32>} : memref<6x128xf32, #tpu.memory_space<vmem>>, vector<1x16xf32>,
    %mul3A_266 = arith.constant 3.125000e-02 : f32
    %mul3A_267 = vector.broadcast %mul3A_266 : f32 to vector<16xf32>
    %mul3A_268 = arith.mulf %scan3A_255#1, %mul3A_267 : vector<16xf32>
    %swap3A_269 = arith.constant 2 : i32
    %swap3A_270 = arith.index_cast %swap3A_269 : i32 to index
    %swap3A_271 = arith.constant 16 : index
    %swap3A_272 = tpu.vector_load %arg15[%swap3A_270, %swap3A_271] {strides = array<i32>} : memref<6x128xf32, #tpu.memory_space<vmem>>, vector<1x16xf32>,
    %swap3A_273 = vector.shape_cast %swap3A_272 : vector<1x16xf32> to vector<16xf32>
    %swap3A_274 = vector.shape_cast %mul3A_268 : vector<16xf32> to vector<1x16xf32>
    tpu.vector_store %arg15[%swap3A_270, %swap3A_271], %swap3A_274 {strides = array<i32>} : memref<6x128xf32, #tpu.memory_space<vmem>>, vector<1x16xf32>,
    %mul3A_275 = arith.constant 3.125000e-02 : f32
    %mul3A_276 = vector.broadcast %mul3A_275 : f32 to vector<16xf32>
    %mul3A_277 = arith.mulf %scan3A_255#2, %mul3A_276 : vector<16xf32>
    %swap3A_278 = arith.constant 2 : i32
    %swap3A_279 = arith.index_cast %swap3A_278 : i32 to index
    %swap3A_280 = arith.constant 32 : index
    %swap3A_281 = tpu.vector_load %arg15[%swap3A_279, %swap3A_280] {strides = array<i32>} : memref<6x128xf32, #tpu.memory_space<vmem>>, vector<1x16xf32>,
    %swap3A_282 = vector.shape_cast %swap3A_281 : vector<1x16xf32> to vector<16xf32>
    %swap3A_283 = vector.shape_cast %mul3A_277 : vector<16xf32> to vector<1x16xf32>
    tpu.vector_store %arg15[%swap3A_279, %swap3A_280], %swap3A_283 {strides = array<i32>} : memref<6x128xf32, #tpu.memory_space<vmem>>, vector<1x16xf32>,
    %mul3A_284 = arith.constant 3.125000e-02 : f32
    %mul3A_285 = vector.broadcast %mul3A_284 : f32 to vector<16xf32>
    %mul3A_286 = arith.mulf %scan3A_255#3, %mul3A_285 : vector<16xf32>
    %swap3A_287 = arith.constant 2 : i32
    %swap3A_288 = arith.index_cast %swap3A_287 : i32 to index
    %swap3A_289 = arith.constant 48 : index
    %swap3A_290 = tpu.vector_load %arg15[%swap3A_288, %swap3A_289] {strides = array<i32>} : memref<6x128xf32, #tpu.memory_space<vmem>>, vector<1x16xf32>,
    %swap3A_291 = vector.shape_cast %swap3A_290 : vector<1x16xf32> to vector<16xf32>
    %swap3A_292 = vector.shape_cast %mul3A_286 : vector<16xf32> to vector<1x16xf32>
    tpu.vector_store %arg15[%swap3A_288, %swap3A_289], %swap3A_292 {strides = array<i32>} : memref<6x128xf32, #tpu.memory_space<vmem>>, vector<1x16xf32>,
    %mul3A_293 = arith.constant 3.125000e-02 : f32
    %mul3A_294 = vector.broadcast %mul3A_293 : f32 to vector<16xf32>
    %mul3A_295 = arith.mulf %scan3A_255#4, %mul3A_294 : vector<16xf32>
    %swap3A_296 = arith.constant 2 : i32
    %swap3A_297 = arith.index_cast %swap3A_296 : i32 to index
    %swap3A_298 = arith.constant 64 : index
    %swap3A_299 = tpu.vector_load %arg15[%swap3A_297, %swap3A_298] {strides = array<i32>} : memref<6x128xf32, #tpu.memory_space<vmem>>, vector<1x16xf32>,
    %swap3A_300 = vector.shape_cast %swap3A_299 : vector<1x16xf32> to vector<16xf32>
    %swap3A_301 = vector.shape_cast %mul3A_295 : vector<16xf32> to vector<1x16xf32>
    tpu.vector_store %arg15[%swap3A_297, %swap3A_298], %swap3A_301 {strides = array<i32>} : memref<6x128xf32, #tpu.memory_space<vmem>>, vector<1x16xf32>,
    %mul3A_302 = arith.constant 3.125000e-02 : f32
    %mul3A_303 = vector.broadcast %mul3A_302 : f32 to vector<16xf32>
    %mul3A_304 = arith.mulf %scan3A_255#5, %mul3A_303 : vector<16xf32>
    %swap3A_305 = arith.constant 2 : i32
    %swap3A_306 = arith.index_cast %swap3A_305 : i32 to index
    %swap3A_307 = arith.constant 80 : index
    %swap3A_308 = tpu.vector_load %arg15[%swap3A_306, %swap3A_307] {strides = array<i32>} : memref<6x128xf32, #tpu.memory_space<vmem>>, vector<1x16xf32>,
    %swap3A_309 = vector.shape_cast %swap3A_308 : vector<1x16xf32> to vector<16xf32>
    %swap3A_310 = vector.shape_cast %mul3A_304 : vector<16xf32> to vector<1x16xf32>
    tpu.vector_store %arg15[%swap3A_306, %swap3A_307], %swap3A_310 {strides = array<i32>} : memref<6x128xf32, #tpu.memory_space<vmem>>, vector<1x16xf32>,
    %mul3A_311 = arith.constant 3.125000e-02 : f32
    %mul3A_312 = vector.broadcast %mul3A_311 : f32 to vector<16xf32>
    %mul3A_313 = arith.mulf %scan3A_255#6, %mul3A_312 : vector<16xf32>
    %swap3A_314 = arith.constant 2 : i32
    %swap3A_315 = arith.index_cast %swap3A_314 : i32 to index
    %swap3A_316 = arith.constant 96 : index
    %swap3A_317 = tpu.vector_load %arg15[%swap3A_315, %swap3A_316] {strides = array<i32>} : memref<6x128xf32, #tpu.memory_space<vmem>>, vector<1x16xf32>,
    %swap3A_318 = vector.shape_cast %swap3A_317 : vector<1x16xf32> to vector<16xf32>
    %swap3A_319 = vector.shape_cast %mul3A_313 : vector<16xf32> to vector<1x16xf32>
    tpu.vector_store %arg15[%swap3A_315, %swap3A_316], %swap3A_319 {strides = array<i32>} : memref<6x128xf32, #tpu.memory_space<vmem>>, vector<1x16xf32>,
    %mul3A_320 = arith.constant 3.125000e-02 : f32
    %mul3A_321 = vector.broadcast %mul3A_320 : f32 to vector<16xf32>
    %mul3A_322 = arith.mulf %scan3A_255#7, %mul3A_321 : vector<16xf32>
    %swap3A_323 = arith.constant 2 : i32
    %swap3A_324 = arith.index_cast %swap3A_323 : i32 to index
    %swap3A_325 = arith.constant 112 : index
    %swap3A_326 = tpu.vector_load %arg15[%swap3A_324, %swap3A_325] {strides = array<i32>} : memref<6x128xf32, #tpu.memory_space<vmem>>, vector<1x16xf32>,
    %swap3A_327 = vector.shape_cast %swap3A_326 : vector<1x16xf32> to vector<16xf32>
    %swap3A_328 = vector.shape_cast %mul3A_322 : vector<16xf32> to vector<1x16xf32>
    tpu.vector_store %arg15[%swap3A_324, %swap3A_325], %swap3A_328 {strides = array<i32>} : memref<6x128xf32, #tpu.memory_space<vmem>>, vector<1x16xf32>,
    %broadcast_in_dim3A_329 = arith.constant 0.000000e+00 : f32
    %broadcast_in_dim3A_330 = vector.broadcast %broadcast_in_dim3A_329 : f32 to vector<16xf32>
    %broadcast_in_dim3A_331 = arith.constant 0.000000e+00 : f32
    %broadcast_in_dim3A_332 = vector.broadcast %broadcast_in_dim3A_331 : f32 to vector<16xf32>
    %broadcast_in_dim3A_333 = arith.constant 0.000000e+00 : f32
    %broadcast_in_dim3A_334 = vector.broadcast %broadcast_in_dim3A_333 : f32 to vector<16xf32>
    %broadcast_in_dim3A_335 = arith.constant 0.000000e+00 : f32
    %broadcast_in_dim3A_336 = vector.broadcast %broadcast_in_dim3A_335 : f32 to vector<16xf32>
    %broadcast_in_dim3A_337 = arith.constant 0.000000e+00 : f32
    %broadcast_in_dim3A_338 = vector.broadcast %broadcast_in_dim3A_337 : f32 to vector<16xf32>
    %broadcast_in_dim3A_339 = arith.constant 0.000000e+00 : f32
    %broadcast_in_dim3A_340 = vector.broadcast %broadcast_in_dim3A_339 : f32 to vector<16xf32>
    %broadcast_in_dim3A_341 = arith.constant 0.000000e+00 : f32
    %broadcast_in_dim3A_342 = vector.broadcast %broadcast_in_dim3A_341 : f32 to vector<16xf32>
    %broadcast_in_dim3A_343 = arith.constant 0.000000e+00 : f32
    %broadcast_in_dim3A_344 = vector.broadcast %broadcast_in_dim3A_343 : f32 to vector<16xf32>
    %scan3A_345 = arith.constant 0 : i32
    %scan3A_346 = arith.constant 32 : i32
    %scan3A_347 = arith.addi %scan3A_345, %scan3A_346 : i32
    %scan3A_348 = arith.constant 4 : i32
    %scan3A_349:8 = scf.for %scan3A_677 = %scan3A_345 to %scan3A_347 step %scan3A_348 iter_args(%scan3A_678 = %broadcast_in_dim3A_330, %scan3A_679 = %broadcast_in_dim3A_332, %scan3A_680 = %broadcast_in_dim3A_334, %scan3A_681 = %broadcast_in_dim3A_336, %scan3A_682 = %broadcast_in_dim3A_338, %scan3A_683 = %broadcast_in_dim3A_340, %scan3A_684 = %broadcast_in_dim3A_342, %scan3A_685 = %broadcast_in_dim3A_344) -> (vector<16xf32>, vector<16xf32>, vector<16xf32>, vector<16xf32>, vector<16xf32>, vector<16xf32>, vector<16xf32>, vector<16xf32>)  : i32 {
      %add3A_686 = arith.constant 32 : i32
      %add3A_687 = arith.addi %add3A_686, %scan3A_677 : i32
      %get3A = arith.index_cast %add3A_687 : i32 to index
      %get3A_688 = arith.constant 0 : index
      %get3A_689 = tpu.vector_load %arg10[%get3A, %get3A_688] {strides = array<i32>} : memref<64x128xf32, #tpu.memory_space<vmem>>, vector<1x16xf32>,
      %get3A_690 = vector.shape_cast %get3A_689 : vector<1x16xf32> to vector<16xf32>
      %add3A_691 = arith.addf %scan3A_678, %get3A_690 : vector<16xf32>
      %add3A_692 = arith.constant 32 : i32
      %add3A_693 = arith.addi %add3A_692, %scan3A_677 : i32
      %get3A_694 = arith.index_cast %add3A_693 : i32 to index
      %get3A_695 = arith.constant 16 : index
      %get3A_696 = tpu.vector_load %arg10[%get3A_694, %get3A_695] {strides = array<i32>} : memref<64x128xf32, #tpu.memory_space<vmem>>, vector<1x16xf32>,
      %get3A_697 = vector.shape_cast %get3A_696 : vector<1x16xf32> to vector<16xf32>
      %add3A_698 = arith.addf %scan3A_679, %get3A_697 : vector<16xf32>
      %add3A_699 = arith.constant 32 : i32
      %add3A_700 = arith.addi %add3A_699, %scan3A_677 : i32
      %get3A_701 = arith.index_cast %add3A_700 : i32 to index
      %get3A_702 = arith.constant 32 : index
      %get3A_703 = tpu.vector_load %arg10[%get3A_701, %get3A_702] {strides = array<i32>} : memref<64x128xf32, #tpu.memory_space<vmem>>, vector<1x16xf32>,
      %get3A_704 = vector.shape_cast %get3A_703 : vector<1x16xf32> to vector<16xf32>
      %add3A_705 = arith.addf %scan3A_680, %get3A_704 : vector<16xf32>
      %add3A_706 = arith.constant 32 : i32
      %add3A_707 = arith.addi %add3A_706, %scan3A_677 : i32
      %get3A_708 = arith.index_cast %add3A_707 : i32 to index
      %get3A_709 = arith.constant 48 : index
      %get3A_710 = tpu.vector_load %arg10[%get3A_708, %get3A_709] {strides = array<i32>} : memref<64x128xf32, #tpu.memory_space<vmem>>, vector<1x16xf32>,
      %get3A_711 = vector.shape_cast %get3A_710 : vector<1x16xf32> to vector<16xf32>
      %add3A_712 = arith.addf %scan3A_681, %get3A_711 : vector<16xf32>
      %add3A_713 = arith.constant 32 : i32
      %add3A_714 = arith.addi %add3A_713, %scan3A_677 : i32
      %get3A_715 = arith.index_cast %add3A_714 : i32 to index
      %get3A_716 = arith.constant 64 : index
      %get3A_717 = tpu.vector_load %arg10[%get3A_715, %get3A_716] {strides = array<i32>} : memref<64x128xf32, #tpu.memory_space<vmem>>, vector<1x16xf32>,
      %get3A_718 = vector.shape_cast %get3A_717 : vector<1x16xf32> to vector<16xf32>
      %add3A_719 = arith.addf %scan3A_682, %get3A_718 : vector<16xf32>
      %add3A_720 = arith.constant 32 : i32
      %add3A_721 = arith.addi %add3A_720, %scan3A_677 : i32
      %get3A_722 = arith.index_cast %add3A_721 : i32 to index
      %get3A_723 = arith.constant 80 : index
      %get3A_724 = tpu.vector_load %arg10[%get3A_722, %get3A_723] {strides = array<i32>} : memref<64x128xf32, #tpu.memory_space<vmem>>, vector<1x16xf32>,
      %get3A_725 = vector.shape_cast %get3A_724 : vector<1x16xf32> to vector<16xf32>
      %add3A_726 = arith.addf %scan3A_683, %get3A_725 : vector<16xf32>
      %add3A_727 = arith.constant 32 : i32
      %add3A_728 = arith.addi %add3A_727, %scan3A_677 : i32
      %get3A_729 = arith.index_cast %add3A_728 : i32 to index
      %get3A_730 = arith.constant 96 : index
      %get3A_731 = tpu.vector_load %arg10[%get3A_729, %get3A_730] {strides = array<i32>} : memref<64x128xf32, #tpu.memory_space<vmem>>, vector<1x16xf32>,
      %get3A_732 = vector.shape_cast %get3A_731 : vector<1x16xf32> to vector<16xf32>
      %add3A_733 = arith.addf %scan3A_684, %get3A_732 : vector<16xf32>
      %add3A_734 = arith.constant 32 : i32
      %add3A_735 = arith.addi %add3A_734, %scan3A_677 : i32
      %get3A_736 = arith.index_cast %add3A_735 : i32 to index
      %get3A_737 = arith.constant 112 : index
      %get3A_738 = tpu.vector_load %arg10[%get3A_736, %get3A_737] {strides = array<i32>} : memref<64x128xf32, #tpu.memory_space<vmem>>, vector<1x16xf32>,
      %get3A_739 = vector.shape_cast %get3A_738 : vector<1x16xf32> to vector<16xf32>
      %add3A_740 = arith.addf %scan3A_685, %get3A_739 : vector<16xf32>
      %scan3A_741 = arith.constant 1 : i32
      %scan3A_742 = arith.addi %scan3A_677, %scan3A_741 : i32
      %add3A_743 = arith.constant 32 : i32
      %add3A_744 = arith.addi %add3A_743, %scan3A_742 : i32
      %get3A_745 = arith.index_cast %add3A_744 : i32 to index
      %get3A_746 = arith.constant 0 : index
      %get3A_747 = tpu.vector_load %arg10[%get3A_745, %get3A_746] {strides = array<i32>} : memref<64x128xf32, #tpu.memory_space<vmem>>, vector<1x16xf32>,
      %get3A_748 = vector.shape_cast %get3A_747 : vector<1x16xf32> to vector<16xf32>
      %add3A_749 = arith.addf %add3A_691, %get3A_748 : vector<16xf32>
      %add3A_750 = arith.constant 32 : i32
      %add3A_751 = arith.addi %add3A_750, %scan3A_742 : i32
      %get3A_752 = arith.index_cast %add3A_751 : i32 to index
      %get3A_753 = arith.constant 16 : index
      %get3A_754 = tpu.vector_load %arg10[%get3A_752, %get3A_753] {strides = array<i32>} : memref<64x128xf32, #tpu.memory_space<vmem>>, vector<1x16xf32>,
      %get3A_755 = vector.shape_cast %get3A_754 : vector<1x16xf32> to vector<16xf32>
      %add3A_756 = arith.addf %add3A_698, %get3A_755 : vector<16xf32>
      %add3A_757 = arith.constant 32 : i32
      %add3A_758 = arith.addi %add3A_757, %scan3A_742 : i32
      %get3A_759 = arith.index_cast %add3A_758 : i32 to index
      %get3A_760 = arith.constant 32 : index
      %get3A_761 = tpu.vector_load %arg10[%get3A_759, %get3A_760] {strides = array<i32>} : memref<64x128xf32, #tpu.memory_space<vmem>>, vector<1x16xf32>,
      %get3A_762 = vector.shape_cast %get3A_761 : vector<1x16xf32> to vector<16xf32>
      %add3A_763 = arith.addf %add3A_705, %get3A_762 : vector<16xf32>
      %add3A_764 = arith.constant 32 : i32
      %add3A_765 = arith.addi %add3A_764, %scan3A_742 : i32
      %get3A_766 = arith.index_cast %add3A_765 : i32 to index
      %get3A_767 = arith.constant 48 : index
      %get3A_768 = tpu.vector_load %arg10[%get3A_766, %get3A_767] {strides = array<i32>} : memref<64x128xf32, #tpu.memory_space<vmem>>, vector<1x16xf32>,
      %get3A_769 = vector.shape_cast %get3A_768 : vector<1x16xf32> to vector<16xf32>
      %add3A_770 = arith.addf %add3A_712, %get3A_769 : vector<16xf32>
      %add3A_771 = arith.constant 32 : i32
      %add3A_772 = arith.addi %add3A_771, %scan3A_742 : i32
      %get3A_773 = arith.index_cast %add3A_772 : i32 to index
      %get3A_774 = arith.constant 64 : index
      %get3A_775 = tpu.vector_load %arg10[%get3A_773, %get3A_774] {strides = array<i32>} : memref<64x128xf32, #tpu.memory_space<vmem>>, vector<1x16xf32>,
      %get3A_776 = vector.shape_cast %get3A_775 : vector<1x16xf32> to vector<16xf32>
      %add3A_777 = arith.addf %add3A_719, %get3A_776 : vector<16xf32>
      %add3A_778 = arith.constant 32 : i32
      %add3A_779 = arith.addi %add3A_778, %scan3A_742 : i32
      %get3A_780 = arith.index_cast %add3A_779 : i32 to index
      %get3A_781 = arith.constant 80 : index
      %get3A_782 = tpu.vector_load %arg10[%get3A_780, %get3A_781] {strides = array<i32>} : memref<64x128xf32, #tpu.memory_space<vmem>>, vector<1x16xf32>,
      %get3A_783 = vector.shape_cast %get3A_782 : vector<1x16xf32> to vector<16xf32>
      %add3A_784 = arith.addf %add3A_726, %get3A_783 : vector<16xf32>
      %add3A_785 = arith.constant 32 : i32
      %add3A_786 = arith.addi %add3A_785, %scan3A_742 : i32
      %get3A_787 = arith.index_cast %add3A_786 : i32 to index
      %get3A_788 = arith.constant 96 : index
      %get3A_789 = tpu.vector_load %arg10[%get3A_787, %get3A_788] {strides = array<i32>} : memref<64x128xf32, #tpu.memory_space<vmem>>, vector<1x16xf32>,
      %get3A_790 = vector.shape_cast %get3A_789 : vector<1x16xf32> to vector<16xf32>
      %add3A_791 = arith.addf %add3A_733, %get3A_790 : vector<16xf32>
      %add3A_792 = arith.constant 32 : i32
      %add3A_793 = arith.addi %add3A_792, %scan3A_742 : i32
      %get3A_794 = arith.index_cast %add3A_793 : i32 to index
      %get3A_795 = arith.constant 112 : index
      %get3A_796 = tpu.vector_load %arg10[%get3A_794, %get3A_795] {strides = array<i32>} : memref<64x128xf32, #tpu.memory_space<vmem>>, vector<1x16xf32>,
      %get3A_797 = vector.shape_cast %get3A_796 : vector<1x16xf32> to vector<16xf32>
      %add3A_798 = arith.addf %add3A_740, %get3A_797 : vector<16xf32>
      %scan3A_799 = arith.constant 2 : i32
      %scan3A_800 = arith.addi %scan3A_677, %scan3A_799 : i32
      %add3A_801 = arith.constant 32 : i32
      %add3A_802 = arith.addi %add3A_801, %scan3A_800 : i32
      %get3A_803 = arith.index_cast %add3A_802 : i32 to index
      %get3A_804 = arith.constant 0 : index
      %get3A_805 = tpu.vector_load %arg10[%get3A_803, %get3A_804] {strides = array<i32>} : memref<64x128xf32, #tpu.memory_space<vmem>>, vector<1x16xf32>,
      %get3A_806 = vector.shape_cast %get3A_805 : vector<1x16xf32> to vector<16xf32>
      %add3A_807 = arith.addf %add3A_749, %get3A_806 : vector<16xf32>
      %add3A_808 = arith.constant 32 : i32
      %add3A_809 = arith.addi %add3A_808, %scan3A_800 : i32
      %get3A_810 = arith.index_cast %add3A_809 : i32 to index
      %get3A_811 = arith.constant 16 : index
      %get3A_812 = tpu.vector_load %arg10[%get3A_810, %get3A_811] {strides = array<i32>} : memref<64x128xf32, #tpu.memory_space<vmem>>, vector<1x16xf32>,
      %get3A_813 = vector.shape_cast %get3A_812 : vector<1x16xf32> to vector<16xf32>
      %add3A_814 = arith.addf %add3A_756, %get3A_813 : vector<16xf32>
      %add3A_815 = arith.constant 32 : i32
      %add3A_816 = arith.addi %add3A_815, %scan3A_800 : i32
      %get3A_817 = arith.index_cast %add3A_816 : i32 to index
      %get3A_818 = arith.constant 32 : index
      %get3A_819 = tpu.vector_load %arg10[%get3A_817, %get3A_818] {strides = array<i32>} : memref<64x128xf32, #tpu.memory_space<vmem>>, vector<1x16xf32>,
      %get3A_820 = vector.shape_cast %get3A_819 : vector<1x16xf32> to vector<16xf32>
      %add3A_821 = arith.addf %add3A_763, %get3A_820 : vector<16xf32>
      %add3A_822 = arith.constant 32 : i32
      %add3A_823 = arith.addi %add3A_822, %scan3A_800 : i32
      %get3A_824 = arith.index_cast %add3A_823 : i32 to index
      %get3A_825 = arith.constant 48 : index
      %get3A_826 = tpu.vector_load %arg10[%get3A_824, %get3A_825] {strides = array<i32>} : memref<64x128xf32, #tpu.memory_space<vmem>>, vector<1x16xf32>,
      %get3A_827 = vector.shape_cast %get3A_826 : vector<1x16xf32> to vector<16xf32>
      %add3A_828 = arith.addf %add3A_770, %get3A_827 : vector<16xf32>
      %add3A_829 = arith.constant 32 : i32
      %add3A_830 = arith.addi %add3A_829, %scan3A_800 : i32
      %get3A_831 = arith.index_cast %add3A_830 : i32 to index
      %get3A_832 = arith.constant 64 : index
      %get3A_833 = tpu.vector_load %arg10[%get3A_831, %get3A_832] {strides = array<i32>} : memref<64x128xf32, #tpu.memory_space<vmem>>, vector<1x16xf32>,
      %get3A_834 = vector.shape_cast %get3A_833 : vector<1x16xf32> to vector<16xf32>
      %add3A_835 = arith.addf %add3A_777, %get3A_834 : vector<16xf32>
      %add3A_836 = arith.constant 32 : i32
      %add3A_837 = arith.addi %add3A_836, %scan3A_800 : i32
      %get3A_838 = arith.index_cast %add3A_837 : i32 to index
      %get3A_839 = arith.constant 80 : index
      %get3A_840 = tpu.vector_load %arg10[%get3A_838, %get3A_839] {strides = array<i32>} : memref<64x128xf32, #tpu.memory_space<vmem>>, vector<1x16xf32>,
      %get3A_841 = vector.shape_cast %get3A_840 : vector<1x16xf32> to vector<16xf32>
      %add3A_842 = arith.addf %add3A_784, %get3A_841 : vector<16xf32>
      %add3A_843 = arith.constant 32 : i32
      %add3A_844 = arith.addi %add3A_843, %scan3A_800 : i32
      %get3A_845 = arith.index_cast %add3A_844 : i32 to index
      %get3A_846 = arith.constant 96 : index
      %get3A_847 = tpu.vector_load %arg10[%get3A_845, %get3A_846] {strides = array<i32>} : memref<64x128xf32, #tpu.memory_space<vmem>>, vector<1x16xf32>,
      %get3A_848 = vector.shape_cast %get3A_847 : vector<1x16xf32> to vector<16xf32>
      %add3A_849 = arith.addf %add3A_791, %get3A_848 : vector<16xf32>
      %add3A_850 = arith.constant 32 : i32
      %add3A_851 = arith.addi %add3A_850, %scan3A_800 : i32
      %get3A_852 = arith.index_cast %add3A_851 : i32 to index
      %get3A_853 = arith.constant 112 : index
      %get3A_854 = tpu.vector_load %arg10[%get3A_852, %get3A_853] {strides = array<i32>} : memref<64x128xf32, #tpu.memory_space<vmem>>, vector<1x16xf32>,
      %get3A_855 = vector.shape_cast %get3A_854 : vector<1x16xf32> to vector<16xf32>
      %add3A_856 = arith.addf %add3A_798, %get3A_855 : vector<16xf32>
      %scan3A_857 = arith.constant 3 : i32
      %scan3A_858 = arith.addi %scan3A_677, %scan3A_857 : i32
      %add3A_859 = arith.constant 32 : i32
      %add3A_860 = arith.addi %add3A_859, %scan3A_858 : i32
      %get3A_861 = arith.index_cast %add3A_860 : i32 to index
      %get3A_862 = arith.constant 0 : index
      %get3A_863 = tpu.vector_load %arg10[%get3A_861, %get3A_862] {strides = array<i32>} : memref<64x128xf32, #tpu.memory_space<vmem>>, vector<1x16xf32>,
      %get3A_864 = vector.shape_cast %get3A_863 : vector<1x16xf32> to vector<16xf32>
      %add3A_865 = arith.addf %add3A_807, %get3A_864 : vector<16xf32>
      %add3A_866 = arith.constant 32 : i32
      %add3A_867 = arith.addi %add3A_866, %scan3A_858 : i32
      %get3A_868 = arith.index_cast %add3A_867 : i32 to index
      %get3A_869 = arith.constant 16 : index
      %get3A_870 = tpu.vector_load %arg10[%get3A_868, %get3A_869] {strides = array<i32>} : memref<64x128xf32, #tpu.memory_space<vmem>>, vector<1x16xf32>,
      %get3A_871 = vector.shape_cast %get3A_870 : vector<1x16xf32> to vector<16xf32>
      %add3A_872 = arith.addf %add3A_814, %get3A_871 : vector<16xf32>
      %add3A_873 = arith.constant 32 : i32
      %add3A_874 = arith.addi %add3A_873, %scan3A_858 : i32
      %get3A_875 = arith.index_cast %add3A_874 : i32 to index
      %get3A_876 = arith.constant 32 : index
      %get3A_877 = tpu.vector_load %arg10[%get3A_875, %get3A_876] {strides = array<i32>} : memref<64x128xf32, #tpu.memory_space<vmem>>, vector<1x16xf32>,
      %get3A_878 = vector.shape_cast %get3A_877 : vector<1x16xf32> to vector<16xf32>
      %add3A_879 = arith.addf %add3A_821, %get3A_878 : vector<16xf32>
      %add3A_880 = arith.constant 32 : i32
      %add3A_881 = arith.addi %add3A_880, %scan3A_858 : i32
      %get3A_882 = arith.index_cast %add3A_881 : i32 to index
      %get3A_883 = arith.constant 48 : index
      %get3A_884 = tpu.vector_load %arg10[%get3A_882, %get3A_883] {strides = array<i32>} : memref<64x128xf32, #tpu.memory_space<vmem>>, vector<1x16xf32>,
      %get3A_885 = vector.shape_cast %get3A_884 : vector<1x16xf32> to vector<16xf32>
      %add3A_886 = arith.addf %add3A_828, %get3A_885 : vector<16xf32>
      %add3A_887 = arith.constant 32 : i32
      %add3A_888 = arith.addi %add3A_887, %scan3A_858 : i32
      %get3A_889 = arith.index_cast %add3A_888 : i32 to index
      %get3A_890 = arith.constant 64 : index
      %get3A_891 = tpu.vector_load %arg10[%get3A_889, %get3A_890] {strides = array<i32>} : memref<64x128xf32, #tpu.memory_space<vmem>>, vector<1x16xf32>,
      %get3A_892 = vector.shape_cast %get3A_891 : vector<1x16xf32> to vector<16xf32>
      %add3A_893 = arith.addf %add3A_835, %get3A_892 : vector<16xf32>
      %add3A_894 = arith.constant 32 : i32
      %add3A_895 = arith.addi %add3A_894, %scan3A_858 : i32
      %get3A_896 = arith.index_cast %add3A_895 : i32 to index
      %get3A_897 = arith.constant 80 : index
      %get3A_898 = tpu.vector_load %arg10[%get3A_896, %get3A_897] {strides = array<i32>} : memref<64x128xf32, #tpu.memory_space<vmem>>, vector<1x16xf32>,
      %get3A_899 = vector.shape_cast %get3A_898 : vector<1x16xf32> to vector<16xf32>
      %add3A_900 = arith.addf %add3A_842, %get3A_899 : vector<16xf32>
      %add3A_901 = arith.constant 32 : i32
      %add3A_902 = arith.addi %add3A_901, %scan3A_858 : i32
      %get3A_903 = arith.index_cast %add3A_902 : i32 to index
      %get3A_904 = arith.constant 96 : index
      %get3A_905 = tpu.vector_load %arg10[%get3A_903, %get3A_904] {strides = array<i32>} : memref<64x128xf32, #tpu.memory_space<vmem>>, vector<1x16xf32>,
      %get3A_906 = vector.shape_cast %get3A_905 : vector<1x16xf32> to vector<16xf32>
      %add3A_907 = arith.addf %add3A_849, %get3A_906 : vector<16xf32>
      %add3A_908 = arith.constant 32 : i32
      %add3A_909 = arith.addi %add3A_908, %scan3A_858 : i32
      %get3A_910 = arith.index_cast %add3A_909 : i32 to index
      %get3A_911 = arith.constant 112 : index
      %get3A_912 = tpu.vector_load %arg10[%get3A_910, %get3A_911] {strides = array<i32>} : memref<64x128xf32, #tpu.memory_space<vmem>>, vector<1x16xf32>,
      %get3A_913 = vector.shape_cast %get3A_912 : vector<1x16xf32> to vector<16xf32>
      %add3A_914 = arith.addf %add3A_856, %get3A_913 : vector<16xf32>
      scf.yield %add3A_865, %add3A_872, %add3A_879, %add3A_886, %add3A_893, %add3A_900, %add3A_907, %add3A_914 : vector<16xf32>, vector<16xf32>, vector<16xf32>, vector<16xf32>, vector<16xf32>, vector<16xf32>, vector<16xf32>, vector<16xf32>
    }
    %scan3A_350 = arith.constant 32 : i32
    %mul3A_351 = arith.constant 3.125000e-02 : f32
    %mul3A_352 = vector.broadcast %mul3A_351 : f32 to vector<16xf32>
    %mul3A_353 = arith.mulf %scan3A_349#0, %mul3A_352 : vector<16xf32>
    %swap3A_354 = arith.constant 3 : i32
    %swap3A_355 = arith.index_cast %swap3A_354 : i32 to index
    %swap3A_356 = arith.constant 0 : index
    %swap3A_357 = tpu.vector_load %arg15[%swap3A_355, %swap3A_356] {strides = array<i32>} : memref<6x128xf32, #tpu.memory_space<vmem>>, vector<1x16xf32>,
    %swap3A_358 = vector.shape_cast %swap3A_357 : vector<1x16xf32> to vector<16xf32>
    %swap3A_359 = vector.shape_cast %mul3A_353 : vector<16xf32> to vector<1x16xf32>
    tpu.vector_store %arg15[%swap3A_355, %swap3A_356], %swap3A_359 {strides = array<i32>} : memref<6x128xf32, #tpu.memory_space<vmem>>, vector<1x16xf32>,
    %mul3A_360 = arith.constant 3.125000e-02 : f32
    %mul3A_361 = vector.broadcast %mul3A_360 : f32 to vector<16xf32>
    %mul3A_362 = arith.mulf %scan3A_349#1, %mul3A_361 : vector<16xf32>
    %swap3A_363 = arith.constant 3 : i32
    %swap3A_364 = arith.index_cast %swap3A_363 : i32 to index
    %swap3A_365 = arith.constant 16 : index
    %swap3A_366 = tpu.vector_load %arg15[%swap3A_364, %swap3A_365] {strides = array<i32>} : memref<6x128xf32, #tpu.memory_space<vmem>>, vector<1x16xf32>,
    %swap3A_367 = vector.shape_cast %swap3A_366 : vector<1x16xf32> to vector<16xf32>
    %swap3A_368 = vector.shape_cast %mul3A_362 : vector<16xf32> to vector<1x16xf32>
    tpu.vector_store %arg15[%swap3A_364, %swap3A_365], %swap3A_368 {strides = array<i32>} : memref<6x128xf32, #tpu.memory_space<vmem>>, vector<1x16xf32>,
    %mul3A_369 = arith.constant 3.125000e-02 : f32
    %mul3A_370 = vector.broadcast %mul3A_369 : f32 to vector<16xf32>
    %mul3A_371 = arith.mulf %scan3A_349#2, %mul3A_370 : vector<16xf32>
    %swap3A_372 = arith.constant 3 : i32
    %swap3A_373 = arith.index_cast %swap3A_372 : i32 to index
    %swap3A_374 = arith.constant 32 : index
    %swap3A_375 = tpu.vector_load %arg15[%swap3A_373, %swap3A_374] {strides = array<i32>} : memref<6x128xf32, #tpu.memory_space<vmem>>, vector<1x16xf32>,
    %swap3A_376 = vector.shape_cast %swap3A_375 : vector<1x16xf32> to vector<16xf32>
    %swap3A_377 = vector.shape_cast %mul3A_371 : vector<16xf32> to vector<1x16xf32>
    tpu.vector_store %arg15[%swap3A_373, %swap3A_374], %swap3A_377 {strides = array<i32>} : memref<6x128xf32, #tpu.memory_space<vmem>>, vector<1x16xf32>,
    %mul3A_378 = arith.constant 3.125000e-02 : f32
    %mul3A_379 = vector.broadcast %mul3A_378 : f32 to vector<16xf32>
    %mul3A_380 = arith.mulf %scan3A_349#3, %mul3A_379 : vector<16xf32>
    %swap3A_381 = arith.constant 3 : i32
    %swap3A_382 = arith.index_cast %swap3A_381 : i32 to index
    %swap3A_383 = arith.constant 48 : index
    %swap3A_384 = tpu.vector_load %arg15[%swap3A_382, %swap3A_383] {strides = array<i32>} : memref<6x128xf32, #tpu.memory_space<vmem>>, vector<1x16xf32>,
    %swap3A_385 = vector.shape_cast %swap3A_384 : vector<1x16xf32> to vector<16xf32>
    %swap3A_386 = vector.shape_cast %mul3A_380 : vector<16xf32> to vector<1x16xf32>
    tpu.vector_store %arg15[%swap3A_382, %swap3A_383], %swap3A_386 {strides = array<i32>} : memref<6x128xf32, #tpu.memory_space<vmem>>, vector<1x16xf32>,
    %mul3A_387 = arith.constant 3.125000e-02 : f32
    %mul3A_388 = vector.broadcast %mul3A_387 : f32 to vector<16xf32>
    %mul3A_389 = arith.mulf %scan3A_349#4, %mul3A_388 : vector<16xf32>
    %swap3A_390 = arith.constant 3 : i32
    %swap3A_391 = arith.index_cast %swap3A_390 : i32 to index
    %swap3A_392 = arith.constant 64 : index
    %swap3A_393 = tpu.vector_load %arg15[%swap3A_391, %swap3A_392] {strides = array<i32>} : memref<6x128xf32, #tpu.memory_space<vmem>>, vector<1x16xf32>,
    %swap3A_394 = vector.shape_cast %swap3A_393 : vector<1x16xf32> to vector<16xf32>
    %swap3A_395 = vector.shape_cast %mul3A_389 : vector<16xf32> to vector<1x16xf32>
    tpu.vector_store %arg15[%swap3A_391, %swap3A_392], %swap3A_395 {strides = array<i32>} : memref<6x128xf32, #tpu.memory_space<vmem>>, vector<1x16xf32>,
    %mul3A_396 = arith.constant 3.125000e-02 : f32
    %mul3A_397 = vector.broadcast %mul3A_396 : f32 to vector<16xf32>
    %mul3A_398 = arith.mulf %scan3A_349#5, %mul3A_397 : vector<16xf32>
    %swap3A_399 = arith.constant 3 : i32
    %swap3A_400 = arith.index_cast %swap3A_399 : i32 to index
    %swap3A_401 = arith.constant 80 : index
    %swap3A_402 = tpu.vector_load %arg15[%swap3A_400, %swap3A_401] {strides = array<i32>} : memref<6x128xf32, #tpu.memory_space<vmem>>, vector<1x16xf32>,
    %swap3A_403 = vector.shape_cast %swap3A_402 : vector<1x16xf32> to vector<16xf32>
    %swap3A_404 = vector.shape_cast %mul3A_398 : vector<16xf32> to vector<1x16xf32>
    tpu.vector_store %arg15[%swap3A_400, %swap3A_401], %swap3A_404 {strides = array<i32>} : memref<6x128xf32, #tpu.memory_space<vmem>>, vector<1x16xf32>,
    %mul3A_405 = arith.constant 3.125000e-02 : f32
    %mul3A_406 = vector.broadcast %mul3A_405 : f32 to vector<16xf32>
    %mul3A_407 = arith.mulf %scan3A_349#6, %mul3A_406 : vector<16xf32>
    %swap3A_408 = arith.constant 3 : i32
    %swap3A_409 = arith.index_cast %swap3A_408 : i32 to index
    %swap3A_410 = arith.constant 96 : index
    %swap3A_411 = tpu.vector_load %arg15[%swap3A_409, %swap3A_410] {strides = array<i32>} : memref<6x128xf32, #tpu.memory_space<vmem>>, vector<1x16xf32>,
    %swap3A_412 = vector.shape_cast %swap3A_411 : vector<1x16xf32> to vector<16xf32>
    %swap3A_413 = vector.shape_cast %mul3A_407 : vector<16xf32> to vector<1x16xf32>
    tpu.vector_store %arg15[%swap3A_409, %swap3A_410], %swap3A_413 {strides = array<i32>} : memref<6x128xf32, #tpu.memory_space<vmem>>, vector<1x16xf32>,
    %mul3A_414 = arith.constant 3.125000e-02 : f32
    %mul3A_415 = vector.broadcast %mul3A_414 : f32 to vector<16xf32>
    %mul3A_416 = arith.mulf %scan3A_349#7, %mul3A_415 : vector<16xf32>
    %swap3A_417 = arith.constant 3 : i32
    %swap3A_418 = arith.index_cast %swap3A_417 : i32 to index
    %swap3A_419 = arith.constant 112 : index
    %swap3A_420 = tpu.vector_load %arg15[%swap3A_418, %swap3A_419] {strides = array<i32>} : memref<6x128xf32, #tpu.memory_space<vmem>>, vector<1x16xf32>,
    %swap3A_421 = vector.shape_cast %swap3A_420 : vector<1x16xf32> to vector<16xf32>
    %swap3A_422 = vector.shape_cast %mul3A_416 : vector<16xf32> to vector<1x16xf32>
    tpu.vector_store %arg15[%swap3A_418, %swap3A_419], %swap3A_422 {strides = array<i32>} : memref<6x128xf32, #tpu.memory_space<vmem>>, vector<1x16xf32>,
    %mul3A_423 = arith.constant 2 : i32
    %mul3A_424 = arith.muli %add3A, %mul3A_423 : i32
    %add3A_425 = arith.constant 64 : i32
    %add3A_426 = arith.addi %add3A_425, %mul3A_424 : i32
    %dma_start3A_427 = arith.constant 2 : i32
    %dma_start3A_428 = arith.constant 0 : i32
    %dma_start3A_429 = tpu.memref_slice %arg15[%dma_start3A_427, %dma_start3A_428] : memref<6x128xf32, #tpu.memory_space<vmem>> -> memref<2x128xf32, #tpu.memory_space<vmem>>
    %dma_start3A_430 = arith.constant 0 : i32
    %dma_start3A_431 = tpu.memref_slice %arg5[%add3A_426, %dma_start3A_430] : memref<192x128xf32, #tpu.memory_space<hbm>> -> memref<2x128xf32, #tpu.memory_space<hbm>>
    %dma_start3A_432 = arith.constant 0 : i32
    %dma_start3A_433 = tpu.memref_slice %arg5[%add3A_426, %dma_start3A_432] : memref<192x128xf32, #tpu.memory_space<hbm>> -> memref<2x128xf32, #tpu.memory_space<hbm>>
    %dma_start3A_434 = arith.constant 2 : i32
    %dma_start3A_435 = arith.constant 0 : i32
    %dma_start3A_436 = tpu.memref_slice %arg15[%dma_start3A_434, %dma_start3A_435] : memref<6x128xf32, #tpu.memory_space<vmem>> -> memref<2x128xf32, #tpu.memory_space<vmem>>
    tpu.enqueue_dma source(%dma_start3A_436 : memref<2x128xf32, #tpu.memory_space<vmem>>) target(%dma_start3A_433 : memref<2x128xf32, #tpu.memory_space<hbm>>) target_semaphore(%arg19 : memref<!tpu.dma_semaphore, #tpu.memory_space<semaphore_mem>>)
    %dma_wait3A_437 = arith.constant 0 : i32
    %dma_wait3A_438 = arith.constant 0 : i32
    %dma_wait3A_439 = tpu.memref_slice %arg4[%dma_wait3A_437, %dma_wait3A_438] : memref<1000x128xf32, #tpu.memory_space<hbm>> -> memref<1000x128xf32, #tpu.memory_space<hbm>>
    tpu.wait_indirect_dma semaphore(%arg16 : memref<!tpu.dma_semaphore, #tpu.memory_space<semaphore_mem>>) src(%dma_wait3A_439 : memref<1000x128xf32, #tpu.memory_space<hbm>>) dst(%arg12 : memref<32x128xf32, #tpu.memory_space<vmem>>)
    %broadcast_in_dim3A_440 = arith.constant 0.000000e+00 : f32
    %broadcast_in_dim3A_441 = vector.broadcast %broadcast_in_dim3A_440 : f32 to vector<16xf32>
    %broadcast_in_dim3A_442 = arith.constant 0.000000e+00 : f32
    %broadcast_in_dim3A_443 = vector.broadcast %broadcast_in_dim3A_442 : f32 to vector<16xf32>
    %broadcast_in_dim3A_444 = arith.constant 0.000000e+00 : f32
    %broadcast_in_dim3A_445 = vector.broadcast %broadcast_in_dim3A_444 : f32 to vector<16xf32>
    %broadcast_in_dim3A_446 = arith.constant 0.000000e+00 : f32
    %broadcast_in_dim3A_447 = vector.broadcast %broadcast_in_dim3A_446 : f32 to vector<16xf32>
    %broadcast_in_dim3A_448 = arith.constant 0.000000e+00 : f32
    %broadcast_in_dim3A_449 = vector.broadcast %broadcast_in_dim3A_448 : f32 to vector<16xf32>
    %broadcast_in_dim3A_450 = arith.constant 0.000000e+00 : f32
    %broadcast_in_dim3A_451 = vector.broadcast %broadcast_in_dim3A_450 : f32 to vector<16xf32>
    %broadcast_in_dim3A_452 = arith.constant 0.000000e+00 : f32
    %broadcast_in_dim3A_453 = vector.broadcast %broadcast_in_dim3A_452 : f32 to vector<16xf32>
    %broadcast_in_dim3A_454 = arith.constant 0.000000e+00 : f32
    %broadcast_in_dim3A_455 = vector.broadcast %broadcast_in_dim3A_454 : f32 to vector<16xf32>
    %scan3A_456 = arith.constant 0 : i32
    %scan3A_457 = arith.constant 16 : i32
    %scan3A_458 = arith.addi %scan3A_456, %scan3A_457 : i32
    %scan3A_459 = arith.constant 4 : i32
    %scan3A_460:8 = scf.for %scan3A_677 = %scan3A_456 to %scan3A_458 step %scan3A_459 iter_args(%scan3A_678 = %broadcast_in_dim3A_441, %scan3A_679 = %broadcast_in_dim3A_443, %scan3A_680 = %broadcast_in_dim3A_445, %scan3A_681 = %broadcast_in_dim3A_447, %scan3A_682 = %broadcast_in_dim3A_449, %scan3A_683 = %broadcast_in_dim3A_451, %scan3A_684 = %broadcast_in_dim3A_453, %scan3A_685 = %broadcast_in_dim3A_455) -> (vector<16xf32>, vector<16xf32>, vector<16xf32>, vector<16xf32>, vector<16xf32>, vector<16xf32>, vector<16xf32>, vector<16xf32>)  : i32 {
      %add3A_686 = arith.constant 0 : i32
      %add3A_687 = arith.addi %add3A_686, %scan3A_677 : i32
      %get3A = arith.index_cast %add3A_687 : i32 to index
      %get3A_688 = arith.constant 0 : index
      %get3A_689 = tpu.vector_load %arg12[%get3A, %get3A_688] {strides = array<i32>} : memref<32x128xf32, #tpu.memory_space<vmem>>, vector<1x16xf32>,
      %get3A_690 = vector.shape_cast %get3A_689 : vector<1x16xf32> to vector<16xf32>
      %add3A_691 = arith.addf %scan3A_678, %get3A_690 : vector<16xf32>
      %add3A_692 = arith.constant 0 : i32
      %add3A_693 = arith.addi %add3A_692, %scan3A_677 : i32
      %get3A_694 = arith.index_cast %add3A_693 : i32 to index
      %get3A_695 = arith.constant 16 : index
      %get3A_696 = tpu.vector_load %arg12[%get3A_694, %get3A_695] {strides = array<i32>} : memref<32x128xf32, #tpu.memory_space<vmem>>, vector<1x16xf32>,
      %get3A_697 = vector.shape_cast %get3A_696 : vector<1x16xf32> to vector<16xf32>
      %add3A_698 = arith.addf %scan3A_679, %get3A_697 : vector<16xf32>
      %add3A_699 = arith.constant 0 : i32
      %add3A_700 = arith.addi %add3A_699, %scan3A_677 : i32
      %get3A_701 = arith.index_cast %add3A_700 : i32 to index
      %get3A_702 = arith.constant 32 : index
      %get3A_703 = tpu.vector_load %arg12[%get3A_701, %get3A_702] {strides = array<i32>} : memref<32x128xf32, #tpu.memory_space<vmem>>, vector<1x16xf32>,
      %get3A_704 = vector.shape_cast %get3A_703 : vector<1x16xf32> to vector<16xf32>
      %add3A_705 = arith.addf %scan3A_680, %get3A_704 : vector<16xf32>
      %add3A_706 = arith.constant 0 : i32
      %add3A_707 = arith.addi %add3A_706, %scan3A_677 : i32
      %get3A_708 = arith.index_cast %add3A_707 : i32 to index
      %get3A_709 = arith.constant 48 : index
      %get3A_710 = tpu.vector_load %arg12[%get3A_708, %get3A_709] {strides = array<i32>} : memref<32x128xf32, #tpu.memory_space<vmem>>, vector<1x16xf32>,
      %get3A_711 = vector.shape_cast %get3A_710 : vector<1x16xf32> to vector<16xf32>
      %add3A_712 = arith.addf %scan3A_681, %get3A_711 : vector<16xf32>
      %add3A_713 = arith.constant 0 : i32
      %add3A_714 = arith.addi %add3A_713, %scan3A_677 : i32
      %get3A_715 = arith.index_cast %add3A_714 : i32 to index
      %get3A_716 = arith.constant 64 : index
      %get3A_717 = tpu.vector_load %arg12[%get3A_715, %get3A_716] {strides = array<i32>} : memref<32x128xf32, #tpu.memory_space<vmem>>, vector<1x16xf32>,
      %get3A_718 = vector.shape_cast %get3A_717 : vector<1x16xf32> to vector<16xf32>
      %add3A_719 = arith.addf %scan3A_682, %get3A_718 : vector<16xf32>
      %add3A_720 = arith.constant 0 : i32
      %add3A_721 = arith.addi %add3A_720, %scan3A_677 : i32
      %get3A_722 = arith.index_cast %add3A_721 : i32 to index
      %get3A_723 = arith.constant 80 : index
      %get3A_724 = tpu.vector_load %arg12[%get3A_722, %get3A_723] {strides = array<i32>} : memref<32x128xf32, #tpu.memory_space<vmem>>, vector<1x16xf32>,
      %get3A_725 = vector.shape_cast %get3A_724 : vector<1x16xf32> to vector<16xf32>
      %add3A_726 = arith.addf %scan3A_683, %get3A_725 : vector<16xf32>
      %add3A_727 = arith.constant 0 : i32
      %add3A_728 = arith.addi %add3A_727, %scan3A_677 : i32
      %get3A_729 = arith.index_cast %add3A_728 : i32 to index
      %get3A_730 = arith.constant 96 : index
      %get3A_731 = tpu.vector_load %arg12[%get3A_729, %get3A_730] {strides = array<i32>} : memref<32x128xf32, #tpu.memory_space<vmem>>, vector<1x16xf32>,
      %get3A_732 = vector.shape_cast %get3A_731 : vector<1x16xf32> to vector<16xf32>
      %add3A_733 = arith.addf %scan3A_684, %get3A_732 : vector<16xf32>
      %add3A_734 = arith.constant 0 : i32
      %add3A_735 = arith.addi %add3A_734, %scan3A_677 : i32
      %get3A_736 = arith.index_cast %add3A_735 : i32 to index
      %get3A_737 = arith.constant 112 : index
      %get3A_738 = tpu.vector_load %arg12[%get3A_736, %get3A_737] {strides = array<i32>} : memref<32x128xf32, #tpu.memory_space<vmem>>, vector<1x16xf32>,
      %get3A_739 = vector.shape_cast %get3A_738 : vector<1x16xf32> to vector<16xf32>
      %add3A_740 = arith.addf %scan3A_685, %get3A_739 : vector<16xf32>
      %scan3A_741 = arith.constant 1 : i32
      %scan3A_742 = arith.addi %scan3A_677, %scan3A_741 : i32
      %add3A_743 = arith.constant 0 : i32
      %add3A_744 = arith.addi %add3A_743, %scan3A_742 : i32
      %get3A_745 = arith.index_cast %add3A_744 : i32 to index
      %get3A_746 = arith.constant 0 : index
      %get3A_747 = tpu.vector_load %arg12[%get3A_745, %get3A_746] {strides = array<i32>} : memref<32x128xf32, #tpu.memory_space<vmem>>, vector<1x16xf32>,
      %get3A_748 = vector.shape_cast %get3A_747 : vector<1x16xf32> to vector<16xf32>
      %add3A_749 = arith.addf %add3A_691, %get3A_748 : vector<16xf32>
      %add3A_750 = arith.constant 0 : i32
      %add3A_751 = arith.addi %add3A_750, %scan3A_742 : i32
      %get3A_752 = arith.index_cast %add3A_751 : i32 to index
      %get3A_753 = arith.constant 16 : index
      %get3A_754 = tpu.vector_load %arg12[%get3A_752, %get3A_753] {strides = array<i32>} : memref<32x128xf32, #tpu.memory_space<vmem>>, vector<1x16xf32>,
      %get3A_755 = vector.shape_cast %get3A_754 : vector<1x16xf32> to vector<16xf32>
      %add3A_756 = arith.addf %add3A_698, %get3A_755 : vector<16xf32>
      %add3A_757 = arith.constant 0 : i32
      %add3A_758 = arith.addi %add3A_757, %scan3A_742 : i32
      %get3A_759 = arith.index_cast %add3A_758 : i32 to index
      %get3A_760 = arith.constant 32 : index
      %get3A_761 = tpu.vector_load %arg12[%get3A_759, %get3A_760] {strides = array<i32>} : memref<32x128xf32, #tpu.memory_space<vmem>>, vector<1x16xf32>,
      %get3A_762 = vector.shape_cast %get3A_761 : vector<1x16xf32> to vector<16xf32>
      %add3A_763 = arith.addf %add3A_705, %get3A_762 : vector<16xf32>
      %add3A_764 = arith.constant 0 : i32
      %add3A_765 = arith.addi %add3A_764, %scan3A_742 : i32
      %get3A_766 = arith.index_cast %add3A_765 : i32 to index
      %get3A_767 = arith.constant 48 : index
      %get3A_768 = tpu.vector_load %arg12[%get3A_766, %get3A_767] {strides = array<i32>} : memref<32x128xf32, #tpu.memory_space<vmem>>, vector<1x16xf32>,
      %get3A_769 = vector.shape_cast %get3A_768 : vector<1x16xf32> to vector<16xf32>
      %add3A_770 = arith.addf %add3A_712, %get3A_769 : vector<16xf32>
      %add3A_771 = arith.constant 0 : i32
      %add3A_772 = arith.addi %add3A_771, %scan3A_742 : i32
      %get3A_773 = arith.index_cast %add3A_772 : i32 to index
      %get3A_774 = arith.constant 64 : index
      %get3A_775 = tpu.vector_load %arg12[%get3A_773, %get3A_774] {strides = array<i32>} : memref<32x128xf32, #tpu.memory_space<vmem>>, vector<1x16xf32>,
      %get3A_776 = vector.shape_cast %get3A_775 : vector<1x16xf32> to vector<16xf32>
      %add3A_777 = arith.addf %add3A_719, %get3A_776 : vector<16xf32>
      %add3A_778 = arith.constant 0 : i32
      %add3A_779 = arith.addi %add3A_778, %scan3A_742 : i32
      %get3A_780 = arith.index_cast %add3A_779 : i32 to index
      %get3A_781 = arith.constant 80 : index
      %get3A_782 = tpu.vector_load %arg12[%get3A_780, %get3A_781] {strides = array<i32>} : memref<32x128xf32, #tpu.memory_space<vmem>>, vector<1x16xf32>,
      %get3A_783 = vector.shape_cast %get3A_782 : vector<1x16xf32> to vector<16xf32>
      %add3A_784 = arith.addf %add3A_726, %get3A_783 : vector<16xf32>
      %add3A_785 = arith.constant 0 : i32
      %add3A_786 = arith.addi %add3A_785, %scan3A_742 : i32
      %get3A_787 = arith.index_cast %add3A_786 : i32 to index
      %get3A_788 = arith.constant 96 : index
      %get3A_789 = tpu.vector_load %arg12[%get3A_787, %get3A_788] {strides = array<i32>} : memref<32x128xf32, #tpu.memory_space<vmem>>, vector<1x16xf32>,
      %get3A_790 = vector.shape_cast %get3A_789 : vector<1x16xf32> to vector<16xf32>
      %add3A_791 = arith.addf %add3A_733, %get3A_790 : vector<16xf32>
      %add3A_792 = arith.constant 0 : i32
      %add3A_793 = arith.addi %add3A_792, %scan3A_742 : i32
      %get3A_794 = arith.index_cast %add3A_793 : i32 to index
      %get3A_795 = arith.constant 112 : index
      %get3A_796 = tpu.vector_load %arg12[%get3A_794, %get3A_795] {strides = array<i32>} : memref<32x128xf32, #tpu.memory_space<vmem>>, vector<1x16xf32>,
      %get3A_797 = vector.shape_cast %get3A_796 : vector<1x16xf32> to vector<16xf32>
      %add3A_798 = arith.addf %add3A_740, %get3A_797 : vector<16xf32>
      %scan3A_799 = arith.constant 2 : i32
      %scan3A_800 = arith.addi %scan3A_677, %scan3A_799 : i32
      %add3A_801 = arith.constant 0 : i32
      %add3A_802 = arith.addi %add3A_801, %scan3A_800 : i32
      %get3A_803 = arith.index_cast %add3A_802 : i32 to index
      %get3A_804 = arith.constant 0 : index
      %get3A_805 = tpu.vector_load %arg12[%get3A_803, %get3A_804] {strides = array<i32>} : memref<32x128xf32, #tpu.memory_space<vmem>>, vector<1x16xf32>,
      %get3A_806 = vector.shape_cast %get3A_805 : vector<1x16xf32> to vector<16xf32>
      %add3A_807 = arith.addf %add3A_749, %get3A_806 : vector<16xf32>
      %add3A_808 = arith.constant 0 : i32
      %add3A_809 = arith.addi %add3A_808, %scan3A_800 : i32
      %get3A_810 = arith.index_cast %add3A_809 : i32 to index
      %get3A_811 = arith.constant 16 : index
      %get3A_812 = tpu.vector_load %arg12[%get3A_810, %get3A_811] {strides = array<i32>} : memref<32x128xf32, #tpu.memory_space<vmem>>, vector<1x16xf32>,
      %get3A_813 = vector.shape_cast %get3A_812 : vector<1x16xf32> to vector<16xf32>
      %add3A_814 = arith.addf %add3A_756, %get3A_813 : vector<16xf32>
      %add3A_815 = arith.constant 0 : i32
      %add3A_816 = arith.addi %add3A_815, %scan3A_800 : i32
      %get3A_817 = arith.index_cast %add3A_816 : i32 to index
      %get3A_818 = arith.constant 32 : index
      %get3A_819 = tpu.vector_load %arg12[%get3A_817, %get3A_818] {strides = array<i32>} : memref<32x128xf32, #tpu.memory_space<vmem>>, vector<1x16xf32>,
      %get3A_820 = vector.shape_cast %get3A_819 : vector<1x16xf32> to vector<16xf32>
      %add3A_821 = arith.addf %add3A_763, %get3A_820 : vector<16xf32>
      %add3A_822 = arith.constant 0 : i32
      %add3A_823 = arith.addi %add3A_822, %scan3A_800 : i32
      %get3A_824 = arith.index_cast %add3A_823 : i32 to index
      %get3A_825 = arith.constant 48 : index
      %get3A_826 = tpu.vector_load %arg12[%get3A_824, %get3A_825] {strides = array<i32>} : memref<32x128xf32, #tpu.memory_space<vmem>>, vector<1x16xf32>,
      %get3A_827 = vector.shape_cast %get3A_826 : vector<1x16xf32> to vector<16xf32>
      %add3A_828 = arith.addf %add3A_770, %get3A_827 : vector<16xf32>
      %add3A_829 = arith.constant 0 : i32
      %add3A_830 = arith.addi %add3A_829, %scan3A_800 : i32
      %get3A_831 = arith.index_cast %add3A_830 : i32 to index
      %get3A_832 = arith.constant 64 : index
      %get3A_833 = tpu.vector_load %arg12[%get3A_831, %get3A_832] {strides = array<i32>} : memref<32x128xf32, #tpu.memory_space<vmem>>, vector<1x16xf32>,
      %get3A_834 = vector.shape_cast %get3A_833 : vector<1x16xf32> to vector<16xf32>
      %add3A_835 = arith.addf %add3A_777, %get3A_834 : vector<16xf32>
      %add3A_836 = arith.constant 0 : i32
      %add3A_837 = arith.addi %add3A_836, %scan3A_800 : i32
      %get3A_838 = arith.index_cast %add3A_837 : i32 to index
      %get3A_839 = arith.constant 80 : index
      %get3A_840 = tpu.vector_load %arg12[%get3A_838, %get3A_839] {strides = array<i32>} : memref<32x128xf32, #tpu.memory_space<vmem>>, vector<1x16xf32>,
      %get3A_841 = vector.shape_cast %get3A_840 : vector<1x16xf32> to vector<16xf32>
      %add3A_842 = arith.addf %add3A_784, %get3A_841 : vector<16xf32>
      %add3A_843 = arith.constant 0 : i32
      %add3A_844 = arith.addi %add3A_843, %scan3A_800 : i32
      %get3A_845 = arith.index_cast %add3A_844 : i32 to index
      %get3A_846 = arith.constant 96 : index
      %get3A_847 = tpu.vector_load %arg12[%get3A_845, %get3A_846] {strides = array<i32>} : memref<32x128xf32, #tpu.memory_space<vmem>>, vector<1x16xf32>,
      %get3A_848 = vector.shape_cast %get3A_847 : vector<1x16xf32> to vector<16xf32>
      %add3A_849 = arith.addf %add3A_791, %get3A_848 : vector<16xf32>
      %add3A_850 = arith.constant 0 : i32
      %add3A_851 = arith.addi %add3A_850, %scan3A_800 : i32
      %get3A_852 = arith.index_cast %add3A_851 : i32 to index
      %get3A_853 = arith.constant 112 : index
      %get3A_854 = tpu.vector_load %arg12[%get3A_852, %get3A_853] {strides = array<i32>} : memref<32x128xf32, #tpu.memory_space<vmem>>, vector<1x16xf32>,
      %get3A_855 = vector.shape_cast %get3A_854 : vector<1x16xf32> to vector<16xf32>
      %add3A_856 = arith.addf %add3A_798, %get3A_855 : vector<16xf32>
      %scan3A_857 = arith.constant 3 : i32
      %scan3A_858 = arith.addi %scan3A_677, %scan3A_857 : i32
      %add3A_859 = arith.constant 0 : i32
      %add3A_860 = arith.addi %add3A_859, %scan3A_858 : i32
      %get3A_861 = arith.index_cast %add3A_860 : i32 to index
      %get3A_862 = arith.constant 0 : index
      %get3A_863 = tpu.vector_load %arg12[%get3A_861, %get3A_862] {strides = array<i32>} : memref<32x128xf32, #tpu.memory_space<vmem>>, vector<1x16xf32>,
      %get3A_864 = vector.shape_cast %get3A_863 : vector<1x16xf32> to vector<16xf32>
      %add3A_865 = arith.addf %add3A_807, %get3A_864 : vector<16xf32>
      %add3A_866 = arith.constant 0 : i32
      %add3A_867 = arith.addi %add3A_866, %scan3A_858 : i32
      %get3A_868 = arith.index_cast %add3A_867 : i32 to index
      %get3A_869 = arith.constant 16 : index
      %get3A_870 = tpu.vector_load %arg12[%get3A_868, %get3A_869] {strides = array<i32>} : memref<32x128xf32, #tpu.memory_space<vmem>>, vector<1x16xf32>,
      %get3A_871 = vector.shape_cast %get3A_870 : vector<1x16xf32> to vector<16xf32>
      %add3A_872 = arith.addf %add3A_814, %get3A_871 : vector<16xf32>
      %add3A_873 = arith.constant 0 : i32
      %add3A_874 = arith.addi %add3A_873, %scan3A_858 : i32
      %get3A_875 = arith.index_cast %add3A_874 : i32 to index
      %get3A_876 = arith.constant 32 : index
      %get3A_877 = tpu.vector_load %arg12[%get3A_875, %get3A_876] {strides = array<i32>} : memref<32x128xf32, #tpu.memory_space<vmem>>, vector<1x16xf32>,
      %get3A_878 = vector.shape_cast %get3A_877 : vector<1x16xf32> to vector<16xf32>
      %add3A_879 = arith.addf %add3A_821, %get3A_878 : vector<16xf32>
      %add3A_880 = arith.constant 0 : i32
      %add3A_881 = arith.addi %add3A_880, %scan3A_858 : i32
      %get3A_882 = arith.index_cast %add3A_881 : i32 to index
      %get3A_883 = arith.constant 48 : index
      %get3A_884 = tpu.vector_load %arg12[%get3A_882, %get3A_883] {strides = array<i32>} : memref<32x128xf32, #tpu.memory_space<vmem>>, vector<1x16xf32>,
      %get3A_885 = vector.shape_cast %get3A_884 : vector<1x16xf32> to vector<16xf32>
      %add3A_886 = arith.addf %add3A_828, %get3A_885 : vector<16xf32>
      %add3A_887 = arith.constant 0 : i32
      %add3A_888 = arith.addi %add3A_887, %scan3A_858 : i32
      %get3A_889 = arith.index_cast %add3A_888 : i32 to index
      %get3A_890 = arith.constant 64 : index
      %get3A_891 = tpu.vector_load %arg12[%get3A_889, %get3A_890] {strides = array<i32>} : memref<32x128xf32, #tpu.memory_space<vmem>>, vector<1x16xf32>,
      %get3A_892 = vector.shape_cast %get3A_891 : vector<1x16xf32> to vector<16xf32>
      %add3A_893 = arith.addf %add3A_835, %get3A_892 : vector<16xf32>
      %add3A_894 = arith.constant 0 : i32
      %add3A_895 = arith.addi %add3A_894, %scan3A_858 : i32
      %get3A_896 = arith.index_cast %add3A_895 : i32 to index
      %get3A_897 = arith.constant 80 : index
      %get3A_898 = tpu.vector_load %arg12[%get3A_896, %get3A_897] {strides = array<i32>} : memref<32x128xf32, #tpu.memory_space<vmem>>, vector<1x16xf32>,
      %get3A_899 = vector.shape_cast %get3A_898 : vector<1x16xf32> to vector<16xf32>
      %add3A_900 = arith.addf %add3A_842, %get3A_899 : vector<16xf32>
      %add3A_901 = arith.constant 0 : i32
      %add3A_902 = arith.addi %add3A_901, %scan3A_858 : i32
      %get3A_903 = arith.index_cast %add3A_902 : i32 to index
      %get3A_904 = arith.constant 96 : index
      %get3A_905 = tpu.vector_load %arg12[%get3A_903, %get3A_904] {strides = array<i32>} : memref<32x128xf32, #tpu.memory_space<vmem>>, vector<1x16xf32>,
      %get3A_906 = vector.shape_cast %get3A_905 : vector<1x16xf32> to vector<16xf32>
      %add3A_907 = arith.addf %add3A_849, %get3A_906 : vector<16xf32>
      %add3A_908 = arith.constant 0 : i32
      %add3A_909 = arith.addi %add3A_908, %scan3A_858 : i32
      %get3A_910 = arith.index_cast %add3A_909 : i32 to index
      %get3A_911 = arith.constant 112 : index
      %get3A_912 = tpu.vector_load %arg12[%get3A_910, %get3A_911] {strides = array<i32>} : memref<32x128xf32, #tpu.memory_space<vmem>>, vector<1x16xf32>,
      %get3A_913 = vector.shape_cast %get3A_912 : vector<1x16xf32> to vector<16xf32>
      %add3A_914 = arith.addf %add3A_856, %get3A_913 : vector<16xf32>
      scf.yield %add3A_865, %add3A_872, %add3A_879, %add3A_886, %add3A_893, %add3A_900, %add3A_907, %add3A_914 : vector<16xf32>, vector<16xf32>, vector<16xf32>, vector<16xf32>, vector<16xf32>, vector<16xf32>, vector<16xf32>, vector<16xf32>
    }
    %scan3A_461 = arith.constant 16 : i32
    %mul3A_462 = arith.constant 6.250000e-02 : f32
    %mul3A_463 = vector.broadcast %mul3A_462 : f32 to vector<16xf32>
    %mul3A_464 = arith.mulf %scan3A_460#0, %mul3A_463 : vector<16xf32>
    %swap3A_465 = arith.constant 4 : i32
    %swap3A_466 = arith.index_cast %swap3A_465 : i32 to index
    %swap3A_467 = arith.constant 0 : index
    %swap3A_468 = tpu.vector_load %arg15[%swap3A_466, %swap3A_467] {strides = array<i32>} : memref<6x128xf32, #tpu.memory_space<vmem>>, vector<1x16xf32>,
    %swap3A_469 = vector.shape_cast %swap3A_468 : vector<1x16xf32> to vector<16xf32>
    %swap3A_470 = vector.shape_cast %mul3A_464 : vector<16xf32> to vector<1x16xf32>
    tpu.vector_store %arg15[%swap3A_466, %swap3A_467], %swap3A_470 {strides = array<i32>} : memref<6x128xf32, #tpu.memory_space<vmem>>, vector<1x16xf32>,
    %mul3A_471 = arith.constant 6.250000e-02 : f32
    %mul3A_472 = vector.broadcast %mul3A_471 : f32 to vector<16xf32>
    %mul3A_473 = arith.mulf %scan3A_460#1, %mul3A_472 : vector<16xf32>
    %swap3A_474 = arith.constant 4 : i32
    %swap3A_475 = arith.index_cast %swap3A_474 : i32 to index
    %swap3A_476 = arith.constant 16 : index
    %swap3A_477 = tpu.vector_load %arg15[%swap3A_475, %swap3A_476] {strides = array<i32>} : memref<6x128xf32, #tpu.memory_space<vmem>>, vector<1x16xf32>,
    %swap3A_478 = vector.shape_cast %swap3A_477 : vector<1x16xf32> to vector<16xf32>
    %swap3A_479 = vector.shape_cast %mul3A_473 : vector<16xf32> to vector<1x16xf32>
    tpu.vector_store %arg15[%swap3A_475, %swap3A_476], %swap3A_479 {strides = array<i32>} : memref<6x128xf32, #tpu.memory_space<vmem>>, vector<1x16xf32>,
    %mul3A_480 = arith.constant 6.250000e-02 : f32
    %mul3A_481 = vector.broadcast %mul3A_480 : f32 to vector<16xf32>
    %mul3A_482 = arith.mulf %scan3A_460#2, %mul3A_481 : vector<16xf32>
    %swap3A_483 = arith.constant 4 : i32
    %swap3A_484 = arith.index_cast %swap3A_483 : i32 to index
    %swap3A_485 = arith.constant 32 : index
    %swap3A_486 = tpu.vector_load %arg15[%swap3A_484, %swap3A_485] {strides = array<i32>} : memref<6x128xf32, #tpu.memory_space<vmem>>, vector<1x16xf32>,
    %swap3A_487 = vector.shape_cast %swap3A_486 : vector<1x16xf32> to vector<16xf32>
    %swap3A_488 = vector.shape_cast %mul3A_482 : vector<16xf32> to vector<1x16xf32>
    tpu.vector_store %arg15[%swap3A_484, %swap3A_485], %swap3A_488 {strides = array<i32>} : memref<6x128xf32, #tpu.memory_space<vmem>>, vector<1x16xf32>,
    %mul3A_489 = arith.constant 6.250000e-02 : f32
    %mul3A_490 = vector.broadcast %mul3A_489 : f32 to vector<16xf32>
    %mul3A_491 = arith.mulf %scan3A_460#3, %mul3A_490 : vector<16xf32>
    %swap3A_492 = arith.constant 4 : i32
    %swap3A_493 = arith.index_cast %swap3A_492 : i32 to index
    %swap3A_494 = arith.constant 48 : index
    %swap3A_495 = tpu.vector_load %arg15[%swap3A_493, %swap3A_494] {strides = array<i32>} : memref<6x128xf32, #tpu.memory_space<vmem>>, vector<1x16xf32>,
    %swap3A_496 = vector.shape_cast %swap3A_495 : vector<1x16xf32> to vector<16xf32>
    %swap3A_497 = vector.shape_cast %mul3A_491 : vector<16xf32> to vector<1x16xf32>
    tpu.vector_store %arg15[%swap3A_493, %swap3A_494], %swap3A_497 {strides = array<i32>} : memref<6x128xf32, #tpu.memory_space<vmem>>, vector<1x16xf32>,
    %mul3A_498 = arith.constant 6.250000e-02 : f32
    %mul3A_499 = vector.broadcast %mul3A_498 : f32 to vector<16xf32>
    %mul3A_500 = arith.mulf %scan3A_460#4, %mul3A_499 : vector<16xf32>
    %swap3A_501 = arith.constant 4 : i32
    %swap3A_502 = arith.index_cast %swap3A_501 : i32 to index
    %swap3A_503 = arith.constant 64 : index
    %swap3A_504 = tpu.vector_load %arg15[%swap3A_502, %swap3A_503] {strides = array<i32>} : memref<6x128xf32, #tpu.memory_space<vmem>>, vector<1x16xf32>,
    %swap3A_505 = vector.shape_cast %swap3A_504 : vector<1x16xf32> to vector<16xf32>
    %swap3A_506 = vector.shape_cast %mul3A_500 : vector<16xf32> to vector<1x16xf32>
    tpu.vector_store %arg15[%swap3A_502, %swap3A_503], %swap3A_506 {strides = array<i32>} : memref<6x128xf32, #tpu.memory_space<vmem>>, vector<1x16xf32>,
    %mul3A_507 = arith.constant 6.250000e-02 : f32
    %mul3A_508 = vector.broadcast %mul3A_507 : f32 to vector<16xf32>
    %mul3A_509 = arith.mulf %scan3A_460#5, %mul3A_508 : vector<16xf32>
    %swap3A_510 = arith.constant 4 : i32
    %swap3A_511 = arith.index_cast %swap3A_510 : i32 to index
    %swap3A_512 = arith.constant 80 : index
    %swap3A_513 = tpu.vector_load %arg15[%swap3A_511, %swap3A_512] {strides = array<i32>} : memref<6x128xf32, #tpu.memory_space<vmem>>, vector<1x16xf32>,
    %swap3A_514 = vector.shape_cast %swap3A_513 : vector<1x16xf32> to vector<16xf32>
    %swap3A_515 = vector.shape_cast %mul3A_509 : vector<16xf32> to vector<1x16xf32>
    tpu.vector_store %arg15[%swap3A_511, %swap3A_512], %swap3A_515 {strides = array<i32>} : memref<6x128xf32, #tpu.memory_space<vmem>>, vector<1x16xf32>,
    %mul3A_516 = arith.constant 6.250000e-02 : f32
    %mul3A_517 = vector.broadcast %mul3A_516 : f32 to vector<16xf32>
    %mul3A_518 = arith.mulf %scan3A_460#6, %mul3A_517 : vector<16xf32>
    %swap3A_519 = arith.constant 4 : i32
    %swap3A_520 = arith.index_cast %swap3A_519 : i32 to index
    %swap3A_521 = arith.constant 96 : index
    %swap3A_522 = tpu.vector_load %arg15[%swap3A_520, %swap3A_521] {strides = array<i32>} : memref<6x128xf32, #tpu.memory_space<vmem>>, vector<1x16xf32>,
    %swap3A_523 = vector.shape_cast %swap3A_522 : vector<1x16xf32> to vector<16xf32>
    %swap3A_524 = vector.shape_cast %mul3A_518 : vector<16xf32> to vector<1x16xf32>
    tpu.vector_store %arg15[%swap3A_520, %swap3A_521], %swap3A_524 {strides = array<i32>} : memref<6x128xf32, #tpu.memory_space<vmem>>, vector<1x16xf32>,
    %mul3A_525 = arith.constant 6.250000e-02 : f32
    %mul3A_526 = vector.broadcast %mul3A_525 : f32 to vector<16xf32>
    %mul3A_527 = arith.mulf %scan3A_460#7, %mul3A_526 : vector<16xf32>
    %swap3A_528 = arith.constant 4 : i32
    %swap3A_529 = arith.index_cast %swap3A_528 : i32 to index
    %swap3A_530 = arith.constant 112 : index
    %swap3A_531 = tpu.vector_load %arg15[%swap3A_529, %swap3A_530] {strides = array<i32>} : memref<6x128xf32, #tpu.memory_space<vmem>>, vector<1x16xf32>,
    %swap3A_532 = vector.shape_cast %swap3A_531 : vector<1x16xf32> to vector<16xf32>
    %swap3A_533 = vector.shape_cast %mul3A_527 : vector<16xf32> to vector<1x16xf32>
    tpu.vector_store %arg15[%swap3A_529, %swap3A_530], %swap3A_533 {strides = array<i32>} : memref<6x128xf32, #tpu.memory_space<vmem>>, vector<1x16xf32>,
    %broadcast_in_dim3A_534 = arith.constant 0.000000e+00 : f32
    %broadcast_in_dim3A_535 = vector.broadcast %broadcast_in_dim3A_534 : f32 to vector<16xf32>
    %broadcast_in_dim3A_536 = arith.constant 0.000000e+00 : f32
    %broadcast_in_dim3A_537 = vector.broadcast %broadcast_in_dim3A_536 : f32 to vector<16xf32>
    %broadcast_in_dim3A_538 = arith.constant 0.000000e+00 : f32
    %broadcast_in_dim3A_539 = vector.broadcast %broadcast_in_dim3A_538 : f32 to vector<16xf32>
    %broadcast_in_dim3A_540 = arith.constant 0.000000e+00 : f32
    %broadcast_in_dim3A_541 = vector.broadcast %broadcast_in_dim3A_540 : f32 to vector<16xf32>
    %broadcast_in_dim3A_542 = arith.constant 0.000000e+00 : f32
    %broadcast_in_dim3A_543 = vector.broadcast %broadcast_in_dim3A_542 : f32 to vector<16xf32>
    %broadcast_in_dim3A_544 = arith.constant 0.000000e+00 : f32
    %broadcast_in_dim3A_545 = vector.broadcast %broadcast_in_dim3A_544 : f32 to vector<16xf32>
    %broadcast_in_dim3A_546 = arith.constant 0.000000e+00 : f32
    %broadcast_in_dim3A_547 = vector.broadcast %broadcast_in_dim3A_546 : f32 to vector<16xf32>
    %broadcast_in_dim3A_548 = arith.constant 0.000000e+00 : f32
    %broadcast_in_dim3A_549 = vector.broadcast %broadcast_in_dim3A_548 : f32 to vector<16xf32>
    %scan3A_550 = arith.constant 0 : i32
    %scan3A_551 = arith.constant 16 : i32
    %scan3A_552 = arith.addi %scan3A_550, %scan3A_551 : i32
    %scan3A_553 = arith.constant 4 : i32
    %scan3A_554:8 = scf.for %scan3A_677 = %scan3A_550 to %scan3A_552 step %scan3A_553 iter_args(%scan3A_678 = %broadcast_in_dim3A_535, %scan3A_679 = %broadcast_in_dim3A_537, %scan3A_680 = %broadcast_in_dim3A_539, %scan3A_681 = %broadcast_in_dim3A_541, %scan3A_682 = %broadcast_in_dim3A_543, %scan3A_683 = %broadcast_in_dim3A_545, %scan3A_684 = %broadcast_in_dim3A_547, %scan3A_685 = %broadcast_in_dim3A_549) -> (vector<16xf32>, vector<16xf32>, vector<16xf32>, vector<16xf32>, vector<16xf32>, vector<16xf32>, vector<16xf32>, vector<16xf32>)  : i32 {
      %add3A_686 = arith.constant 16 : i32
      %add3A_687 = arith.addi %add3A_686, %scan3A_677 : i32
      %get3A = arith.index_cast %add3A_687 : i32 to index
      %get3A_688 = arith.constant 0 : index
      %get3A_689 = tpu.vector_load %arg12[%get3A, %get3A_688] {strides = array<i32>} : memref<32x128xf32, #tpu.memory_space<vmem>>, vector<1x16xf32>,
      %get3A_690 = vector.shape_cast %get3A_689 : vector<1x16xf32> to vector<16xf32>
      %add3A_691 = arith.addf %scan3A_678, %get3A_690 : vector<16xf32>
      %add3A_692 = arith.constant 16 : i32
      %add3A_693 = arith.addi %add3A_692, %scan3A_677 : i32
      %get3A_694 = arith.index_cast %add3A_693 : i32 to index
      %get3A_695 = arith.constant 16 : index
      %get3A_696 = tpu.vector_load %arg12[%get3A_694, %get3A_695] {strides = array<i32>} : memref<32x128xf32, #tpu.memory_space<vmem>>, vector<1x16xf32>,
      %get3A_697 = vector.shape_cast %get3A_696 : vector<1x16xf32> to vector<16xf32>
      %add3A_698 = arith.addf %scan3A_679, %get3A_697 : vector<16xf32>
      %add3A_699 = arith.constant 16 : i32
      %add3A_700 = arith.addi %add3A_699, %scan3A_677 : i32
      %get3A_701 = arith.index_cast %add3A_700 : i32 to index
      %get3A_702 = arith.constant 32 : index
      %get3A_703 = tpu.vector_load %arg12[%get3A_701, %get3A_702] {strides = array<i32>} : memref<32x128xf32, #tpu.memory_space<vmem>>, vector<1x16xf32>,
      %get3A_704 = vector.shape_cast %get3A_703 : vector<1x16xf32> to vector<16xf32>
      %add3A_705 = arith.addf %scan3A_680, %get3A_704 : vector<16xf32>
      %add3A_706 = arith.constant 16 : i32
      %add3A_707 = arith.addi %add3A_706, %scan3A_677 : i32
      %get3A_708 = arith.index_cast %add3A_707 : i32 to index
      %get3A_709 = arith.constant 48 : index
      %get3A_710 = tpu.vector_load %arg12[%get3A_708, %get3A_709] {strides = array<i32>} : memref<32x128xf32, #tpu.memory_space<vmem>>, vector<1x16xf32>,
      %get3A_711 = vector.shape_cast %get3A_710 : vector<1x16xf32> to vector<16xf32>
      %add3A_712 = arith.addf %scan3A_681, %get3A_711 : vector<16xf32>
      %add3A_713 = arith.constant 16 : i32
      %add3A_714 = arith.addi %add3A_713, %scan3A_677 : i32
      %get3A_715 = arith.index_cast %add3A_714 : i32 to index
      %get3A_716 = arith.constant 64 : index
      %get3A_717 = tpu.vector_load %arg12[%get3A_715, %get3A_716] {strides = array<i32>} : memref<32x128xf32, #tpu.memory_space<vmem>>, vector<1x16xf32>,
      %get3A_718 = vector.shape_cast %get3A_717 : vector<1x16xf32> to vector<16xf32>
      %add3A_719 = arith.addf %scan3A_682, %get3A_718 : vector<16xf32>
      %add3A_720 = arith.constant 16 : i32
      %add3A_721 = arith.addi %add3A_720, %scan3A_677 : i32
      %get3A_722 = arith.index_cast %add3A_721 : i32 to index
      %get3A_723 = arith.constant 80 : index
      %get3A_724 = tpu.vector_load %arg12[%get3A_722, %get3A_723] {strides = array<i32>} : memref<32x128xf32, #tpu.memory_space<vmem>>, vector<1x16xf32>,
      %get3A_725 = vector.shape_cast %get3A_724 : vector<1x16xf32> to vector<16xf32>
      %add3A_726 = arith.addf %scan3A_683, %get3A_725 : vector<16xf32>
      %add3A_727 = arith.constant 16 : i32
      %add3A_728 = arith.addi %add3A_727, %scan3A_677 : i32
      %get3A_729 = arith.index_cast %add3A_728 : i32 to index
      %get3A_730 = arith.constant 96 : index
      %get3A_731 = tpu.vector_load %arg12[%get3A_729, %get3A_730] {strides = array<i32>} : memref<32x128xf32, #tpu.memory_space<vmem>>, vector<1x16xf32>,
      %get3A_732 = vector.shape_cast %get3A_731 : vector<1x16xf32> to vector<16xf32>
      %add3A_733 = arith.addf %scan3A_684, %get3A_732 : vector<16xf32>
      %add3A_734 = arith.constant 16 : i32
      %add3A_735 = arith.addi %add3A_734, %scan3A_677 : i32
      %get3A_736 = arith.index_cast %add3A_735 : i32 to index
      %get3A_737 = arith.constant 112 : index
      %get3A_738 = tpu.vector_load %arg12[%get3A_736, %get3A_737] {strides = array<i32>} : memref<32x128xf32, #tpu.memory_space<vmem>>, vector<1x16xf32>,
      %get3A_739 = vector.shape_cast %get3A_738 : vector<1x16xf32> to vector<16xf32>
      %add3A_740 = arith.addf %scan3A_685, %get3A_739 : vector<16xf32>
      %scan3A_741 = arith.constant 1 : i32
      %scan3A_742 = arith.addi %scan3A_677, %scan3A_741 : i32
      %add3A_743 = arith.constant 16 : i32
      %add3A_744 = arith.addi %add3A_743, %scan3A_742 : i32
      %get3A_745 = arith.index_cast %add3A_744 : i32 to index
      %get3A_746 = arith.constant 0 : index
      %get3A_747 = tpu.vector_load %arg12[%get3A_745, %get3A_746] {strides = array<i32>} : memref<32x128xf32, #tpu.memory_space<vmem>>, vector<1x16xf32>,
      %get3A_748 = vector.shape_cast %get3A_747 : vector<1x16xf32> to vector<16xf32>
      %add3A_749 = arith.addf %add3A_691, %get3A_748 : vector<16xf32>
      %add3A_750 = arith.constant 16 : i32
      %add3A_751 = arith.addi %add3A_750, %scan3A_742 : i32
      %get3A_752 = arith.index_cast %add3A_751 : i32 to index
      %get3A_753 = arith.constant 16 : index
      %get3A_754 = tpu.vector_load %arg12[%get3A_752, %get3A_753] {strides = array<i32>} : memref<32x128xf32, #tpu.memory_space<vmem>>, vector<1x16xf32>,
      %get3A_755 = vector.shape_cast %get3A_754 : vector<1x16xf32> to vector<16xf32>
      %add3A_756 = arith.addf %add3A_698, %get3A_755 : vector<16xf32>
      %add3A_757 = arith.constant 16 : i32
      %add3A_758 = arith.addi %add3A_757, %scan3A_742 : i32
      %get3A_759 = arith.index_cast %add3A_758 : i32 to index
      %get3A_760 = arith.constant 32 : index
      %get3A_761 = tpu.vector_load %arg12[%get3A_759, %get3A_760] {strides = array<i32>} : memref<32x128xf32, #tpu.memory_space<vmem>>, vector<1x16xf32>,
      %get3A_762 = vector.shape_cast %get3A_761 : vector<1x16xf32> to vector<16xf32>
      %add3A_763 = arith.addf %add3A_705, %get3A_762 : vector<16xf32>
      %add3A_764 = arith.constant 16 : i32
      %add3A_765 = arith.addi %add3A_764, %scan3A_742 : i32
      %get3A_766 = arith.index_cast %add3A_765 : i32 to index
      %get3A_767 = arith.constant 48 : index
      %get3A_768 = tpu.vector_load %arg12[%get3A_766, %get3A_767] {strides = array<i32>} : memref<32x128xf32, #tpu.memory_space<vmem>>, vector<1x16xf32>,
      %get3A_769 = vector.shape_cast %get3A_768 : vector<1x16xf32> to vector<16xf32>
      %add3A_770 = arith.addf %add3A_712, %get3A_769 : vector<16xf32>
      %add3A_771 = arith.constant 16 : i32
      %add3A_772 = arith.addi %add3A_771, %scan3A_742 : i32
      %get3A_773 = arith.index_cast %add3A_772 : i32 to index
      %get3A_774 = arith.constant 64 : index
      %get3A_775 = tpu.vector_load %arg12[%get3A_773, %get3A_774] {strides = array<i32>} : memref<32x128xf32, #tpu.memory_space<vmem>>, vector<1x16xf32>,
      %get3A_776 = vector.shape_cast %get3A_775 : vector<1x16xf32> to vector<16xf32>
      %add3A_777 = arith.addf %add3A_719, %get3A_776 : vector<16xf32>
      %add3A_778 = arith.constant 16 : i32
      %add3A_779 = arith.addi %add3A_778, %scan3A_742 : i32
      %get3A_780 = arith.index_cast %add3A_779 : i32 to index
      %get3A_781 = arith.constant 80 : index
      %get3A_782 = tpu.vector_load %arg12[%get3A_780, %get3A_781] {strides = array<i32>} : memref<32x128xf32, #tpu.memory_space<vmem>>, vector<1x16xf32>,
      %get3A_783 = vector.shape_cast %get3A_782 : vector<1x16xf32> to vector<16xf32>
      %add3A_784 = arith.addf %add3A_726, %get3A_783 : vector<16xf32>
      %add3A_785 = arith.constant 16 : i32
      %add3A_786 = arith.addi %add3A_785, %scan3A_742 : i32
      %get3A_787 = arith.index_cast %add3A_786 : i32 to index
      %get3A_788 = arith.constant 96 : index
      %get3A_789 = tpu.vector_load %arg12[%get3A_787, %get3A_788] {strides = array<i32>} : memref<32x128xf32, #tpu.memory_space<vmem>>, vector<1x16xf32>,
      %get3A_790 = vector.shape_cast %get3A_789 : vector<1x16xf32> to vector<16xf32>
      %add3A_791 = arith.addf %add3A_733, %get3A_790 : vector<16xf32>
      %add3A_792 = arith.constant 16 : i32
      %add3A_793 = arith.addi %add3A_792, %scan3A_742 : i32
      %get3A_794 = arith.index_cast %add3A_793 : i32 to index
      %get3A_795 = arith.constant 112 : index
      %get3A_796 = tpu.vector_load %arg12[%get3A_794, %get3A_795] {strides = array<i32>} : memref<32x128xf32, #tpu.memory_space<vmem>>, vector<1x16xf32>,
      %get3A_797 = vector.shape_cast %get3A_796 : vector<1x16xf32> to vector<16xf32>
      %add3A_798 = arith.addf %add3A_740, %get3A_797 : vector<16xf32>
      %scan3A_799 = arith.constant 2 : i32
      %scan3A_800 = arith.addi %scan3A_677, %scan3A_799 : i32
      %add3A_801 = arith.constant 16 : i32
      %add3A_802 = arith.addi %add3A_801, %scan3A_800 : i32
      %get3A_803 = arith.index_cast %add3A_802 : i32 to index
      %get3A_804 = arith.constant 0 : index
      %get3A_805 = tpu.vector_load %arg12[%get3A_803, %get3A_804] {strides = array<i32>} : memref<32x128xf32, #tpu.memory_space<vmem>>, vector<1x16xf32>,
      %get3A_806 = vector.shape_cast %get3A_805 : vector<1x16xf32> to vector<16xf32>
      %add3A_807 = arith.addf %add3A_749, %get3A_806 : vector<16xf32>
      %add3A_808 = arith.constant 16 : i32
      %add3A_809 = arith.addi %add3A_808, %scan3A_800 : i32
      %get3A_810 = arith.index_cast %add3A_809 : i32 to index
      %get3A_811 = arith.constant 16 : index
      %get3A_812 = tpu.vector_load %arg12[%get3A_810, %get3A_811] {strides = array<i32>} : memref<32x128xf32, #tpu.memory_space<vmem>>, vector<1x16xf32>,
      %get3A_813 = vector.shape_cast %get3A_812 : vector<1x16xf32> to vector<16xf32>
      %add3A_814 = arith.addf %add3A_756, %get3A_813 : vector<16xf32>
      %add3A_815 = arith.constant 16 : i32
      %add3A_816 = arith.addi %add3A_815, %scan3A_800 : i32
      %get3A_817 = arith.index_cast %add3A_816 : i32 to index
      %get3A_818 = arith.constant 32 : index
      %get3A_819 = tpu.vector_load %arg12[%get3A_817, %get3A_818] {strides = array<i32>} : memref<32x128xf32, #tpu.memory_space<vmem>>, vector<1x16xf32>,
      %get3A_820 = vector.shape_cast %get3A_819 : vector<1x16xf32> to vector<16xf32>
      %add3A_821 = arith.addf %add3A_763, %get3A_820 : vector<16xf32>
      %add3A_822 = arith.constant 16 : i32
      %add3A_823 = arith.addi %add3A_822, %scan3A_800 : i32
      %get3A_824 = arith.index_cast %add3A_823 : i32 to index
      %get3A_825 = arith.constant 48 : index
      %get3A_826 = tpu.vector_load %arg12[%get3A_824, %get3A_825] {strides = array<i32>} : memref<32x128xf32, #tpu.memory_space<vmem>>, vector<1x16xf32>,
      %get3A_827 = vector.shape_cast %get3A_826 : vector<1x16xf32> to vector<16xf32>
      %add3A_828 = arith.addf %add3A_770, %get3A_827 : vector<16xf32>
      %add3A_829 = arith.constant 16 : i32
      %add3A_830 = arith.addi %add3A_829, %scan3A_800 : i32
      %get3A_831 = arith.index_cast %add3A_830 : i32 to index
      %get3A_832 = arith.constant 64 : index
      %get3A_833 = tpu.vector_load %arg12[%get3A_831, %get3A_832] {strides = array<i32>} : memref<32x128xf32, #tpu.memory_space<vmem>>, vector<1x16xf32>,
      %get3A_834 = vector.shape_cast %get3A_833 : vector<1x16xf32> to vector<16xf32>
      %add3A_835 = arith.addf %add3A_777, %get3A_834 : vector<16xf32>
      %add3A_836 = arith.constant 16 : i32
      %add3A_837 = arith.addi %add3A_836, %scan3A_800 : i32
      %get3A_838 = arith.index_cast %add3A_837 : i32 to index
      %get3A_839 = arith.constant 80 : index
      %get3A_840 = tpu.vector_load %arg12[%get3A_838, %get3A_839] {strides = array<i32>} : memref<32x128xf32, #tpu.memory_space<vmem>>, vector<1x16xf32>,
      %get3A_841 = vector.shape_cast %get3A_840 : vector<1x16xf32> to vector<16xf32>
      %add3A_842 = arith.addf %add3A_784, %get3A_841 : vector<16xf32>
      %add3A_843 = arith.constant 16 : i32
      %add3A_844 = arith.addi %add3A_843, %scan3A_800 : i32
      %get3A_845 = arith.index_cast %add3A_844 : i32 to index
      %get3A_846 = arith.constant 96 : index
      %get3A_847 = tpu.vector_load %arg12[%get3A_845, %get3A_846] {strides = array<i32>} : memref<32x128xf32, #tpu.memory_space<vmem>>, vector<1x16xf32>,
      %get3A_848 = vector.shape_cast %get3A_847 : vector<1x16xf32> to vector<16xf32>
      %add3A_849 = arith.addf %add3A_791, %get3A_848 : vector<16xf32>
      %add3A_850 = arith.constant 16 : i32
      %add3A_851 = arith.addi %add3A_850, %scan3A_800 : i32
      %get3A_852 = arith.index_cast %add3A_851 : i32 to index
      %get3A_853 = arith.constant 112 : index
      %get3A_854 = tpu.vector_load %arg12[%get3A_852, %get3A_853] {strides = array<i32>} : memref<32x128xf32, #tpu.memory_space<vmem>>, vector<1x16xf32>,
      %get3A_855 = vector.shape_cast %get3A_854 : vector<1x16xf32> to vector<16xf32>
      %add3A_856 = arith.addf %add3A_798, %get3A_855 : vector<16xf32>
      %scan3A_857 = arith.constant 3 : i32
      %scan3A_858 = arith.addi %scan3A_677, %scan3A_857 : i32
      %add3A_859 = arith.constant 16 : i32
      %add3A_860 = arith.addi %add3A_859, %scan3A_858 : i32
      %get3A_861 = arith.index_cast %add3A_860 : i32 to index
      %get3A_862 = arith.constant 0 : index
      %get3A_863 = tpu.vector_load %arg12[%get3A_861, %get3A_862] {strides = array<i32>} : memref<32x128xf32, #tpu.memory_space<vmem>>, vector<1x16xf32>,
      %get3A_864 = vector.shape_cast %get3A_863 : vector<1x16xf32> to vector<16xf32>
      %add3A_865 = arith.addf %add3A_807, %get3A_864 : vector<16xf32>
      %add3A_866 = arith.constant 16 : i32
      %add3A_867 = arith.addi %add3A_866, %scan3A_858 : i32
      %get3A_868 = arith.index_cast %add3A_867 : i32 to index
      %get3A_869 = arith.constant 16 : index
      %get3A_870 = tpu.vector_load %arg12[%get3A_868, %get3A_869] {strides = array<i32>} : memref<32x128xf32, #tpu.memory_space<vmem>>, vector<1x16xf32>,
      %get3A_871 = vector.shape_cast %get3A_870 : vector<1x16xf32> to vector<16xf32>
      %add3A_872 = arith.addf %add3A_814, %get3A_871 : vector<16xf32>
      %add3A_873 = arith.constant 16 : i32
      %add3A_874 = arith.addi %add3A_873, %scan3A_858 : i32
      %get3A_875 = arith.index_cast %add3A_874 : i32 to index
      %get3A_876 = arith.constant 32 : index
      %get3A_877 = tpu.vector_load %arg12[%get3A_875, %get3A_876] {strides = array<i32>} : memref<32x128xf32, #tpu.memory_space<vmem>>, vector<1x16xf32>,
      %get3A_878 = vector.shape_cast %get3A_877 : vector<1x16xf32> to vector<16xf32>
      %add3A_879 = arith.addf %add3A_821, %get3A_878 : vector<16xf32>
      %add3A_880 = arith.constant 16 : i32
      %add3A_881 = arith.addi %add3A_880, %scan3A_858 : i32
      %get3A_882 = arith.index_cast %add3A_881 : i32 to index
      %get3A_883 = arith.constant 48 : index
      %get3A_884 = tpu.vector_load %arg12[%get3A_882, %get3A_883] {strides = array<i32>} : memref<32x128xf32, #tpu.memory_space<vmem>>, vector<1x16xf32>,
      %get3A_885 = vector.shape_cast %get3A_884 : vector<1x16xf32> to vector<16xf32>
      %add3A_886 = arith.addf %add3A_828, %get3A_885 : vector<16xf32>
      %add3A_887 = arith.constant 16 : i32
      %add3A_888 = arith.addi %add3A_887, %scan3A_858 : i32
      %get3A_889 = arith.index_cast %add3A_888 : i32 to index
      %get3A_890 = arith.constant 64 : index
      %get3A_891 = tpu.vector_load %arg12[%get3A_889, %get3A_890] {strides = array<i32>} : memref<32x128xf32, #tpu.memory_space<vmem>>, vector<1x16xf32>,
      %get3A_892 = vector.shape_cast %get3A_891 : vector<1x16xf32> to vector<16xf32>
      %add3A_893 = arith.addf %add3A_835, %get3A_892 : vector<16xf32>
      %add3A_894 = arith.constant 16 : i32
      %add3A_895 = arith.addi %add3A_894, %scan3A_858 : i32
      %get3A_896 = arith.index_cast %add3A_895 : i32 to index
      %get3A_897 = arith.constant 80 : index
      %get3A_898 = tpu.vector_load %arg12[%get3A_896, %get3A_897] {strides = array<i32>} : memref<32x128xf32, #tpu.memory_space<vmem>>, vector<1x16xf32>,
      %get3A_899 = vector.shape_cast %get3A_898 : vector<1x16xf32> to vector<16xf32>
      %add3A_900 = arith.addf %add3A_842, %get3A_899 : vector<16xf32>
      %add3A_901 = arith.constant 16 : i32
      %add3A_902 = arith.addi %add3A_901, %scan3A_858 : i32
      %get3A_903 = arith.index_cast %add3A_902 : i32 to index
      %get3A_904 = arith.constant 96 : index
      %get3A_905 = tpu.vector_load %arg12[%get3A_903, %get3A_904] {strides = array<i32>} : memref<32x128xf32, #tpu.memory_space<vmem>>, vector<1x16xf32>,
      %get3A_906 = vector.shape_cast %get3A_905 : vector<1x16xf32> to vector<16xf32>
      %add3A_907 = arith.addf %add3A_849, %get3A_906 : vector<16xf32>
      %add3A_908 = arith.constant 16 : i32
      %add3A_909 = arith.addi %add3A_908, %scan3A_858 : i32
      %get3A_910 = arith.index_cast %add3A_909 : i32 to index
      %get3A_911 = arith.constant 112 : index
      %get3A_912 = tpu.vector_load %arg12[%get3A_910, %get3A_911] {strides = array<i32>} : memref<32x128xf32, #tpu.memory_space<vmem>>, vector<1x16xf32>,
      %get3A_913 = vector.shape_cast %get3A_912 : vector<1x16xf32> to vector<16xf32>
      %add3A_914 = arith.addf %add3A_856, %get3A_913 : vector<16xf32>
      scf.yield %add3A_865, %add3A_872, %add3A_879, %add3A_886, %add3A_893, %add3A_900, %add3A_907, %add3A_914 : vector<16xf32>, vector<16xf32>, vector<16xf32>, vector<16xf32>, vector<16xf32>, vector<16xf32>, vector<16xf32>, vector<16xf32>
    }
    %scan3A_555 = arith.constant 16 : i32
    %mul3A_556 = arith.constant 6.250000e-02 : f32
    %mul3A_557 = vector.broadcast %mul3A_556 : f32 to vector<16xf32>
    %mul3A_558 = arith.mulf %scan3A_554#0, %mul3A_557 : vector<16xf32>
    %swap3A_559 = arith.constant 5 : i32
    %swap3A_560 = arith.index_cast %swap3A_559 : i32 to index
    %swap3A_561 = arith.constant 0 : index
    %swap3A_562 = tpu.vector_load %arg15[%swap3A_560, %swap3A_561] {strides = array<i32>} : memref<6x128xf32, #tpu.memory_space<vmem>>, vector<1x16xf32>,
    %swap3A_563 = vector.shape_cast %swap3A_562 : vector<1x16xf32> to vector<16xf32>
    %swap3A_564 = vector.shape_cast %mul3A_558 : vector<16xf32> to vector<1x16xf32>
    tpu.vector_store %arg15[%swap3A_560, %swap3A_561], %swap3A_564 {strides = array<i32>} : memref<6x128xf32, #tpu.memory_space<vmem>>, vector<1x16xf32>,
    %mul3A_565 = arith.constant 6.250000e-02 : f32
    %mul3A_566 = vector.broadcast %mul3A_565 : f32 to vector<16xf32>
    %mul3A_567 = arith.mulf %scan3A_554#1, %mul3A_566 : vector<16xf32>
    %swap3A_568 = arith.constant 5 : i32
    %swap3A_569 = arith.index_cast %swap3A_568 : i32 to index
    %swap3A_570 = arith.constant 16 : index
    %swap3A_571 = tpu.vector_load %arg15[%swap3A_569, %swap3A_570] {strides = array<i32>} : memref<6x128xf32, #tpu.memory_space<vmem>>, vector<1x16xf32>,
    %swap3A_572 = vector.shape_cast %swap3A_571 : vector<1x16xf32> to vector<16xf32>
    %swap3A_573 = vector.shape_cast %mul3A_567 : vector<16xf32> to vector<1x16xf32>
    tpu.vector_store %arg15[%swap3A_569, %swap3A_570], %swap3A_573 {strides = array<i32>} : memref<6x128xf32, #tpu.memory_space<vmem>>, vector<1x16xf32>,
    %mul3A_574 = arith.constant 6.250000e-02 : f32
    %mul3A_575 = vector.broadcast %mul3A_574 : f32 to vector<16xf32>
    %mul3A_576 = arith.mulf %scan3A_554#2, %mul3A_575 : vector<16xf32>
    %swap3A_577 = arith.constant 5 : i32
    %swap3A_578 = arith.index_cast %swap3A_577 : i32 to index
    %swap3A_579 = arith.constant 32 : index
    %swap3A_580 = tpu.vector_load %arg15[%swap3A_578, %swap3A_579] {strides = array<i32>} : memref<6x128xf32, #tpu.memory_space<vmem>>, vector<1x16xf32>,
    %swap3A_581 = vector.shape_cast %swap3A_580 : vector<1x16xf32> to vector<16xf32>
    %swap3A_582 = vector.shape_cast %mul3A_576 : vector<16xf32> to vector<1x16xf32>
    tpu.vector_store %arg15[%swap3A_578, %swap3A_579], %swap3A_582 {strides = array<i32>} : memref<6x128xf32, #tpu.memory_space<vmem>>, vector<1x16xf32>,
    %mul3A_583 = arith.constant 6.250000e-02 : f32
    %mul3A_584 = vector.broadcast %mul3A_583 : f32 to vector<16xf32>
    %mul3A_585 = arith.mulf %scan3A_554#3, %mul3A_584 : vector<16xf32>
    %swap3A_586 = arith.constant 5 : i32
    %swap3A_587 = arith.index_cast %swap3A_586 : i32 to index
    %swap3A_588 = arith.constant 48 : index
    %swap3A_589 = tpu.vector_load %arg15[%swap3A_587, %swap3A_588] {strides = array<i32>} : memref<6x128xf32, #tpu.memory_space<vmem>>, vector<1x16xf32>,
    %swap3A_590 = vector.shape_cast %swap3A_589 : vector<1x16xf32> to vector<16xf32>
    %swap3A_591 = vector.shape_cast %mul3A_585 : vector<16xf32> to vector<1x16xf32>
    tpu.vector_store %arg15[%swap3A_587, %swap3A_588], %swap3A_591 {strides = array<i32>} : memref<6x128xf32, #tpu.memory_space<vmem>>, vector<1x16xf32>,
    %mul3A_592 = arith.constant 6.250000e-02 : f32
    %mul3A_593 = vector.broadcast %mul3A_592 : f32 to vector<16xf32>
    %mul3A_594 = arith.mulf %scan3A_554#4, %mul3A_593 : vector<16xf32>
    %swap3A_595 = arith.constant 5 : i32
    %swap3A_596 = arith.index_cast %swap3A_595 : i32 to index
    %swap3A_597 = arith.constant 64 : index
    %swap3A_598 = tpu.vector_load %arg15[%swap3A_596, %swap3A_597] {strides = array<i32>} : memref<6x128xf32, #tpu.memory_space<vmem>>, vector<1x16xf32>,
    %swap3A_599 = vector.shape_cast %swap3A_598 : vector<1x16xf32> to vector<16xf32>
    %swap3A_600 = vector.shape_cast %mul3A_594 : vector<16xf32> to vector<1x16xf32>
    tpu.vector_store %arg15[%swap3A_596, %swap3A_597], %swap3A_600 {strides = array<i32>} : memref<6x128xf32, #tpu.memory_space<vmem>>, vector<1x16xf32>,
    %mul3A_601 = arith.constant 6.250000e-02 : f32
    %mul3A_602 = vector.broadcast %mul3A_601 : f32 to vector<16xf32>
    %mul3A_603 = arith.mulf %scan3A_554#5, %mul3A_602 : vector<16xf32>
    %swap3A_604 = arith.constant 5 : i32
    %swap3A_605 = arith.index_cast %swap3A_604 : i32 to index
    %swap3A_606 = arith.constant 80 : index
    %swap3A_607 = tpu.vector_load %arg15[%swap3A_605, %swap3A_606] {strides = array<i32>} : memref<6x128xf32, #tpu.memory_space<vmem>>, vector<1x16xf32>,
    %swap3A_608 = vector.shape_cast %swap3A_607 : vector<1x16xf32> to vector<16xf32>
    %swap3A_609 = vector.shape_cast %mul3A_603 : vector<16xf32> to vector<1x16xf32>
    tpu.vector_store %arg15[%swap3A_605, %swap3A_606], %swap3A_609 {strides = array<i32>} : memref<6x128xf32, #tpu.memory_space<vmem>>, vector<1x16xf32>,
    %mul3A_610 = arith.constant 6.250000e-02 : f32
    %mul3A_611 = vector.broadcast %mul3A_610 : f32 to vector<16xf32>
    %mul3A_612 = arith.mulf %scan3A_554#6, %mul3A_611 : vector<16xf32>
    %swap3A_613 = arith.constant 5 : i32
    %swap3A_614 = arith.index_cast %swap3A_613 : i32 to index
    %swap3A_615 = arith.constant 96 : index
    %swap3A_616 = tpu.vector_load %arg15[%swap3A_614, %swap3A_615] {strides = array<i32>} : memref<6x128xf32, #tpu.memory_space<vmem>>, vector<1x16xf32>,
    %swap3A_617 = vector.shape_cast %swap3A_616 : vector<1x16xf32> to vector<16xf32>
    %swap3A_618 = vector.shape_cast %mul3A_612 : vector<16xf32> to vector<1x16xf32>
    tpu.vector_store %arg15[%swap3A_614, %swap3A_615], %swap3A_618 {strides = array<i32>} : memref<6x128xf32, #tpu.memory_space<vmem>>, vector<1x16xf32>,
    %mul3A_619 = arith.constant 6.250000e-02 : f32
    %mul3A_620 = vector.broadcast %mul3A_619 : f32 to vector<16xf32>
    %mul3A_621 = arith.mulf %scan3A_554#7, %mul3A_620 : vector<16xf32>
    %swap3A_622 = arith.constant 5 : i32
    %swap3A_623 = arith.index_cast %swap3A_622 : i32 to index
    %swap3A_624 = arith.constant 112 : index
    %swap3A_625 = tpu.vector_load %arg15[%swap3A_623, %swap3A_624] {strides = array<i32>} : memref<6x128xf32, #tpu.memory_space<vmem>>, vector<1x16xf32>,
    %swap3A_626 = vector.shape_cast %swap3A_625 : vector<1x16xf32> to vector<16xf32>
    %swap3A_627 = vector.shape_cast %mul3A_621 : vector<16xf32> to vector<1x16xf32>
    tpu.vector_store %arg15[%swap3A_623, %swap3A_624], %swap3A_627 {strides = array<i32>} : memref<6x128xf32, #tpu.memory_space<vmem>>, vector<1x16xf32>,
    %mul3A_628 = arith.constant 2 : i32
    %mul3A_629 = arith.muli %add3A, %mul3A_628 : i32
    %add3A_630 = arith.constant 128 : i32
    %add3A_631 = arith.addi %add3A_630, %mul3A_629 : i32
    %dma_start3A_632 = arith.constant 4 : i32
    %dma_start3A_633 = arith.constant 0 : i32
    %dma_start3A_634 = tpu.memref_slice %arg15[%dma_start3A_632, %dma_start3A_633] : memref<6x128xf32, #tpu.memory_space<vmem>> -> memref<2x128xf32, #tpu.memory_space<vmem>>
    %dma_start3A_635 = arith.constant 0 : i32
    %dma_start3A_636 = tpu.memref_slice %arg5[%add3A_631, %dma_start3A_635] : memref<192x128xf32, #tpu.memory_space<hbm>> -> memref<2x128xf32, #tpu.memory_space<hbm>>
    %dma_start3A_637 = arith.constant 0 : i32
    %dma_start3A_638 = tpu.memref_slice %arg5[%add3A_631, %dma_start3A_637] : memref<192x128xf32, #tpu.memory_space<hbm>> -> memref<2x128xf32, #tpu.memory_space<hbm>>
    %dma_start3A_639 = arith.constant 4 : i32
    %dma_start3A_640 = arith.constant 0 : i32
    %dma_start3A_641 = tpu.memref_slice %arg15[%dma_start3A_639, %dma_start3A_640] : memref<6x128xf32, #tpu.memory_space<vmem>> -> memref<2x128xf32, #tpu.memory_space<vmem>>
    tpu.enqueue_dma source(%dma_start3A_641 : memref<2x128xf32, #tpu.memory_space<vmem>>) target(%dma_start3A_638 : memref<2x128xf32, #tpu.memory_space<hbm>>) target_semaphore(%arg19 : memref<!tpu.dma_semaphore, #tpu.memory_space<semaphore_mem>>)
    %lt3A_642 = arith.constant 8 : i32
    %lt3A_643 = arith.cmpi slt, %add3A, %lt3A_642 : i32
    %convert_element_type3A_644 = arith.extui %lt3A_643 : i1 to i32
    %cond3A_645 = arith.constant 0 : i32
    %cond3A_646 = arith.cmpi ne, %convert_element_type3A_644, %cond3A_645 : i32
    scf.if %cond3A_646 {
      %dma_wait3A_677 = arith.constant 0 : i32
      %dma_wait3A_678 = arith.constant 0 : i32
      %dma_wait3A_679 = tpu.memref_slice %arg3[%dma_wait3A_677, %dma_wait3A_678] : memref<100000x128xf32, #tpu.memory_space<hbm>> -> memref<100000x128xf32, #tpu.memory_space<hbm>>
      tpu.wait_indirect_dma semaphore(%arg18 : memref<!tpu.dma_semaphore, #tpu.memory_space<semaphore_mem>>) src(%dma_wait3A_679 : memref<100000x128xf32, #tpu.memory_space<hbm>>) dst(%arg14 : memref<8x128xf32, #tpu.memory_space<vmem>>)
      %mul3A_680 = arith.constant 8 : i32
      %mul3A_681 = arith.muli %add3A, %mul3A_680 : i32
      "tpu.region"() ({
        %run_scoped3A = tpu.sem_alloc : memref<!tpu.dma_semaphore, #tpu.memory_space<semaphore_mem>>
        %dma_start3A_682 = arith.constant 0 : i32
        %dma_start3A_683 = tpu.memref_slice %arg6[%mul3A_681, %dma_start3A_682] : memref<64x128xf32, #tpu.memory_space<hbm>> -> memref<8x128xf32, #tpu.memory_space<hbm>>
        %dma_start3A_684 = arith.constant 0 : i32
        %dma_start3A_685 = tpu.memref_slice %arg6[%mul3A_681, %dma_start3A_684] : memref<64x128xf32, #tpu.memory_space<hbm>> -> memref<8x128xf32, #tpu.memory_space<hbm>>
        tpu.enqueue_dma source(%arg14 : memref<8x128xf32, #tpu.memory_space<vmem>>) target(%dma_start3A_685 : memref<8x128xf32, #tpu.memory_space<hbm>>) target_semaphore(%run_scoped3A : memref<!tpu.dma_semaphore, #tpu.memory_space<semaphore_mem>>)
        %dma_wait3A_686 = arith.constant 0 : i32
        %dma_wait3A_687 = tpu.memref_slice %arg6[%mul3A_681, %dma_wait3A_686] : memref<64x128xf32, #tpu.memory_space<hbm>> -> memref<8x128xf32, #tpu.memory_space<hbm>>
        %dma_wait3A_688 = arith.constant 0 : i32
        %dma_wait3A_689 = tpu.memref_slice %arg6[%mul3A_681, %dma_wait3A_688] : memref<64x128xf32, #tpu.memory_space<hbm>> -> memref<8x128xf32, #tpu.memory_space<hbm>>
        tpu.wait_dma2 semaphore(%run_scoped3A : memref<!tpu.dma_semaphore, #tpu.memory_space<semaphore_mem>>) src(%arg14 : memref<8x128xf32, #tpu.memory_space<vmem>>) dst(%dma_wait3A_689 : memref<8x128xf32, #tpu.memory_space<hbm>>)
        tpu.yield
      }) : () -> ()
    } else {
    }
    %dma_wait3A_647 = arith.constant 0 : i32
    %dma_wait3A_648 = arith.constant 0 : i32
    %dma_wait3A_649 = tpu.memref_slice %arg15[%dma_wait3A_647, %dma_wait3A_648] : memref<6x128xf32, #tpu.memory_space<vmem>> -> memref<2x128xf32, #tpu.memory_space<vmem>>
    %dma_wait3A_650 = arith.constant 0 : i32
    %dma_wait3A_651 = tpu.memref_slice %arg5[%mul3A_221, %dma_wait3A_650] : memref<192x128xf32, #tpu.memory_space<hbm>> -> memref<2x128xf32, #tpu.memory_space<hbm>>
    %dma_wait3A_652 = arith.constant 0 : i32
    %dma_wait3A_653 = tpu.memref_slice %arg5[%mul3A_221, %dma_wait3A_652] : memref<192x128xf32, #tpu.memory_space<hbm>> -> memref<2x128xf32, #tpu.memory_space<hbm>>
    %dma_wait3A_654 = arith.constant 0 : i32
    %dma_wait3A_655 = arith.constant 0 : i32
    %dma_wait3A_656 = tpu.memref_slice %arg15[%dma_wait3A_654, %dma_wait3A_655] : memref<6x128xf32, #tpu.memory_space<vmem>> -> memref<2x128xf32, #tpu.memory_space<vmem>>
    tpu.wait_dma2 semaphore(%arg19 : memref<!tpu.dma_semaphore, #tpu.memory_space<semaphore_mem>>) src(%dma_wait3A_656 : memref<2x128xf32, #tpu.memory_space<vmem>>) dst(%dma_wait3A_653 : memref<2x128xf32, #tpu.memory_space<hbm>>)
    %dma_wait3A_657 = arith.constant 2 : i32
    %dma_wait3A_658 = arith.constant 0 : i32
    %dma_wait3A_659 = tpu.memref_slice %arg15[%dma_wait3A_657, %dma_wait3A_658] : memref<6x128xf32, #tpu.memory_space<vmem>> -> memref<2x128xf32, #tpu.memory_space<vmem>>
    %dma_wait3A_660 = arith.constant 0 : i32
    %dma_wait3A_661 = tpu.memref_slice %arg5[%add3A_426, %dma_wait3A_660] : memref<192x128xf32, #tpu.memory_space<hbm>> -> memref<2x128xf32, #tpu.memory_space<hbm>>
    %dma_wait3A_662 = arith.constant 0 : i32
    %dma_wait3A_663 = tpu.memref_slice %arg5[%add3A_426, %dma_wait3A_662] : memref<192x128xf32, #tpu.memory_space<hbm>> -> memref<2x128xf32, #tpu.memory_space<hbm>>
    %dma_wait3A_664 = arith.constant 2 : i32
    %dma_wait3A_665 = arith.constant 0 : i32
    %dma_wait3A_666 = tpu.memref_slice %arg15[%dma_wait3A_664, %dma_wait3A_665] : memref<6x128xf32, #tpu.memory_space<vmem>> -> memref<2x128xf32, #tpu.memory_space<vmem>>
    tpu.wait_dma2 semaphore(%arg19 : memref<!tpu.dma_semaphore, #tpu.memory_space<semaphore_mem>>) src(%dma_wait3A_666 : memref<2x128xf32, #tpu.memory_space<vmem>>) dst(%dma_wait3A_663 : memref<2x128xf32, #tpu.memory_space<hbm>>)
    %dma_wait3A_667 = arith.constant 4 : i32
    %dma_wait3A_668 = arith.constant 0 : i32
    %dma_wait3A_669 = tpu.memref_slice %arg15[%dma_wait3A_667, %dma_wait3A_668] : memref<6x128xf32, #tpu.memory_space<vmem>> -> memref<2x128xf32, #tpu.memory_space<vmem>>
    %dma_wait3A_670 = arith.constant 0 : i32
    %dma_wait3A_671 = tpu.memref_slice %arg5[%add3A_631, %dma_wait3A_670] : memref<192x128xf32, #tpu.memory_space<hbm>> -> memref<2x128xf32, #tpu.memory_space<hbm>>
    %dma_wait3A_672 = arith.constant 0 : i32
    %dma_wait3A_673 = tpu.memref_slice %arg5[%add3A_631, %dma_wait3A_672] : memref<192x128xf32, #tpu.memory_space<hbm>> -> memref<2x128xf32, #tpu.memory_space<hbm>>
    %dma_wait3A_674 = arith.constant 4 : i32
    %dma_wait3A_675 = arith.constant 0 : i32
    %dma_wait3A_676 = tpu.memref_slice %arg15[%dma_wait3A_674, %dma_wait3A_675] : memref<6x128xf32, #tpu.memory_space<vmem>> -> memref<2x128xf32, #tpu.memory_space<vmem>>
    tpu.wait_dma2 semaphore(%arg19 : memref<!tpu.dma_semaphore, #tpu.memory_space<semaphore_mem>>) src(%dma_wait3A_676 : memref<2x128xf32, #tpu.memory_space<vmem>>) dst(%dma_wait3A_673 : memref<2x128xf32, #tpu.memory_space<hbm>>)
    return
  }
}

module attributes {stable_mosaic.version = 14 : i64} {
  func.func @_tc_body(%arg0: i32, %arg1: memref<192x128xf32, #tpu.memory_space<vmem>>, %arg2: memref<64x128xf32, #tpu.memory_space<vmem>>, %arg3: memref<10000x128xf32, #tpu.memory_space<vmem>>, %arg4: memref<10000x128xf32, #tpu.memory_space<vmem>>, %arg5: memref<1x1xf32, #tpu.memory_space<smem>>, %arg6: memref<192x128xf32, #tpu.memory_space<vmem>>) attributes {dimension_semantics = [#tpu.dimension_semantics<arbitrary>], iteration_bounds = array<i64: 5>, scalar_prefetch = 0 : i64, scratch_operands = 1 : i64, tpu.core_type = #tpu.core_type<tc>, window_params = [{pipeline_mode = #tpu.pipeline_mode<synchronous>, transform_indices = @transform_0, window_bounds = array<i64: 192, 128>}, {pipeline_mode = #tpu.pipeline_mode<synchronous>, transform_indices = @transform_1, window_bounds = array<i64: 64, 128>}, {transform_indices = @transform_2, window_bounds = array<i64: 10000, 128>}, {transform_indices = @transform_3, window_bounds = array<i64: 10000, 128>}, {transform_indices = @transform_4, window_bounds = array<i64: 1, 1>}]} {
    %eq3A = arith.constant 0 : i32
    %eq3A_0 = arith.cmpi eq, %arg0, %eq3A : i32
    %convert_element_type3A = arith.extui %eq3A_0 : i1 to i32
    %cond3A = arith.constant 0 : i32
    %cond3A_1 = arith.cmpi ne, %convert_element_type3A, %cond3A : i32
    scf.if %cond3A_1 {
      %broadcast_in_dim3A_33 = arith.constant 0.000000e+00 : f32
      %broadcast_in_dim3A_34 = vector.broadcast %broadcast_in_dim3A_33 : f32 to vector<192x128xf32>
      %swap3A_35 = arith.constant 0 : index
      %swap3A_36 = arith.constant 0 : index
      %swap3A_37 = vector.load %arg6[%swap3A_35, %swap3A_36] : memref<192x128xf32, #tpu.memory_space<vmem>>, vector<192x128xf32>
      tpu.vector_store %arg6[%swap3A_35, %swap3A_36], %broadcast_in_dim3A_34 {strides = array<i32>} : memref<192x128xf32, #tpu.memory_space<vmem>>, vector<192x128xf32>,
    } else {
    }
    %get3A = arith.constant 0 : index
    %get3A_2 = arith.constant 0 : index
    %get3A_3 = vector.load %arg1[%get3A, %get3A_2] : memref<192x128xf32, #tpu.memory_space<vmem>>, vector<192x128xf32>
    %broadcast_in_dim3A = arith.constant 0.000000e+00 : f32
    %broadcast_in_dim3A_4 = vector.broadcast %broadcast_in_dim3A : f32 to vector<192x1xf32>
    %get3A_5 = arith.constant 0 : index
    %get3A_6 = arith.constant 0 : index
    %get3A_7 = vector.load %arg3[%get3A_5, %get3A_6] : memref<10000x128xf32, #tpu.memory_space<vmem>>, vector<10000x128xf32>
    %dot_general3A = arith.constant dense<0.000000e+00> : vector<192x10000xf32>
    %dot_general3A_8 = tpu.matmul %get3A_3, %get3A_7, %dot_general3A {dimension_numbers = #tpu.dot_dimension_numbers<[1], [1], [0], [0], [0, 0, 1, 0], [], []>, transpose_lhs_hint = false} : vector<192x128xf32>, vector<10000x128xf32>, vector<192x10000xf32> -> vector<192x10000xf32>
    %exp3A = math.exp %dot_general3A_8 : vector<192x10000xf32>
    %reduce_sum3A = arith.constant dense<0.000000e+00> : vector<192xf32>
    %reduce_sum3A_9 = vector.multi_reduction <add>, %exp3A, %reduce_sum3A [1] : vector<192x10000xf32> to vector<192xf32>
    %broadcast_in_dim3A_10 = vector.shape_cast %reduce_sum3A_9 : vector<192xf32> to vector<192x1xf32>
    %add3A = arith.addf %broadcast_in_dim3A_4, %broadcast_in_dim3A_10 : vector<192x1xf32>
    %get3A_11 = arith.constant 0 : index
    %get3A_12 = arith.constant 0 : index
    %get3A_13 = vector.load %arg4[%get3A_11, %get3A_12] : memref<10000x128xf32, #tpu.memory_space<vmem>>, vector<10000x128xf32>
    %dot_general3A_14 = arith.constant dense<0.000000e+00> : vector<192x10000xf32>
    %dot_general3A_15 = tpu.matmul %get3A_3, %get3A_13, %dot_general3A_14 {dimension_numbers = #tpu.dot_dimension_numbers<[1], [1], [0], [0], [0, 0, 1, 0], [], []>, transpose_lhs_hint = false} : vector<192x128xf32>, vector<10000x128xf32>, vector<192x10000xf32> -> vector<192x10000xf32>
    %exp3A_16 = math.exp %dot_general3A_15 : vector<192x10000xf32>
    %reduce_sum3A_17 = arith.constant dense<0.000000e+00> : vector<192xf32>
    %reduce_sum3A_18 = vector.multi_reduction <add>, %exp3A_16, %reduce_sum3A_17 [1] : vector<192x10000xf32> to vector<192xf32>
    %broadcast_in_dim3A_19 = vector.shape_cast %reduce_sum3A_18 : vector<192xf32> to vector<192x1xf32>
    %add3A_20 = arith.addf %add3A, %broadcast_in_dim3A_19 : vector<192x1xf32>
    %get3A_21 = arith.constant 0 : index
    %get3A_22 = arith.constant 0 : index
    %get3A_23 = vector.load %arg6[%get3A_21, %get3A_22] : memref<192x128xf32, #tpu.memory_space<vmem>>, vector<192x128xf32>
    %add3A_24 = vector.broadcast %add3A_20 : vector<192x1xf32> to vector<192x128xf32>
    %add3A_25 = arith.addf %get3A_23, %add3A_24 : vector<192x128xf32>
    %swap3A = arith.constant 0 : index
    %swap3A_26 = arith.constant 0 : index
    %swap3A_27 = vector.load %arg6[%swap3A, %swap3A_26] : memref<192x128xf32, #tpu.memory_space<vmem>>, vector<192x128xf32>
    tpu.vector_store %arg6[%swap3A, %swap3A_26], %add3A_25 {strides = array<i32>} : memref<192x128xf32, #tpu.memory_space<vmem>>, vector<192x128xf32>,
    %eq3A_28 = arith.constant 4 : i32
    %eq3A_29 = arith.cmpi eq, %arg0, %eq3A_28 : i32
    %convert_element_type3A_30 = arith.extui %eq3A_29 : i1 to i32
    %cond3A_31 = arith.constant 0 : i32
    %cond3A_32 = arith.cmpi ne, %convert_element_type3A_30, %cond3A_31 : i32
    scf.if %cond3A_32 {
      %get3A_33 = arith.constant 0 : index
      %get3A_34 = arith.constant 0 : index
      %get3A_35 = vector.load %arg6[%get3A_33, %get3A_34] : memref<192x128xf32, #tpu.memory_space<vmem>>, vector<192x1xf32>
      %log3A = math.log %get3A_35 : vector<192x1xf32>
      %get3A_36 = arith.constant 0 : index
      %get3A_37 = arith.constant 0 : index
      %get3A_38 = vector.load %arg2[%get3A_36, %get3A_37] : memref<64x128xf32, #tpu.memory_space<vmem>>, vector<64x128xf32>
      %slice3A = vector.extract_strided_slice %get3A_3 {offsets = [0, 0], sizes = [64, 128], strides = [1, 1]} : vector<192x128xf32> to vector<64x128xf32>
      %mul3A = arith.mulf %slice3A, %get3A_38 : vector<64x128xf32>
      %reduce_sum3A_39 = arith.constant dense<0.000000e+00> : vector<64xf32>
      %reduce_sum3A_40 = vector.multi_reduction <add>, %mul3A, %reduce_sum3A_39 [1] : vector<64x128xf32> to vector<64xf32>
      %broadcast_in_dim3A_41 = vector.shape_cast %reduce_sum3A_40 : vector<64xf32> to vector<64x1xf32>
      %slice3A_42 = vector.extract_strided_slice %get3A_3 {offsets = [64, 0], sizes = [64, 128], strides = [1, 1]} : vector<192x128xf32> to vector<64x128xf32>
      %mul3A_43 = arith.mulf %slice3A_42, %get3A_38 : vector<64x128xf32>
      %reduce_sum3A_44 = arith.constant dense<0.000000e+00> : vector<64xf32>
      %reduce_sum3A_45 = vector.multi_reduction <add>, %mul3A_43, %reduce_sum3A_44 [1] : vector<64x128xf32> to vector<64xf32>
      %broadcast_in_dim3A_46 = vector.shape_cast %reduce_sum3A_45 : vector<64xf32> to vector<64x1xf32>
      %slice3A_47 = vector.extract_strided_slice %get3A_3 {offsets = [128, 0], sizes = [64, 128], strides = [1, 1]} : vector<192x128xf32> to vector<64x128xf32>
      %mul3A_48 = arith.mulf %slice3A_47, %get3A_38 : vector<64x128xf32>
      %reduce_sum3A_49 = arith.constant dense<0.000000e+00> : vector<64xf32>
      %reduce_sum3A_50 = vector.multi_reduction <add>, %mul3A_48, %reduce_sum3A_49 [1] : vector<64x128xf32> to vector<64xf32>
      %broadcast_in_dim3A_51 = vector.shape_cast %reduce_sum3A_50 : vector<64xf32> to vector<64x1xf32>
      %slice3A_52 = vector.extract_strided_slice %log3A {offsets = [0, 0], sizes = [64, 1], strides = [1, 1]} : vector<192x1xf32> to vector<64x1xf32>
      %sub3A = arith.subf %slice3A_52, %broadcast_in_dim3A_41 : vector<64x1xf32>
      %reduce_sum3A_53 = vector.shape_cast %sub3A : vector<64x1xf32> to vector<1x64x1xf32>
      %reduce_sum3A_54 = arith.constant dense<0.000000e+00> : vector<1xf32>
      %reduce_sum3A_55 = vector.multi_reduction <add>, %reduce_sum3A_53, %reduce_sum3A_54 [1, 2] : vector<1x64x1xf32> to vector<1xf32>
      %reduce_sum3A_56 = vector.shape_cast %reduce_sum3A_55 : vector<1xf32> to vector<1x1x1xf32>
      %reduce_sum3A_57 = vector.extract %reduce_sum3A_56[0, 0, 0] : f32 from vector<1x1x1xf32>
      %mul3A_58 = arith.constant 3.000000e-01 : f32
      %mul3A_59 = arith.mulf %mul3A_58, %reduce_sum3A_57 : f32
      %slice3A_60 = vector.extract_strided_slice %log3A {offsets = [64, 0], sizes = [64, 1], strides = [1, 1]} : vector<192x1xf32> to vector<64x1xf32>
      %sub3A_61 = arith.subf %slice3A_60, %broadcast_in_dim3A_46 : vector<64x1xf32>
      %reduce_sum3A_62 = vector.shape_cast %sub3A_61 : vector<64x1xf32> to vector<1x64x1xf32>
      %reduce_sum3A_63 = arith.constant dense<0.000000e+00> : vector<1xf32>
      %reduce_sum3A_64 = vector.multi_reduction <add>, %reduce_sum3A_62, %reduce_sum3A_63 [1, 2] : vector<1x64x1xf32> to vector<1xf32>
      %reduce_sum3A_65 = vector.shape_cast %reduce_sum3A_64 : vector<1xf32> to vector<1x1x1xf32>
      %reduce_sum3A_66 = vector.extract %reduce_sum3A_65[0, 0, 0] : f32 from vector<1x1x1xf32>
      %mul3A_67 = arith.constant 3.000000e-01 : f32
      %mul3A_68 = arith.mulf %mul3A_67, %reduce_sum3A_66 : f32
      %add3A_69 = arith.addf %mul3A_59, %mul3A_68 : f32
      %slice3A_70 = vector.extract_strided_slice %log3A {offsets = [128, 0], sizes = [64, 1], strides = [1, 1]} : vector<192x1xf32> to vector<64x1xf32>
      %sub3A_71 = arith.subf %slice3A_70, %broadcast_in_dim3A_51 : vector<64x1xf32>
      %reduce_sum3A_72 = vector.shape_cast %sub3A_71 : vector<64x1xf32> to vector<1x64x1xf32>
      %reduce_sum3A_73 = arith.constant dense<0.000000e+00> : vector<1xf32>
      %reduce_sum3A_74 = vector.multi_reduction <add>, %reduce_sum3A_72, %reduce_sum3A_73 [1, 2] : vector<1x64x1xf32> to vector<1xf32>
      %reduce_sum3A_75 = vector.shape_cast %reduce_sum3A_74 : vector<1xf32> to vector<1x1x1xf32>
      %reduce_sum3A_76 = vector.extract %reduce_sum3A_75[0, 0, 0] : f32 from vector<1x1x1xf32>
      %mul3A_77 = arith.constant 4.000000e-01 : f32
      %mul3A_78 = arith.mulf %mul3A_77, %reduce_sum3A_76 : f32
      %add3A_79 = arith.addf %add3A_69, %mul3A_78 : f32
      %swap3A_80 = arith.constant 0 : index
      %swap3A_81 = arith.constant 0 : index
      %swap3A_82 = memref.load %arg5[%swap3A_80, %swap3A_81] : memref<1x1xf32, #tpu.memory_space<smem>>
      memref.store %add3A_79, %arg5[%swap3A_80, %swap3A_81] : memref<1x1xf32, #tpu.memory_space<smem>>
    } else {
    }
    return
  }
  func.func @transform_0(%arg0: i32) -> (i32, i32) {
    %c0_i32 = arith.constant 0 : i32
    %c0_i32_0 = arith.constant 0 : i32
    %c0_i32_1 = arith.constant 0 : i32
    return %c0_i32, %c0_i32_0 : i32, i32
  }
  func.func @transform_1(%arg0: i32) -> (i32, i32) {
    %c0_i32 = arith.constant 0 : i32
    %c0_i32_0 = arith.constant 0 : i32
    %c0_i32_1 = arith.constant 0 : i32
    return %c0_i32, %c0_i32_0 : i32, i32
  }
  func.func @transform_2(%arg0: i32) -> (i32, i32) {
    %c0_i32 = arith.constant 0 : i32
    %c0_i32_0 = arith.constant 0 : i32
    return %arg0, %c0_i32 : i32, i32
  }
  func.func @transform_3(%arg0: i32) -> (i32, i32) {
    %add3A = arith.constant 5 : i32
    %add3A_0 = arith.addi %arg0, %add3A : i32
    %c0_i32 = arith.constant 0 : i32
    %c0_i32_1 = arith.constant 0 : i32
    return %add3A_0, %c0_i32 : i32, i32
  }
  func.func @transform_4(%arg0: i32) -> (i32, i32) {
    %c0_i32 = arith.constant 0 : i32
    %c0_i32_0 = arith.constant 0 : i32
    %c0_i32_1 = arith.constant 0 : i32
    return %c0_i32, %c0_i32_0 : i32, i32
  }
}

</mosaic_0001>

<sc_bundles>
// kernel: kernel.4.cloned.1.call-start
scs
__scs_entry_jumppad:
0x0: {  	(pc) =	sbr.rel $0x88, $3  }
0x1: {  	(tag) =	ssettag $0x0;
	lr =	simm.s32 $0x1  }
0x2: {  	[smem:$0x3F9B] =	sst lr;
	_ =	strace $0xD0000000  }
0x3: {  	_ = 	snop  }
0x4: {  	_ = 	snop  }
0x5: {  	_ = 	snop  }
0x6: {  	_ = 	snop  }
0x7: {  	_ = 	snop  }
__scs_overlays_trampoline_lowered:
0x8: {  	[smem:$0x3FAA] =	sst s0  }
0x9: {  	[smem:$0x3FAB] =	sst s1  }
0xa: {  	[smem:$0x3FAC] =	sst s2  }
0xb: {  	[smem:$0x3FAD] =	sst s3  }
0xc: {  	[smem:$0x3FAE] =	sst s4  }
0xd: {  	[smem:$0x3FAF] =	sst s5  }
0xe: {  	[smem:$0x3FB0] =	sst s6  }
0xf: {  	[smem:$0x3FB1] =	sst s7  }
0x10: {  	[smem:$0x3FB2] =	sst s8  }
0x11: {  	[smem:$0x3FB3] =	sst s9;
	s0 =	simm.s32 @!p0 $0x0  }
0x12: {  	s1 =	sld [smem:$0x3F99];
	s0 =	simm.s32 @p0 $0x1  }
0x13: {  	[smem:$0x3FB4] =	sst s0;
	s0 =	simm.s32 @!p1 $0x0  }
0x14: {  	s2 =	sld [smem:$0x3F98];
	s0 =	simm.s32 @p1 $0x1  }
0x15: {  	[smem:$0x3FB5] =	sst s0;
	s0 =	simm.s32 @!p2 $0x0  }
0x16: {  	s3 =	sld [smem:$0x3FDB];
	s0 =	simm.s32 @p2 $0x1  }
0x17: {  	s4 =	simm.s32 $0x1BF5;
	[smem:$0x3FB7] =	sst s0  }
0x18: {  	s0 =	sld [smem:$0x3F9A];
	_ =	swait.ge [sflag:s4], $0x0  }
0x19: {  	s7 =	sld [smem:$0x3F9B]  }
0x1a: {  	s8 =	sadd.s32 $0xFFFFE003, lr  }
0x1b: {  	s9 =	sadd.s32 $0xFFFFFEF7, lr;
	s5 =	simm.s32 $0xFFFFFFFF;
	p2 =	slt.u32 s8, $0xFFFFF086  }
0x1c: {  	p1 =	slt.u32 s9, $0xF7A;
	s5 =	simm.s32 @!p2 $0x0  }
0x1d: {  	s5 =	simm.s32 @p1 $0x1;
	p0 =	seq.s32 s7, s2  }
0x1e: {  	s7 =	smul.u32 @!p0 $0xF7A, s2;
	p2 =	seq.s32 @!p0 s5, $0x0  }
0x1f: {  	s9 =	smul.u32 $0xF7A, s1;
	s8 =	simm.s32 @!p0 $0x1BF5;
	p2 =	por !p2, p0  }
0x20: {  	[sflag:s8] =	ssyncset.s32 @!p0 $0xFFFFF086;
	s6 =	sadd.s32 @!p0 s3, s7;
	s7 =	simm.s32 @!p0 $0x108  }
0x21: {  	s3 =	sadd.s32 s3, s9;
	s6 =	sadd.s32 @!p0 $0x88, s6;
	s7 =	simm.s32 @p2 $0x1082  }
0x22: {  	[simem:s7], [sflag:s8] =	dma.local @!p0 [hbm:s6], $0xF7A  }
0x23: {  	s9 =	sor.u32 $0xD0000000, s2;
	s6 =	simm.s32 $0x108;
	_ =	swait.ge @!p0 [sflag:s8], $0x0  }
0x24: {  	s3 =	sadd.s32 $0x88, s3;
	s6 =	simm.s32 @!p1 $0x1082;
	[sflag:s4] =	ssyncset.s32 $0xFFFFF086  }
0x25: {  	[simem:s6], [sflag:s4] =	dma.local [hbm:s3], $0xF7A  }
0x26: {  	[smem:$0x3F9B] =	sst s1;
	(tag) =	ssettag s2;
	_ =	strace s9  }
0x27: {  	s1 =	sld [smem:$0x3FAB]  }
0x28: {  	s2 =	sld [smem:$0x3FAC]  }
0x29: {  	s4 =	sld [smem:$0x3FAE]  }
0x2a: {  	p0 =	seq.s32 s5, $0x0;
	s5 =	sld [smem:$0x3FAF]  }
0x2b: {  	s6 =	sld [smem:$0x3FB0]  }
0x2c: {  	s7 =	sld [smem:$0x3FB1]  }
0x2d: {  	s3 =	simm.s32 $0x108;
	s8 =	sld [smem:$0x3FB2]  }
0x2e: {  	s3 =	simm.s32 @!p0 $0x1082;
	s9 =	sld [smem:$0x3FB3]  }
0x2f: {  	lr =	sadd.s32 s0, s3;
	s0 =	sld [smem:$0x3FAA]  }
0x30: {  	s3 =	sld [smem:$0x3FAD]  }
0x31: {  	[smem:$0x3FB6] =	sst s10  }
0x32: {  	s10 =	sld [smem:$0x3FB4];
	_ =	sdelay $0x3  }
0x33: {  	p0 =	seq.s32 s10, $0x1;
	s10 =	sld [smem:$0x3FB6];
	_ =	sdelay $0x3  }
0x34: {  	[smem:$0x3FB6] =	sst s10  }
0x35: {  	s10 =	sld [smem:$0x3FB5];
	_ =	sdelay $0x3  }
0x36: {  	p1 =	seq.s32 s10, $0x1;
	s10 =	sld [smem:$0x3FB6];
	_ =	sdelay $0x3  }
0x37: {  	[smem:$0x3FB6] =	sst s10  }
0x38: {  	s10 =	sld [smem:$0x3FB7]  }
0x39: {  	_ = 	snop;
	(pc) =	sbr.ind lr, $3  }
0x3a: {  	_ = 	snop  }
0x3b: {  	_ = 	snop  }
0x3c: {  	p2 =	seq.s32 s10, $0x1;
	s10 =	sld [smem:$0x3FB6]  }
0x3d: {  	_ =	shalt  }
0x3e: {  	_ =	shalt  }
0x3f: {  	_ =	shalt  }
0x40: {  	_ =	shalt  }
0x41: {  	_ =	shalt  }
0x42: {  	_ =	shalt  }
0x43: {  	_ =	shalt  }
0x44: {  	_ =	shalt  }
0x45: {  	_ =	shalt  }
0x46: {  	_ =	shalt  }
0x47: {  	_ =	shalt  }
0x48: {  	_ =	shalt  }
0x49: {  	_ =	shalt  }
0x4a: {  	_ =	shalt  }
0x4b: {  	_ =	shalt  }
0x4c: {  	_ =	shalt  }
0x4d: {  	_ =	shalt  }
0x4e: {  	_ =	shalt  }
0x4f: {  	_ =	shalt  }
0x50: {  	_ =	shalt  }
0x51: {  	_ =	shalt  }
0x52: {  	_ =	shalt  }
0x53: {  	_ =	shalt  }
0x54: {  	_ =	shalt  }
0x55: {  	_ =	shalt  }
0x56: {  	_ =	shalt  }
0x57: {  	_ =	shalt  }
0x58: {  	_ =	shalt  }
0x59: {  	_ =	shalt  }
0x5a: {  	_ =	shalt  }
0x5b: {  	_ =	shalt  }
0x5c: {  	_ =	shalt  }
0x5d: {  	_ =	shalt  }
0x5e: {  	_ =	shalt  }
0x5f: {  	_ =	shalt  }
0x60: {  	_ =	shalt  }
0x61: {  	_ =	shalt  }
0x62: {  	_ =	shalt  }
0x63: {  	_ =	shalt  }
0x64: {  	_ =	shalt  }
0x65: {  	_ =	shalt  }
0x66: {  	_ =	shalt  }
0x67: {  	_ =	shalt  }
0x68: {  	_ =	shalt  }
0x69: {  	_ =	shalt  }
0x6a: {  	_ =	shalt  }
0x6b: {  	_ =	shalt  }
0x6c: {  	_ =	shalt  }
0x6d: {  	_ =	shalt  }
0x6e: {  	_ =	shalt  }
0x6f: {  	_ =	shalt  }
0x70: {  	_ =	shalt  }
0x71: {  	_ =	shalt  }
0x72: {  	_ =	shalt  }
0x73: {  	_ =	shalt  }
0x74: {  	_ =	shalt  }
0x75: {  	_ =	shalt  }
0x76: {  	_ =	shalt  }
0x77: {  	_ =	shalt  }
0x78: {  	_ =	shalt  }
0x79: {  	_ =	shalt  }
0x7a: {  	_ =	shalt  }
0x7b: {  	_ =	shalt  }
0x7c: {  	_ =	shalt  }
0x7d: {  	_ =	shalt  }
0x7e: {  	_ =	shalt  }
0x7f: {  	_ =	shalt  }
0x80: {  	_ =	shalt  }
0x81: {  	_ =	shalt  }
0x82: {  	_ =	shalt  }
0x83: {  	_ =	shalt  }
0x84: {  	_ =	shalt  }
0x85: {  	_ =	shalt  }
0x86: {  	_ =	shalt  }
0x87: {  	_ =	shalt  }
.Lfunc_end0:
.L_simem_size_0:
called_computation_lowered:
.L_overlay_start_0:
0x88: {  	s2 =	sld [smem:$0x3FD9]  }
0x89: {  	s3 =	sld [smem:$0x3FFE];
	_ =	sdelay $0x1  }
0x8a: {  	s1 =	srdreg.scid  }
0x8b: {  	s0 =	sand.u32 $0x1, s1  }
0x8c: {  	s17 =	sshll.u32 s0, $0xA;
	s2 =	sadd.s32 s3, s2  }
0x8d: {  	s2 =	sadd.s32 s2, s17  }
0x8e: {  	[smem:$0x3FC2] =	sst s2  }
0x8f: {  	_ = 	snop  }
0x90: {  	s2 =	sld [smem:$0x3FC5]  }
0x91: {  	s18 =	sld [smem:$0x3FC4];
	(tm) =	ssettm $0x1  }
0x92: {  	s4 =	sld [smem:$0x3FFB];
	_ =	sdelay $0x3  }
0x93: {  	_ =	strace s4  }
0x94: {  	s4 =	sld [smem:$0x3FFC];
	_ =	sdelay $0x3  }
0x95: {  	_ =	strace s4  }
0x96: {  	s4 =	sld [smem:$0x3FFD];
	_ =	sdelay $0x3  }
0x97: {  	_ =	strace s4  }
0x98: {  	_ =	strace $0x8FFFFFFF  }
0x99: {  	s19 =	sld [smem:$0x3FDB];
	_ =	sdelay $0x1  }
0x9a: {  	s5 =	simm.s32 $_scs_section_size  }
0x9b: {  	s6 =	simm.s32 $_size__tile_overlayer_lowered;
	s7 =	simm.s32 $_tile_overlayer_lowered  }
0x9c: {  	s22 =	simm.s32 $0x1BFF;
	s21 =	sshll.u32 s7, $0x1;
	s4 =	sadd.s32 s5, s19  }
0x9d: {  	s8 =	simm.s32 $0x0;
	s20 =	sshll.u32 s6, $0x1;
	s6 =	sadd.s32 s21, s4  }
0x9e: {  	[timem:s8], [sflag:s22] =	dma.local [hbm:s6], s20  }
0x9f: {  	_ =	swait.ge [sflag:s22], s20  }
0xa0: {  	s5 =	ssub.s32 $0x0, s20;
	[sflag:s22] =	ssyncset.done $0x0  }
0xa1: {  	[sflag:s22] =	ssyncadd.s32 s5;
	_ =	sdelay $0x1  }
0xa2: {  	s23 =	simm.s32 $0x1B8B  }
0xa3: {  	_ =	swait.ge [sflag:s23], $0x1  }
0xa4: {  	[sflag:s23] =	ssyncset.done $0x0  }
0xa5: {  	s25 =	simm.s32 $0x1B8E;
	s24 =	sld [smem:$0x3FFE];
	[sflag:s23] =	ssyncadd.s32 $0xFFFFFFFF  }
0xa6: {  	s26 =	simm.s32 $execute0_lowered;
	[smem:$0x3FD2] =	sst s25  }
0xa7: {  	s6 =	sshll.u32 s26, $0x1;
	_ =	strace $0x80000046;
	[dreg:$0x1] =	wrdreg $0xFFFFFFFF  }
0xa8: {  	s28 =	simm.s32 $_size_execute0_lowered;
	s4 =	sadd.s32 s4, s6;
	[dreg:$0x0] =	wrdreg $0x0  }
0xa9: {  	s6 =	sshll.u32 s28, $0x1;
	[dreg:$0x2] =	wrdreg s4  }
0xaa: {  	[dreg:$0x3] =	wrdreg s6  }
0xab: {  	[dreg:$0x4] =	wrdreg $0xC0  }
0xac: {  	_ =	task [dreg:s8], $0x5FFFF  }
0xad: {  	[dreg:$0x1] =	wrdreg $0xFFFFFFFF  }
0xae: {  	[dreg:$0x0] =	wrdreg $0x60  }
0xaf: {  	[dreg:$0x2] =	wrdreg s24  }
0xb0: {  	[dreg:$0x3] =	wrdreg s2  }
0xb1: {  	[dreg:$0x4] =	wrdreg s18  }
0xb2: {  	[dreg:$0x5] =	wrdreg $0x9  }
0xb3: {  	_ =	task.clear_ibuf [dreg:s8], $0x6FFFF;
	_ =	strace $0x90000046  }
0xb4: {  	s29 =	simm.s32 $0x9;
	_ =	strace $0x80000048  }
0xb5: {  	_ =	swait.ge [sflag:s29], $0x1  }
0xb6: {  	[sflag:s29] =	ssyncadd.s32 $0xFFFFFFFF  }
0xb7: {  	_ =	strace $0x90000048  }
0xb8: {  	_ =	sfence  }
0xb9: {  	s30 =	sld [smem:$0x0];
	_ =	sdelay $0x2  }
0xba: {  	s31 =	sshll.u32 s1, $0xD;
	s1 =	sshrl.u32 s1, $0x2  }
0xbb: {  	s3 =	sand.u32 $0x4000, s31;
	s1 =	sadd.s32 s1, s30  }
0xbc: {  	s0 =	sor.u32 s3, s0;
	s1 =	sshll.u32 s1, $0x11  }
0xbd: {  	s0 =	sor.u32 s1, s0  }
0xbe: {  	s0 =	sadd.s32 $0x8F2B, s0  }
0xbf: {  	[sflag:s0] =	ssyncadd.remote.s32 $0x1  }
0xc0: {  	_ =	sfence.sel $0xFFFF  }
0xc1: {  	[dreg:$0x0] =	wrdreg $0xFFFFFFFF;
	(pc) =	sbr.abs _section_cstart, $3  }
0xc2: {  	[dreg:$0x1] =	wrdreg $0xFFFFFFFF  }
0xc3: {  	_ =	task.clear_ibuf [dreg:s8], $0x2FFFF;
	_ =	strace $0x9FFFFFFF  }
0xc4: {  	(tm) =	ssettm $0x7FFFFFFF  }
0xc5: {  	_ =	shalt  }
tec
execute0_lowered:
.L_overlay_start_1:
0x0: {  	(tag) =	ssettag $0x1  }
0x1: {  	s5 =	rddreg [dreg:$0x0]  }
0x2: {  	s1 =	rddreg [dreg:$0x1]  }
0x3: {  	s3 =	rddreg [dreg:$0x2]  }
0x4: {  	s0 =	rddreg [dreg:$0x3];
	s4 =	simm.s32 $0x0;
	s6 =	srdreg.scid  }
0x5: {  	s2 =	stileid.u32;
	s14 =	simm.s32 $0x2080;
	s15 =	simm.s32 $0x4100  }
0x6: {  	s16 =	simm.s32 $0x2;
	s17 =	simm.s32 $0x40;
	s18 =	simm.s32 $0x80  }
0x7: {  	s19 =	simm.s32 $0x2100;
	s20 =	simm.s32 $0x20;
	s21 =	simm.s32 $0x4180  }
0x8: {  	s22 =	simm.s32 $0x1;
	s23 =	simm.s32 $0x5600;
	s24 =	simm.s32 $0x5700  }
0x9: {  	s25 =	simm.s32 $0x5800;
	s28 =	simm.s32 $0x0;
	[smem:$0x7FF] =	sst s4  }
0xa: {  	s6 =	sand.u32 $0x1, s6;
	s7 =	sshll.u32 s2, $0x1;
	s9 =	sadd.s32 $0xE00, s5  }
0xb: {  	p0 =	sgt.u32 s2, $0x3;
	_ =	strace $0x80000047;
	s8 =	sor.u32 s6, s7  }
0xc: {  	s26 =	ssub.s32 $0x2, s6;
	s7 =	sshll.u32 s8, $0x5;
	s10 =	sshll.u32 s8, $0x7  }
0xd: {  	s6 =	sshrl.u32 s26, $0x1;
	s29 =	sshll.u32 s8, $0x3;
	s30 =	sshll.u32 s8, $0x2  }
0xe: {  	s8 =	sadd.s32 s8, s9;
	s11 =	sadd.s32 s7, s5;
	s12 =	sadd.s32 s10, s5  }
0xf: {  	s13 =	ssub.s32 s26, s6;
	s5 =	sadd.s32 s9, s29;
	s31 =	sadd.s32 s30, s9  }
0x10: {  	s8 =	sadd.s32 $0x280, s8;
	s26 =	simm.s32 $0x4;
	s6 =	sadd.s32 $0x100, s5  }
0x11: {  	s7 =	sadd.s32 $0x200, s31;
	s9 =	sadd.s32 $0x1200, s11;
	s10 =	sadd.s32 $0x1600, s11  }
0x12: {  	s11 =	sadd.s32 $0x1A00, s11;
	s12 =	sadd.s32 $0x1E00, s12;
	s13 =	smax.u32 s13, $0x1  }
.LBB2_1:
0x13: {  	[tilespmem:s4], [sflag:$0x2] =	stream.linear.gather [hbm4b:s5+s4], $0x40, $0x38;
	[tilespmem:$0x5A00] =	vst v63  }
0x14: {  	_ = 	snop  }
0x15: {  	[tilespmem:s14], [sflag:$0x2] =	stream.linear.gather [hbm4b:s6+s4], $0x40, $0x38;
	[tilespmem:$0x5A00] =	vst v63  }
0x16: {  	_ = 	snop  }
0x17: {  	[tilespmem:s15], [sflag:$0x2] =	stream.linear.gather [hbm4b:s7+s4], $0x20, $0x38;
	[tilespmem:$0x5A00] =	vst v63  }
0x18: {  	s29 =	simm.s32 @!p0 $0x0;
	s30 =	simm.s32 @!p0 $0x5180  }
0x19: {  	[tilespmem:s30], [sflag:$0x5] =	stream.linear.gather @!p0 [hbm4b:s8+s29], $0x8, $0x38;
	[tilespmem:$0x5A00] =	vst v63  }
0x1a: {  	s29 =	simm.s32 @!p0 $0x5  }
0x1b: {  	_ =	swait.ge @!p0 [sflag:s29], $0x8  }
0x1c: {  	[sflag:s29] =	ssyncset.done @!p0 $0x0  }
0x1d: {  	s31 =	simm.s32 @!p0 $0x5200;
	[sflag:s29] =	ssyncadd.s32 @!p0 $0xFFFFFFF8;
	s29 =	simm.s32 @!p0 $0x8  }
0x1e: {  	[tilespmem:s31], [sflag:$0x3] =	stream.indirect.gather @!p0 [hbm4b:s1+s29], $0x80, s30, s29, $0xb8;
	[tilespmem:$0x5A00] =	vst v63  }
0x1f: {  	_ =	swait.ge [sflag:s16], $0x40  }
0x20: {  	[sflag:s16] =	ssyncset.done $0x0  }
0x21: {  	[sflag:s16] =	ssyncadd.s32 $0xFFFFFFC0  }
0x22: {  	[tilespmem:s18], [sflag:$0x1] =	stream.indirect.gather [hbm4b:s1+s17], $0x80, s4, s17, $0xb8;
	[tilespmem:$0x5A00] =	vst v63  }
0x23: {  	_ =	swait.ge [sflag:s16], $0x40  }
0x24: {  	[sflag:s16] =	ssyncset.done $0x0  }
0x25: {  	[sflag:s16] =	ssyncadd.s32 $0xFFFFFFC0  }
0x26: {  	[tilespmem:s19], [sflag:$0x1] =	stream.indirect.gather [hbm4b:s1+s17], $0x80, s14, s17, $0xb8;
	[tilespmem:$0x5A00] =	vst v63  }
0x27: {  	_ =	swait.ge [sflag:s16], $0x20  }
0x28: {  	[sflag:s16] =	ssyncset.done $0x0  }
0x29: {  	[sflag:s16] =	ssyncadd.s32 $0xFFFFFFE0  }
0x2a: {  	[tilespmem:s21], [sflag:$0x1] =	stream.indirect.gather [hbm4b:s3+s20], $0x80, s15, s20, $0xb8;
	[tilespmem:$0x5A00] =	vst v63  }
0x2b: {  	_ =	swait.ge [sflag:s22], $0x2000  }
0x2c: {  	[sflag:s22] =	ssyncset.done $0x0  }
0x2d: {  	s30 =	simm.s32 $0x180;
	[sflag:s22] =	ssyncadd.s32 $0xFFFFE000  }
0x2e: {  	v4 =	vld [tilespmem:s30+$0x80]  }
0x2f: {  	v5 =	vld [tilespmem:s30+$0x90]  }
0x30: {  	v10 =	vld [tilespmem:s30+$0xA0]  }
0x31: {  	v12 =	vld [tilespmem:s30+$0xB0]  }
0x32: {  	v0 =	vld [tilespmem:s30+$0xC0]  }
0x33: {  	v1 =	vld [tilespmem:s30+$0xD0]  }
0x34: {  	v6 =	vld [tilespmem:s30+$0x0]  }
0x35: {  	v7 =	vld [tilespmem:s30+$0x10]  }
0x36: {  	v9 =	vld [tilespmem:s30+$0x20]  }
0x37: {  	v11 =	vld [tilespmem:s30+$0x30]  }
0x38: {  	v3 =	vld [tilespmem:s30+$0x40]  }
0x39: {  	v2 =	vld [tilespmem:s30+$0x50]  }
0x3a: {  	v8 =	vld [tilespmem:s30+$0xFFFFFF80]  }
0x3b: {  	v13 =	vld [tilespmem:s30+$0xFFFFFF90]  }
0x3c: {  	v14 =	vld [tilespmem:s30+$0xFFFFFF00]  }
0x3d: {  	v15 =	vld [tilespmem:s30+$0xFFFFFF10]  }
0x3e: {  	v16 =	vld [tilespmem:s30+$0xFFFFFF20]  }
0x3f: {  	v17 =	vld [tilespmem:s30+$0xFFFFFF30]  }
0x40: {  	v18 =	vld [tilespmem:s30+$0xFFFFFFA0]  }
0x41: {  	v19 =	vld [tilespmem:s30+$0xFFFFFFB0]  }
0x42: {  	v20 =	vimm.f32 $0.0e+00;
	v21 =	vld [tilespmem:s30+$0xFFFFFFC0]  }
0x43: {  	v22 =	vld [tilespmem:s30+$0xFFFFFFD0];
	v14 =	vadd.f32 v14, v20;
	v15 =	vadd.f32 v15, v20  }
0x44: {  	v23 =	vld [tilespmem:s30+$0xFFFFFF40];
	v16 =	vadd.f32 v16, v20;
	v17 =	vadd.f32 v17, v20  }
0x45: {  	v24 =	vld [tilespmem:s30+$0xFFFFFF50];
	v8 =	vadd.f32 v8, v14;
	v13 =	vadd.f32 v13, v15  }
0x46: {  	v14 =	vld [tilespmem:s30+$0xFFFFFF60];
	v15 =	vadd.f32 v18, v16;
	v16 =	vadd.f32 v19, v17  }
0x47: {  	v17 =	vld [tilespmem:s30+$0xFFFFFF70];
	v6 =	vadd.f32 v6, v8;
	v13 =	vadd.f32 v7, v13  }
0x48: {  	v8 =	vld [tilespmem:s30+$0xFFFFFFE0];
	v15 =	vadd.f32 v9, v15;
	v16 =	vadd.f32 v11, v16  }
0x49: {  	v11 =	vld [tilespmem:s30+$0xFFFFFFF0];
	v7 =	vadd.f32 v4, v6;
	v6 =	vadd.f32 v5, v13  }
0x4a: {  	v9 =	vld [tilespmem:s30+$0x60];
	v5 =	vadd.f32 v10, v15;
	v4 =	vadd.f32 v12, v16  }
0x4b: {  	v13 =	vadd.f32 v23, v20;
	v16 =	vadd.f32 v24, v20;
	v12 =	vld [tilespmem:s30+$0x70]  }
0x4c: {  	v10 =	vld [tilespmem:s30+$0xE0];
	v15 =	vadd.f32 v14, v20;
	v14 =	vadd.f32 v17, v20  }
0x4d: {  	s29 =	simm.s32 $0x0;
	v17 =	vadd.f32 v21, v13;
	v16 =	vadd.f32 v22, v16;
	v13 =	vld [tilespmem:s30+$0xF0];
	s30 =	simm.s32 $0x380  }
.LBB2_2:
0x4e: {  	v18 =	vld [tilespmem:s30+$0x80];
	v8 =	vadd.f32 v8, v15;
	v11 =	vadd.f32 v11, v14  }
0x4f: {  	v14 =	vld [tilespmem:s30+$0x90];
	v3 =	vadd.f32 v3, v17;
	v2 =	vadd.f32 v2, v16  }
0x50: {  	v15 =	vld [tilespmem:s30+$0xA0];
	v8 =	vadd.f32 v9, v8;
	v9 =	vadd.f32 v12, v11  }
0x51: {  	v12 =	vld [tilespmem:s30+$0xB0];
	v16 =	vadd.f32 v0, v3;
	v17 =	vadd.f32 v1, v2  }
0x52: {  	v0 =	vld [tilespmem:s30+$0xC0];
	v10 =	vadd.f32 v10, v8;
	v13 =	vadd.f32 v13, v9  }
0x53: {  	v1 =	vld [tilespmem:s30+$0xD0]  }
0x54: {  	v8 =	vld [tilespmem:s30+$0x0]  }
0x55: {  	v9 =	vld [tilespmem:s30+$0x10]  }
0x56: {  	v11 =	vld [tilespmem:s30+$0x20]  }
0x57: {  	v19 =	vld [tilespmem:s30+$0x30]  }
0x58: {  	v3 =	vld [tilespmem:s30+$0x40]  }
0x59: {  	v2 =	vld [tilespmem:s30+$0x50]  }
0x5a: {  	v20 =	vld [tilespmem:s30+$0xFFFFFF80]  }
0x5b: {  	v21 =	vld [tilespmem:s30+$0xFFFFFF90]  }
0x5c: {  	v22 =	vld [tilespmem:s30+$0xFFFFFF00]  }
0x5d: {  	v23 =	vld [tilespmem:s30+$0xFFFFFF10]  }
0x5e: {  	v24 =	vld [tilespmem:s30+$0xFFFFFF20]  }
0x5f: {  	v25 =	vld [tilespmem:s30+$0xFFFFFF30]  }
0x60: {  	v26 =	vld [tilespmem:s30+$0xFFFFFFA0]  }
0x61: {  	v27 =	vld [tilespmem:s30+$0xFFFFFFB0]  }
0x62: {  	v28 =	vld [tilespmem:s30+$0xFFFFFFC0]  }
0x63: {  	v7 =	vadd.f32 v22, v7;
	v6 =	vadd.f32 v23, v6;
	v22 =	vld [tilespmem:s30+$0xFFFFFFD0]  }
0x64: {  	v5 =	vadd.f32 v24, v5;
	v4 =	vadd.f32 v25, v4;
	v23 =	vld [tilespmem:s30+$0xFFFFFF40]  }
0x65: {  	v7 =	vadd.f32 v20, v7;
	v6 =	vadd.f32 v21, v6;
	v24 =	vld [tilespmem:s30+$0xFFFFFF50]  }
0x66: {  	v5 =	vadd.f32 v26, v5;
	v20 =	vld [tilespmem:s30+$0xFFFFFF60];
	v4 =	vadd.f32 v27, v4  }
0x67: {  	s29 =	sadd.s32 $0x4, s29;
	v7 =	vadd.f32 v8, v7;
	v6 =	vadd.f32 v9, v6;
	v21 =	vld [tilespmem:s30+$0xFFFFFF70]  }
0x68: {  	p1 =	slt.u32 s29, $0x1C;
	v5 =	vadd.f32 v11, v5;
	v8 =	vld [tilespmem:s30+$0xFFFFFFE0];
	v4 =	vadd.f32 v19, v4  }
.Ltmp0:
0x69: {  	v7 =	vadd.f32 v18, v7;
	v6 =	vadd.f32 v14, v6;
	v11 =	vld [tilespmem:s30+$0xFFFFFFF0];
	(pc) =	sbr.rel @p1 .LBB2_2-.Ltmp0, $4  }
0x6a: {  	v5 =	vadd.f32 v15, v5;
	v9 =	vld [tilespmem:s30+$0x60];
	v4 =	vadd.f32 v12, v4  }
0x6b: {  	v16 =	vadd.f32 v23, v16;
	v18 =	vadd.f32 v24, v17;
	v12 =	vld [tilespmem:s30+$0x70]  }
0x6c: {  	v15 =	vadd.f32 v20, v10;
	v14 =	vadd.f32 v21, v13;
	v10 =	vld [tilespmem:s30+$0xE0]  }
0x6d: {  	v17 =	vadd.f32 v28, v16;
	v16 =	vadd.f32 v22, v18;
	v13 =	vld [tilespmem:s30+$0xF0];
	s30 =	sadd.s32 $0x200, s30  }
0x6e: {  	_ = 	snop  }
0x6f: {  	v8 =	vadd.f32 v8, v15;
	v7 =	vmul.f32 $3.125000000e-02, v7;
	v3 =	vadd.f32 v3, v17  }
0x70: {  	v11 =	vadd.f32 v11, v14;
	v6 =	vmul.f32 $3.125000000e-02, v6;
	v2 =	vadd.f32 v2, v16  }
0x71: {  	v8 =	vadd.f32 v9, v8;
	[tilespmem:$0x5600] =	vst v7;
	v0 =	vadd.f32 v0, v3;
	v3 =	vmul.f32 $3.125000000e-02, v5  }
0x72: {  	[tilespmem:$0x5610] =	vst v6;
	v5 =	vadd.f32 v12, v11;
	v1 =	vadd.f32 v1, v2;
	v2 =	vmul.f32 $3.125000000e-02, v4  }
0x73: {  	v4 =	vadd.f32 v10, v8;
	[tilespmem:$0x5620] =	vst v3;
	v0 =	vmul.f32 $3.125000000e-02, v0  }
0x74: {  	v3 =	vadd.f32 v13, v5;
	[tilespmem:$0x5630] =	vst v2;
	v1 =	vmul.f32 $3.125000000e-02, v1  }
0x75: {  	[tilespmem:$0x5640] =	vst v0;
	v0 =	vmul.f32 $3.125000000e-02, v4  }
0x76: {  	[tilespmem:$0x5650] =	vst v1;
	v1 =	vmul.f32 $3.125000000e-02, v3  }
0x77: {  	[tilespmem:$0x5660] =	vst v0  }
0x78: {  	s30 =	simm.s32 $0x1270;
	[tilespmem:$0x5670] =	vst v1  }
0x79: {  	v4 =	vld [tilespmem:s30+$0xFFFFFF90]  }
0x7a: {  	v5 =	vld [tilespmem:s30+$0xFFFFFFA0]  }
0x7b: {  	v10 =	vld [tilespmem:s30+$0xFFFFFFB0]  }
0x7c: {  	v12 =	vld [tilespmem:s30+$0xFFFFFFC0]  }
0x7d: {  	v0 =	vld [tilespmem:s30+$0xFFFFFFD0]  }
0x7e: {  	v1 =	vld [tilespmem:s30+$0xFFFFFFE0]  }
0x7f: {  	v6 =	vld [tilespmem:s30+$0xFFFFFF10]  }
0x80: {  	v7 =	vld [tilespmem:s30+$0xFFFFFF20]  }
0x81: {  	v9 =	vld [tilespmem:s30+$0xFFFFFF30]  }
0x82: {  	v11 =	vld [tilespmem:s30+$0xFFFFFF40]  }
0x83: {  	v3 =	vld [tilespmem:s30+$0xFFFFFF50]  }
0x84: {  	v2 =	vld [tilespmem:s30+$0xFFFFFF60]  }
0x85: {  	v8 =	vld [tilespmem:s30+$0xFFFFFE90]  }
0x86: {  	v13 =	vld [tilespmem:s30+$0xFFFFFEA0]  }
0x87: {  	v14 =	vld [tilespmem:s30+$0xFFFFFE10]  }
0x88: {  	v15 =	vld [tilespmem:s30+$0xFFFFFE20]  }
0x89: {  	v16 =	vld [tilespmem:s30+$0xFFFFFE30]  }
0x8a: {  	v17 =	vld [tilespmem:s30+$0xFFFFFE40]  }
0x8b: {  	v18 =	vld [tilespmem:s30+$0xFFFFFEB0]  }
0x8c: {  	v19 =	vld [tilespmem:s30+$0xFFFFFEC0]  }
0x8d: {  	v20 =	vimm.f32 $0.0e+00;
	v21 =	vld [tilespmem:s30+$0xFFFFFED0]  }
0x8e: {  	v22 =	vld [tilespmem:s30+$0xFFFFFEE0];
	v14 =	vadd.f32 v14, v20;
	v15 =	vadd.f32 v15, v20  }
0x8f: {  	v23 =	vld [tilespmem:s30+$0xFFFFFE50];
	v16 =	vadd.f32 v16, v20;
	v17 =	vadd.f32 v17, v20  }
0x90: {  	v24 =	vld [tilespmem:s30+$0xFFFFFE60];
	v8 =	vadd.f32 v8, v14;
	v13 =	vadd.f32 v13, v15  }
0x91: {  	v14 =	vld [tilespmem:s30+$0xFFFFFE70];
	v15 =	vadd.f32 v18, v16;
	v16 =	vadd.f32 v19, v17  }
0x92: {  	v17 =	vld [tilespmem:s30+$0xFFFFFE80];
	v6 =	vadd.f32 v6, v8;
	v13 =	vadd.f32 v7, v13  }
0x93: {  	v8 =	vld [tilespmem:s30+$0xFFFFFEF0];
	v15 =	vadd.f32 v9, v15;
	v16 =	vadd.f32 v11, v16  }
0x94: {  	v11 =	vld [tilespmem:s30+$0xFFFFFF00];
	v7 =	vadd.f32 v4, v6;
	v6 =	vadd.f32 v5, v13  }
0x95: {  	v9 =	vld [tilespmem:s30+$0xFFFFFF70];
	v5 =	vadd.f32 v10, v15;
	v4 =	vadd.f32 v12, v16  }
0x96: {  	v13 =	vadd.f32 v23, v20;
	v16 =	vadd.f32 v24, v20;
	v12 =	vld [tilespmem:s30+$0xFFFFFF80]  }
0x97: {  	v10 =	vld [tilespmem:s30+$0xFFFFFFF0];
	v15 =	vadd.f32 v14, v20;
	v14 =	vadd.f32 v17, v20  }
0x98: {  	s29 =	simm.s32 $0x0;
	v17 =	vadd.f32 v21, v13;
	v16 =	vadd.f32 v22, v16;
	v13 =	vld [tilespmem:s30+$0x0];
	s30 =	simm.s32 $0x1470  }
.LBB2_4:
0x99: {  	v18 =	vld [tilespmem:s30+$0xFFFFFF90];
	v8 =	vadd.f32 v8, v15;
	v11 =	vadd.f32 v11, v14  }
0x9a: {  	v14 =	vld [tilespmem:s30+$0xFFFFFFA0];
	v3 =	vadd.f32 v3, v17;
	v2 =	vadd.f32 v2, v16  }
0x9b: {  	v15 =	vld [tilespmem:s30+$0xFFFFFFB0];
	v8 =	vadd.f32 v9, v8;
	v9 =	vadd.f32 v12, v11  }
0x9c: {  	v12 =	vld [tilespmem:s30+$0xFFFFFFC0];
	v16 =	vadd.f32 v0, v3;
	v17 =	vadd.f32 v1, v2  }
0x9d: {  	v0 =	vld [tilespmem:s30+$0xFFFFFFD0];
	v10 =	vadd.f32 v10, v8;
	v13 =	vadd.f32 v13, v9  }
0x9e: {  	v1 =	vld [tilespmem:s30+$0xFFFFFFE0]  }
0x9f: {  	v8 =	vld [tilespmem:s30+$0xFFFFFF10]  }
0xa0: {  	v9 =	vld [tilespmem:s30+$0xFFFFFF20]  }
0xa1: {  	v11 =	vld [tilespmem:s30+$0xFFFFFF30]  }
0xa2: {  	v19 =	vld [tilespmem:s30+$0xFFFFFF40]  }
0xa3: {  	v3 =	vld [tilespmem:s30+$0xFFFFFF50]  }
0xa4: {  	v2 =	vld [tilespmem:s30+$0xFFFFFF60]  }
0xa5: {  	v20 =	vld [tilespmem:s30+$0xFFFFFE90]  }
0xa6: {  	v21 =	vld [tilespmem:s30+$0xFFFFFEA0]  }
0xa7: {  	v22 =	vld [tilespmem:s30+$0xFFFFFE10]  }
0xa8: {  	v23 =	vld [tilespmem:s30+$0xFFFFFE20]  }
0xa9: {  	v24 =	vld [tilespmem:s30+$0xFFFFFE30]  }
0xaa: {  	v25 =	vld [tilespmem:s30+$0xFFFFFE40]  }
0xab: {  	v26 =	vld [tilespmem:s30+$0xFFFFFEB0]  }
0xac: {  	v27 =	vld [tilespmem:s30+$0xFFFFFEC0]  }
0xad: {  	v28 =	vld [tilespmem:s30+$0xFFFFFED0]  }
0xae: {  	v7 =	vadd.f32 v22, v7;
	v6 =	vadd.f32 v23, v6;
	v22 =	vld [tilespmem:s30+$0xFFFFFEE0]  }
0xaf: {  	v5 =	vadd.f32 v24, v5;
	v4 =	vadd.f32 v25, v4;
	v23 =	vld [tilespmem:s30+$0xFFFFFE50]  }
0xb0: {  	v7 =	vadd.f32 v20, v7;
	v6 =	vadd.f32 v21, v6;
	v24 =	vld [tilespmem:s30+$0xFFFFFE60]  }
0xb1: {  	v5 =	vadd.f32 v26, v5;
	v20 =	vld [tilespmem:s30+$0xFFFFFE70];
	v4 =	vadd.f32 v27, v4  }
0xb2: {  	s29 =	sadd.s32 $0x4, s29;
	v7 =	vadd.f32 v8, v7;
	v6 =	vadd.f32 v9, v6;
	v21 =	vld [tilespmem:s30+$0xFFFFFE80]  }
0xb3: {  	p1 =	slt.u32 s29, $0x1C;
	v5 =	vadd.f32 v11, v5;
	v8 =	vld [tilespmem:s30+$0xFFFFFEF0];
	v4 =	vadd.f32 v19, v4  }
.Ltmp1:
0xb4: {  	v7 =	vadd.f32 v18, v7;
	v6 =	vadd.f32 v14, v6;
	v11 =	vld [tilespmem:s30+$0xFFFFFF00];
	(pc) =	sbr.rel @p1 .LBB2_4-.Ltmp1, $4  }
0xb5: {  	v5 =	vadd.f32 v15, v5;
	v9 =	vld [tilespmem:s30+$0xFFFFFF70];
	v4 =	vadd.f32 v12, v4  }
0xb6: {  	v16 =	vadd.f32 v23, v16;
	v18 =	vadd.f32 v24, v17;
	v12 =	vld [tilespmem:s30+$0xFFFFFF80]  }
0xb7: {  	v15 =	vadd.f32 v20, v10;
	v14 =	vadd.f32 v21, v13;
	v10 =	vld [tilespmem:s30+$0xFFFFFFF0]  }
0xb8: {  	v17 =	vadd.f32 v28, v16;
	v16 =	vadd.f32 v22, v18;
	v13 =	vld [tilespmem:s30+$0x0];
	s30 =	sadd.s32 $0x200, s30  }
0xb9: {  	_ = 	snop  }
0xba: {  	v8 =	vadd.f32 v8, v15;
	v7 =	vmul.f32 $3.125000000e-02, v7;
	v3 =	vadd.f32 v3, v17  }
0xbb: {  	v11 =	vadd.f32 v11, v14;
	v6 =	vmul.f32 $3.125000000e-02, v6;
	v2 =	vadd.f32 v2, v16  }
0xbc: {  	v8 =	vadd.f32 v9, v8;
	[tilespmem:$0x5680] =	vst v7;
	v0 =	vadd.f32 v0, v3;
	v3 =	vmul.f32 $3.125000000e-02, v5  }
0xbd: {  	[tilespmem:$0x5690] =	vst v6;
	v5 =	vadd.f32 v12, v11;
	v1 =	vadd.f32 v1, v2;
	v2 =	vmul.f32 $3.125000000e-02, v4  }
0xbe: {  	v4 =	vadd.f32 v10, v8;
	[tilespmem:$0x56A0] =	vst v3;
	v0 =	vmul.f32 $3.125000000e-02, v0  }
0xbf: {  	v3 =	vadd.f32 v13, v5;
	[tilespmem:$0x56B0] =	vst v2;
	v1 =	vmul.f32 $3.125000000e-02, v1  }
0xc0: {  	[tilespmem:$0x56C0] =	vst v0;
	v0 =	vmul.f32 $3.125000000e-02, v4  }
0xc1: {  	[tilespmem:$0x56D0] =	vst v1;
	v1 =	vmul.f32 $3.125000000e-02, v3  }
0xc2: {  	[tilespmem:$0x56E0] =	vst v0  }
0xc3: {  	[tilespmem:$0x56F0] =	vst v1  }
0xc4: {  	[hbm4b:s9+s4] =	stream.linear.scatter [tilespmem:s23], [sflag:$0x4], $0x100, $0x38;
	[tilespmem:$0x5A00] =	vst v63  }
0xc5: {  	_ =	swait.ge [sflag:s22], $0x2000  }
0xc6: {  	[sflag:s22] =	ssyncset.done $0x0  }
0xc7: {  	s30 =	simm.s32 $0x2200;
	[sflag:s22] =	ssyncadd.s32 $0xFFFFE000  }
0xc8: {  	v4 =	vld [tilespmem:s30+$0x80]  }
0xc9: {  	v5 =	vld [tilespmem:s30+$0x90]  }
0xca: {  	v10 =	vld [tilespmem:s30+$0xA0]  }
0xcb: {  	v12 =	vld [tilespmem:s30+$0xB0]  }
0xcc: {  	v0 =	vld [tilespmem:s30+$0xC0]  }
0xcd: {  	v1 =	vld [tilespmem:s30+$0xD0]  }
0xce: {  	v6 =	vld [tilespmem:s30+$0x0]  }
0xcf: {  	v7 =	vld [tilespmem:s30+$0x10]  }
0xd0: {  	v9 =	vld [tilespmem:s30+$0x20]  }
0xd1: {  	v11 =	vld [tilespmem:s30+$0x30]  }
0xd2: {  	v3 =	vld [tilespmem:s30+$0x40]  }
0xd3: {  	v2 =	vld [tilespmem:s30+$0x50]  }
0xd4: {  	v8 =	vld [tilespmem:s30+$0xFFFFFF80]  }
0xd5: {  	v13 =	vld [tilespmem:s30+$0xFFFFFF90]  }
0xd6: {  	v14 =	vld [tilespmem:s30+$0xFFFFFF00]  }
0xd7: {  	v15 =	vld [tilespmem:s30+$0xFFFFFF10]  }
0xd8: {  	v16 =	vld [tilespmem:s30+$0xFFFFFF20]  }
0xd9: {  	v17 =	vld [tilespmem:s30+$0xFFFFFF30]  }
0xda: {  	v18 =	vld [tilespmem:s30+$0xFFFFFFA0]  }
0xdb: {  	v19 =	vld [tilespmem:s30+$0xFFFFFFB0]  }
0xdc: {  	v20 =	vimm.f32 $0.0e+00;
	v21 =	vld [tilespmem:s30+$0xFFFFFFC0]  }
0xdd: {  	v22 =	vld [tilespmem:s30+$0xFFFFFFD0];
	v14 =	vadd.f32 v14, v20;
	v15 =	vadd.f32 v15, v20  }
0xde: {  	v23 =	vld [tilespmem:s30+$0xFFFFFF40];
	v16 =	vadd.f32 v16, v20;
	v17 =	vadd.f32 v17, v20  }
0xdf: {  	v24 =	vld [tilespmem:s30+$0xFFFFFF50];
	v8 =	vadd.f32 v8, v14;
	v13 =	vadd.f32 v13, v15  }
0xe0: {  	v14 =	vld [tilespmem:s30+$0xFFFFFF60];
	v15 =	vadd.f32 v18, v16;
	v16 =	vadd.f32 v19, v17  }
0xe1: {  	v17 =	vld [tilespmem:s30+$0xFFFFFF70];
	v6 =	vadd.f32 v6, v8;
	v13 =	vadd.f32 v7, v13  }
0xe2: {  	v8 =	vld [tilespmem:s30+$0xFFFFFFE0];
	v15 =	vadd.f32 v9, v15;
	v16 =	vadd.f32 v11, v16  }
0xe3: {  	v11 =	vld [tilespmem:s30+$0xFFFFFFF0];
	v7 =	vadd.f32 v4, v6;
	v6 =	vadd.f32 v5, v13  }
0xe4: {  	v9 =	vld [tilespmem:s30+$0x60];
	v5 =	vadd.f32 v10, v15;
	v4 =	vadd.f32 v12, v16  }
0xe5: {  	v13 =	vadd.f32 v23, v20;
	v16 =	vadd.f32 v24, v20;
	v12 =	vld [tilespmem:s30+$0x70]  }
0xe6: {  	v10 =	vld [tilespmem:s30+$0xE0];
	v15 =	vadd.f32 v14, v20;
	v14 =	vadd.f32 v17, v20  }
0xe7: {  	s29 =	simm.s32 $0x0;
	v17 =	vadd.f32 v21, v13;
	v16 =	vadd.f32 v22, v16;
	v13 =	vld [tilespmem:s30+$0xF0];
	s30 =	simm.s32 $0x2400  }
.LBB2_6:
0xe8: {  	v18 =	vld [tilespmem:s30+$0x80];
	v8 =	vadd.f32 v8, v15;
	v11 =	vadd.f32 v11, v14  }
0xe9: {  	v14 =	vld [tilespmem:s30+$0x90];
	v3 =	vadd.f32 v3, v17;
	v2 =	vadd.f32 v2, v16  }
0xea: {  	v15 =	vld [tilespmem:s30+$0xA0];
	v8 =	vadd.f32 v9, v8;
	v9 =	vadd.f32 v12, v11  }
0xeb: {  	v12 =	vld [tilespmem:s30+$0xB0];
	v16 =	vadd.f32 v0, v3;
	v17 =	vadd.f32 v1, v2  }
0xec: {  	v0 =	vld [tilespmem:s30+$0xC0];
	v10 =	vadd.f32 v10, v8;
	v13 =	vadd.f32 v13, v9  }
0xed: {  	v1 =	vld [tilespmem:s30+$0xD0]  }
0xee: {  	v8 =	vld [tilespmem:s30+$0x0]  }
0xef: {  	v9 =	vld [tilespmem:s30+$0x10]  }
0xf0: {  	v11 =	vld [tilespmem:s30+$0x20]  }
0xf1: {  	v19 =	vld [tilespmem:s30+$0x30]  }
0xf2: {  	v3 =	vld [tilespmem:s30+$0x40]  }
0xf3: {  	v2 =	vld [tilespmem:s30+$0x50]  }
0xf4: {  	v20 =	vld [tilespmem:s30+$0xFFFFFF80]  }
0xf5: {  	v21 =	vld [tilespmem:s30+$0xFFFFFF90]  }
0xf6: {  	v22 =	vld [tilespmem:s30+$0xFFFFFF00]  }
0xf7: {  	v23 =	vld [tilespmem:s30+$0xFFFFFF10]  }
0xf8: {  	v24 =	vld [tilespmem:s30+$0xFFFFFF20]  }
0xf9: {  	v25 =	vld [tilespmem:s30+$0xFFFFFF30]  }
0xfa: {  	v26 =	vld [tilespmem:s30+$0xFFFFFFA0]  }
0xfb: {  	v27 =	vld [tilespmem:s30+$0xFFFFFFB0]  }
0xfc: {  	v28 =	vld [tilespmem:s30+$0xFFFFFFC0]  }
0xfd: {  	v7 =	vadd.f32 v22, v7;
	v6 =	vadd.f32 v23, v6;
	v22 =	vld [tilespmem:s30+$0xFFFFFFD0]  }
0xfe: {  	v5 =	vadd.f32 v24, v5;
	v4 =	vadd.f32 v25, v4;
	v23 =	vld [tilespmem:s30+$0xFFFFFF40]  }
0xff: {  	v7 =	vadd.f32 v20, v7;
	v6 =	vadd.f32 v21, v6;
	v24 =	vld [tilespmem:s30+$0xFFFFFF50]  }
0x100: {  	v5 =	vadd.f32 v26, v5;
	v20 =	vld [tilespmem:s30+$0xFFFFFF60];
	v4 =	vadd.f32 v27, v4  }
0x101: {  	s29 =	sadd.s32 $0x4, s29;
	v7 =	vadd.f32 v8, v7;
	v6 =	vadd.f32 v9, v6;
	v21 =	vld [tilespmem:s30+$0xFFFFFF70]  }
0x102: {  	p1 =	slt.u32 s29, $0x1C;
	v5 =	vadd.f32 v11, v5;
	v8 =	vld [tilespmem:s30+$0xFFFFFFE0];
	v4 =	vadd.f32 v19, v4  }
.Ltmp2:
0x103: {  	v7 =	vadd.f32 v18, v7;
	v6 =	vadd.f32 v14, v6;
	v11 =	vld [tilespmem:s30+$0xFFFFFFF0];
	(pc) =	sbr.rel @p1 .LBB2_6-.Ltmp2, $4  }
0x104: {  	v5 =	vadd.f32 v15, v5;
	v9 =	vld [tilespmem:s30+$0x60];
	v4 =	vadd.f32 v12, v4  }
0x105: {  	v16 =	vadd.f32 v23, v16;
	v18 =	vadd.f32 v24, v17;
	v12 =	vld [tilespmem:s30+$0x70]  }
0x106: {  	v15 =	vadd.f32 v20, v10;
	v14 =	vadd.f32 v21, v13;
	v10 =	vld [tilespmem:s30+$0xE0]  }
0x107: {  	v17 =	vadd.f32 v28, v16;
	v16 =	vadd.f32 v22, v18;
	v13 =	vld [tilespmem:s30+$0xF0];
	s30 =	sadd.s32 $0x200, s30  }
0x108: {  	_ = 	snop  }
0x109: {  	v8 =	vadd.f32 v8, v15;
	v7 =	vmul.f32 $3.125000000e-02, v7;
	v3 =	vadd.f32 v3, v17  }
0x10a: {  	v11 =	vadd.f32 v11, v14;
	v6 =	vmul.f32 $3.125000000e-02, v6;
	v2 =	vadd.f32 v2, v16  }
0x10b: {  	v8 =	vadd.f32 v9, v8;
	[tilespmem:$0x5700] =	vst v7;
	v0 =	vadd.f32 v0, v3;
	v3 =	vmul.f32 $3.125000000e-02, v5  }
0x10c: {  	[tilespmem:$0x5710] =	vst v6;
	v5 =	vadd.f32 v12, v11;
	v1 =	vadd.f32 v1, v2;
	v2 =	vmul.f32 $3.125000000e-02, v4  }
0x10d: {  	v4 =	vadd.f32 v10, v8;
	[tilespmem:$0x5720] =	vst v3;
	v0 =	vmul.f32 $3.125000000e-02, v0  }
0x10e: {  	v3 =	vadd.f32 v13, v5;
	[tilespmem:$0x5730] =	vst v2;
	v1 =	vmul.f32 $3.125000000e-02, v1  }
0x10f: {  	[tilespmem:$0x5740] =	vst v0;
	v0 =	vmul.f32 $3.125000000e-02, v4  }
0x110: {  	[tilespmem:$0x5750] =	vst v1;
	v1 =	vmul.f32 $3.125000000e-02, v3  }
0x111: {  	[tilespmem:$0x5760] =	vst v0  }
0x112: {  	s30 =	simm.s32 $0x32F0;
	[tilespmem:$0x5770] =	vst v1  }
0x113: {  	v4 =	vld [tilespmem:s30+$0xFFFFFF90]  }
0x114: {  	v5 =	vld [tilespmem:s30+$0xFFFFFFA0]  }
0x115: {  	v10 =	vld [tilespmem:s30+$0xFFFFFFB0]  }
0x116: {  	v12 =	vld [tilespmem:s30+$0xFFFFFFC0]  }
0x117: {  	v0 =	vld [tilespmem:s30+$0xFFFFFFD0]  }
0x118: {  	v1 =	vld [tilespmem:s30+$0xFFFFFFE0]  }
0x119: {  	v6 =	vld [tilespmem:s30+$0xFFFFFF10]  }
0x11a: {  	v7 =	vld [tilespmem:s30+$0xFFFFFF20]  }
0x11b: {  	v9 =	vld [tilespmem:s30+$0xFFFFFF30]  }
0x11c: {  	v11 =	vld [tilespmem:s30+$0xFFFFFF40]  }
0x11d: {  	v3 =	vld [tilespmem:s30+$0xFFFFFF50]  }
0x11e: {  	v2 =	vld [tilespmem:s30+$0xFFFFFF60]  }
0x11f: {  	v8 =	vld [tilespmem:s30+$0xFFFFFE90]  }
0x120: {  	v13 =	vld [tilespmem:s30+$0xFFFFFEA0]  }
0x121: {  	v14 =	vld [tilespmem:s30+$0xFFFFFE10]  }
0x122: {  	v15 =	vld [tilespmem:s30+$0xFFFFFE20]  }
0x123: {  	v16 =	vld [tilespmem:s30+$0xFFFFFE30]  }
0x124: {  	v17 =	vld [tilespmem:s30+$0xFFFFFE40]  }
0x125: {  	v18 =	vld [tilespmem:s30+$0xFFFFFEB0]  }
0x126: {  	v19 =	vld [tilespmem:s30+$0xFFFFFEC0]  }
0x127: {  	v20 =	vimm.f32 $0.0e+00;
	v21 =	vld [tilespmem:s30+$0xFFFFFED0]  }
0x128: {  	v22 =	vld [tilespmem:s30+$0xFFFFFEE0];
	v14 =	vadd.f32 v14, v20;
	v15 =	vadd.f32 v15, v20  }
0x129: {  	v23 =	vld [tilespmem:s30+$0xFFFFFE50];
	v16 =	vadd.f32 v16, v20;
	v17 =	vadd.f32 v17, v20  }
0x12a: {  	v24 =	vld [tilespmem:s30+$0xFFFFFE60];
	v8 =	vadd.f32 v8, v14;
	v13 =	vadd.f32 v13, v15  }
0x12b: {  	v14 =	vld [tilespmem:s30+$0xFFFFFE70];
	v15 =	vadd.f32 v18, v16;
	v16 =	vadd.f32 v19, v17  }
0x12c: {  	v17 =	vld [tilespmem:s30+$0xFFFFFE80];
	v6 =	vadd.f32 v6, v8;
	v13 =	vadd.f32 v7, v13  }
0x12d: {  	v8 =	vld [tilespmem:s30+$0xFFFFFEF0];
	v15 =	vadd.f32 v9, v15;
	v16 =	vadd.f32 v11, v16  }
0x12e: {  	v11 =	vld [tilespmem:s30+$0xFFFFFF00];
	v7 =	vadd.f32 v4, v6;
	v6 =	vadd.f32 v5, v13  }
0x12f: {  	v9 =	vld [tilespmem:s30+$0xFFFFFF70];
	v5 =	vadd.f32 v10, v15;
	v4 =	vadd.f32 v12, v16  }
0x130: {  	v13 =	vadd.f32 v23, v20;
	v16 =	vadd.f32 v24, v20;
	v12 =	vld [tilespmem:s30+$0xFFFFFF80]  }
0x131: {  	v10 =	vld [tilespmem:s30+$0xFFFFFFF0];
	v15 =	vadd.f32 v14, v20;
	v14 =	vadd.f32 v17, v20  }
0x132: {  	s29 =	simm.s32 $0x0;
	v17 =	vadd.f32 v21, v13;
	v16 =	vadd.f32 v22, v16;
	v13 =	vld [tilespmem:s30+$0x0];
	s30 =	simm.s32 $0x34F0  }
.LBB2_8:
0x133: {  	v18 =	vld [tilespmem:s30+$0xFFFFFF90];
	v8 =	vadd.f32 v8, v15;
	v11 =	vadd.f32 v11, v14  }
0x134: {  	v14 =	vld [tilespmem:s30+$0xFFFFFFA0];
	v3 =	vadd.f32 v3, v17;
	v2 =	vadd.f32 v2, v16  }
0x135: {  	v15 =	vld [tilespmem:s30+$0xFFFFFFB0];
	v8 =	vadd.f32 v9, v8;
	v9 =	vadd.f32 v12, v11  }
0x136: {  	v12 =	vld [tilespmem:s30+$0xFFFFFFC0];
	v16 =	vadd.f32 v0, v3;
	v17 =	vadd.f32 v1, v2  }
0x137: {  	v0 =	vld [tilespmem:s30+$0xFFFFFFD0];
	v10 =	vadd.f32 v10, v8;
	v13 =	vadd.f32 v13, v9  }
0x138: {  	v1 =	vld [tilespmem:s30+$0xFFFFFFE0]  }
0x139: {  	v8 =	vld [tilespmem:s30+$0xFFFFFF10]  }
0x13a: {  	v9 =	vld [tilespmem:s30+$0xFFFFFF20]  }
0x13b: {  	v11 =	vld [tilespmem:s30+$0xFFFFFF30]  }
0x13c: {  	v19 =	vld [tilespmem:s30+$0xFFFFFF40]  }
0x13d: {  	v3 =	vld [tilespmem:s30+$0xFFFFFF50]  }
0x13e: {  	v2 =	vld [tilespmem:s30+$0xFFFFFF60]  }
0x13f: {  	v20 =	vld [tilespmem:s30+$0xFFFFFE90]  }
0x140: {  	v21 =	vld [tilespmem:s30+$0xFFFFFEA0]  }
0x141: {  	v22 =	vld [tilespmem:s30+$0xFFFFFE10]  }
0x142: {  	v23 =	vld [tilespmem:s30+$0xFFFFFE20]  }
0x143: {  	v24 =	vld [tilespmem:s30+$0xFFFFFE30]  }
0x144: {  	v25 =	vld [tilespmem:s30+$0xFFFFFE40]  }
0x145: {  	v26 =	vld [tilespmem:s30+$0xFFFFFEB0]  }
0x146: {  	v27 =	vld [tilespmem:s30+$0xFFFFFEC0]  }
0x147: {  	v28 =	vld [tilespmem:s30+$0xFFFFFED0]  }
0x148: {  	v7 =	vadd.f32 v22, v7;
	v6 =	vadd.f32 v23, v6;
	v22 =	vld [tilespmem:s30+$0xFFFFFEE0]  }
0x149: {  	v5 =	vadd.f32 v24, v5;
	v4 =	vadd.f32 v25, v4;
	v23 =	vld [tilespmem:s30+$0xFFFFFE50]  }
0x14a: {  	v7 =	vadd.f32 v20, v7;
	v6 =	vadd.f32 v21, v6;
	v24 =	vld [tilespmem:s30+$0xFFFFFE60]  }
0x14b: {  	v5 =	vadd.f32 v26, v5;
	v20 =	vld [tilespmem:s30+$0xFFFFFE70];
	v4 =	vadd.f32 v27, v4  }
0x14c: {  	s29 =	sadd.s32 $0x4, s29;
	v7 =	vadd.f32 v8, v7;
	v6 =	vadd.f32 v9, v6;
	v21 =	vld [tilespmem:s30+$0xFFFFFE80]  }
0x14d: {  	p1 =	slt.u32 s29, $0x1C;
	v5 =	vadd.f32 v11, v5;
	v8 =	vld [tilespmem:s30+$0xFFFFFEF0];
	v4 =	vadd.f32 v19, v4  }
.Ltmp3:
0x14e: {  	v7 =	vadd.f32 v18, v7;
	v6 =	vadd.f32 v14, v6;
	v11 =	vld [tilespmem:s30+$0xFFFFFF00];
	(pc) =	sbr.rel @p1 .LBB2_8-.Ltmp3, $4  }
0x14f: {  	v5 =	vadd.f32 v15, v5;
	v9 =	vld [tilespmem:s30+$0xFFFFFF70];
	v4 =	vadd.f32 v12, v4  }
0x150: {  	v16 =	vadd.f32 v23, v16;
	v18 =	vadd.f32 v24, v17;
	v12 =	vld [tilespmem:s30+$0xFFFFFF80]  }
0x151: {  	v15 =	vadd.f32 v20, v10;
	v14 =	vadd.f32 v21, v13;
	v10 =	vld [tilespmem:s30+$0xFFFFFFF0]  }
0x152: {  	v17 =	vadd.f32 v28, v16;
	v16 =	vadd.f32 v22, v18;
	v13 =	vld [tilespmem:s30+$0x0];
	s30 =	sadd.s32 $0x200, s30  }
0x153: {  	_ = 	snop  }
0x154: {  	v8 =	vadd.f32 v8, v15;
	v7 =	vmul.f32 $3.125000000e-02, v7;
	v3 =	vadd.f32 v3, v17  }
0x155: {  	v11 =	vadd.f32 v11, v14;
	v6 =	vmul.f32 $3.125000000e-02, v6;
	v2 =	vadd.f32 v2, v16  }
0x156: {  	v8 =	vadd.f32 v9, v8;
	[tilespmem:$0x5780] =	vst v7;
	v0 =	vadd.f32 v0, v3;
	v3 =	vmul.f32 $3.125000000e-02, v5  }
0x157: {  	[tilespmem:$0x5790] =	vst v6;
	v5 =	vadd.f32 v12, v11;
	v1 =	vadd.f32 v1, v2;
	v2 =	vmul.f32 $3.125000000e-02, v4  }
0x158: {  	v4 =	vadd.f32 v10, v8;
	[tilespmem:$0x57A0] =	vst v3;
	v0 =	vmul.f32 $3.125000000e-02, v0  }
0x159: {  	v3 =	vadd.f32 v13, v5;
	[tilespmem:$0x57B0] =	vst v2;
	v1 =	vmul.f32 $3.125000000e-02, v1  }
0x15a: {  	[tilespmem:$0x57C0] =	vst v0;
	v0 =	vmul.f32 $3.125000000e-02, v4  }
0x15b: {  	[tilespmem:$0x57D0] =	vst v1;
	v1 =	vmul.f32 $3.125000000e-02, v3  }
0x15c: {  	[tilespmem:$0x57E0] =	vst v0  }
0x15d: {  	[tilespmem:$0x57F0] =	vst v1  }
0x15e: {  	[hbm4b:s10+s4] =	stream.linear.scatter [tilespmem:s24], [sflag:$0x4], $0x100, $0x38;
	[tilespmem:$0x5A00] =	vst v63  }
0x15f: {  	_ =	swait.ge [sflag:s22], $0x1000  }
0x160: {  	[sflag:s22] =	ssyncset.done $0x0  }
0x161: {  	s30 =	simm.s32 $0x4280;
	[sflag:s22] =	ssyncadd.s32 $0xFFFFF000  }
0x162: {  	v4 =	vld [tilespmem:s30+$0x80]  }
0x163: {  	v5 =	vld [tilespmem:s30+$0x90]  }
0x164: {  	v10 =	vld [tilespmem:s30+$0xA0]  }
0x165: {  	v12 =	vld [tilespmem:s30+$0xB0]  }
0x166: {  	v0 =	vld [tilespmem:s30+$0xC0]  }
0x167: {  	v1 =	vld [tilespmem:s30+$0xD0]  }
0x168: {  	v6 =	vld [tilespmem:s30+$0x0]  }
0x169: {  	v7 =	vld [tilespmem:s30+$0x10]  }
0x16a: {  	v9 =	vld [tilespmem:s30+$0x20]  }
0x16b: {  	v11 =	vld [tilespmem:s30+$0x30]  }
0x16c: {  	v3 =	vld [tilespmem:s30+$0x40]  }
0x16d: {  	v2 =	vld [tilespmem:s30+$0x50]  }
0x16e: {  	v8 =	vld [tilespmem:s30+$0xFFFFFF80]  }
0x16f: {  	v13 =	vld [tilespmem:s30+$0xFFFFFF90]  }
0x170: {  	v14 =	vld [tilespmem:s30+$0xFFFFFF00]  }
0x171: {  	v15 =	vld [tilespmem:s30+$0xFFFFFF10]  }
0x172: {  	v16 =	vld [tilespmem:s30+$0xFFFFFF20]  }
0x173: {  	v17 =	vld [tilespmem:s30+$0xFFFFFF30]  }
0x174: {  	v18 =	vld [tilespmem:s30+$0xFFFFFFA0]  }
0x175: {  	v19 =	vld [tilespmem:s30+$0xFFFFFFB0]  }
0x176: {  	v20 =	vimm.f32 $0.0e+00;
	v21 =	vld [tilespmem:s30+$0xFFFFFFC0]  }
0x177: {  	v22 =	vld [tilespmem:s30+$0xFFFFFFD0];
	v14 =	vadd.f32 v14, v20;
	v15 =	vadd.f32 v15, v20  }
0x178: {  	v23 =	vld [tilespmem:s30+$0xFFFFFF40];
	v16 =	vadd.f32 v16, v20;
	v17 =	vadd.f32 v17, v20  }
0x179: {  	v24 =	vld [tilespmem:s30+$0xFFFFFF50];
	v8 =	vadd.f32 v8, v14;
	v13 =	vadd.f32 v13, v15  }
0x17a: {  	v14 =	vld [tilespmem:s30+$0xFFFFFF60];
	v15 =	vadd.f32 v18, v16;
	v16 =	vadd.f32 v19, v17  }
0x17b: {  	v17 =	vld [tilespmem:s30+$0xFFFFFF70];
	v6 =	vadd.f32 v6, v8;
	v13 =	vadd.f32 v7, v13  }
0x17c: {  	v8 =	vld [tilespmem:s30+$0xFFFFFFE0];
	v15 =	vadd.f32 v9, v15;
	v16 =	vadd.f32 v11, v16  }
0x17d: {  	v11 =	vld [tilespmem:s30+$0xFFFFFFF0];
	v7 =	vadd.f32 v4, v6;
	v6 =	vadd.f32 v5, v13  }
0x17e: {  	v9 =	vld [tilespmem:s30+$0x60];
	v5 =	vadd.f32 v10, v15;
	v4 =	vadd.f32 v12, v16  }
0x17f: {  	v13 =	vadd.f32 v23, v20;
	v16 =	vadd.f32 v24, v20;
	v12 =	vld [tilespmem:s30+$0x70]  }
0x180: {  	v10 =	vld [tilespmem:s30+$0xE0];
	v15 =	vadd.f32 v14, v20;
	v14 =	vadd.f32 v17, v20  }
0x181: {  	s29 =	simm.s32 $0x0;
	v17 =	vadd.f32 v21, v13;
	v16 =	vadd.f32 v22, v16;
	v13 =	vld [tilespmem:s30+$0xF0];
	s30 =	simm.s32 $0x4480  }
.LBB2_10:
0x182: {  	v18 =	vld [tilespmem:s30+$0x80];
	v8 =	vadd.f32 v8, v15;
	v11 =	vadd.f32 v11, v14  }
0x183: {  	v14 =	vld [tilespmem:s30+$0x90];
	v3 =	vadd.f32 v3, v17;
	v2 =	vadd.f32 v2, v16  }
0x184: {  	v15 =	vld [tilespmem:s30+$0xA0];
	v8 =	vadd.f32 v9, v8;
	v9 =	vadd.f32 v12, v11  }
0x185: {  	v12 =	vld [tilespmem:s30+$0xB0];
	v16 =	vadd.f32 v0, v3;
	v17 =	vadd.f32 v1, v2  }
0x186: {  	v0 =	vld [tilespmem:s30+$0xC0];
	v10 =	vadd.f32 v10, v8;
	v13 =	vadd.f32 v13, v9  }
0x187: {  	v1 =	vld [tilespmem:s30+$0xD0]  }
0x188: {  	v8 =	vld [tilespmem:s30+$0x0]  }
0x189: {  	v9 =	vld [tilespmem:s30+$0x10]  }
0x18a: {  	v11 =	vld [tilespmem:s30+$0x20]  }
0x18b: {  	v19 =	vld [tilespmem:s30+$0x30]  }
0x18c: {  	v3 =	vld [tilespmem:s30+$0x40]  }
0x18d: {  	v2 =	vld [tilespmem:s30+$0x50]  }
0x18e: {  	v20 =	vld [tilespmem:s30+$0xFFFFFF80]  }
0x18f: {  	v21 =	vld [tilespmem:s30+$0xFFFFFF90]  }
0x190: {  	v22 =	vld [tilespmem:s30+$0xFFFFFF00]  }
0x191: {  	v23 =	vld [tilespmem:s30+$0xFFFFFF10]  }
0x192: {  	v24 =	vld [tilespmem:s30+$0xFFFFFF20]  }
0x193: {  	v25 =	vld [tilespmem:s30+$0xFFFFFF30]  }
0x194: {  	v26 =	vld [tilespmem:s30+$0xFFFFFFA0]  }
0x195: {  	v27 =	vld [tilespmem:s30+$0xFFFFFFB0]  }
0x196: {  	v28 =	vld [tilespmem:s30+$0xFFFFFFC0]  }
0x197: {  	v7 =	vadd.f32 v22, v7;
	v6 =	vadd.f32 v23, v6;
	v22 =	vld [tilespmem:s30+$0xFFFFFFD0]  }
0x198: {  	v5 =	vadd.f32 v24, v5;
	v4 =	vadd.f32 v25, v4;
	v23 =	vld [tilespmem:s30+$0xFFFFFF40]  }
0x199: {  	v7 =	vadd.f32 v20, v7;
	v6 =	vadd.f32 v21, v6;
	v24 =	vld [tilespmem:s30+$0xFFFFFF50]  }
0x19a: {  	v5 =	vadd.f32 v26, v5;
	v20 =	vld [tilespmem:s30+$0xFFFFFF60];
	v4 =	vadd.f32 v27, v4  }
0x19b: {  	s29 =	sadd.s32 $0x4, s29;
	v7 =	vadd.f32 v8, v7;
	v6 =	vadd.f32 v9, v6;
	v21 =	vld [tilespmem:s30+$0xFFFFFF70]  }
0x19c: {  	p1 =	slt.u32 s29, $0xC;
	v5 =	vadd.f32 v11, v5;
	v8 =	vld [tilespmem:s30+$0xFFFFFFE0];
	v4 =	vadd.f32 v19, v4  }
.Ltmp4:
0x19d: {  	v7 =	vadd.f32 v18, v7;
	v6 =	vadd.f32 v14, v6;
	v11 =	vld [tilespmem:s30+$0xFFFFFFF0];
	(pc) =	sbr.rel @p1 .LBB2_10-.Ltmp4, $4  }
0x19e: {  	v5 =	vadd.f32 v15, v5;
	v9 =	vld [tilespmem:s30+$0x60];
	v4 =	vadd.f32 v12, v4  }
0x19f: {  	v16 =	vadd.f32 v23, v16;
	v18 =	vadd.f32 v24, v17;
	v12 =	vld [tilespmem:s30+$0x70]  }
0x1a0: {  	v15 =	vadd.f32 v20, v10;
	v14 =	vadd.f32 v21, v13;
	v10 =	vld [tilespmem:s30+$0xE0]  }
0x1a1: {  	v17 =	vadd.f32 v28, v16;
	v16 =	vadd.f32 v22, v18;
	v13 =	vld [tilespmem:s30+$0xF0];
	s30 =	sadd.s32 $0x200, s30  }
0x1a2: {  	_ = 	snop  }
0x1a3: {  	v8 =	vadd.f32 v8, v15;
	v7 =	vmul.f32 $6.250000000e-02, v7;
	v3 =	vadd.f32 v3, v17  }
0x1a4: {  	v11 =	vadd.f32 v11, v14;
	v6 =	vmul.f32 $6.250000000e-02, v6;
	v2 =	vadd.f32 v2, v16  }
0x1a5: {  	v8 =	vadd.f32 v9, v8;
	[tilespmem:$0x5800] =	vst v7;
	v0 =	vadd.f32 v0, v3;
	v3 =	vmul.f32 $6.250000000e-02, v5  }
0x1a6: {  	[tilespmem:$0x5810] =	vst v6;
	v5 =	vadd.f32 v12, v11;
	v1 =	vadd.f32 v1, v2;
	v2 =	vmul.f32 $6.250000000e-02, v4  }
0x1a7: {  	v4 =	vadd.f32 v10, v8;
	[tilespmem:$0x5820] =	vst v3;
	v0 =	vmul.f32 $6.250000000e-02, v0  }
0x1a8: {  	v3 =	vadd.f32 v13, v5;
	[tilespmem:$0x5830] =	vst v2;
	v1 =	vmul.f32 $6.250000000e-02, v1  }
0x1a9: {  	[tilespmem:$0x5840] =	vst v0;
	v0 =	vmul.f32 $6.250000000e-02, v4  }
0x1aa: {  	[tilespmem:$0x5850] =	vst v1;
	v1 =	vmul.f32 $6.250000000e-02, v3  }
0x1ab: {  	[tilespmem:$0x5860] =	vst v0  }
0x1ac: {  	s30 =	simm.s32 $0x4B70;
	[tilespmem:$0x5870] =	vst v1  }
0x1ad: {  	v4 =	vld [tilespmem:s30+$0xFFFFFF90]  }
0x1ae: {  	v5 =	vld [tilespmem:s30+$0xFFFFFFA0]  }
0x1af: {  	v10 =	vld [tilespmem:s30+$0xFFFFFFB0]  }
0x1b0: {  	v12 =	vld [tilespmem:s30+$0xFFFFFFC0]  }
0x1b1: {  	v0 =	vld [tilespmem:s30+$0xFFFFFFD0]  }
0x1b2: {  	v1 =	vld [tilespmem:s30+$0xFFFFFFE0]  }
0x1b3: {  	v6 =	vld [tilespmem:s30+$0xFFFFFF10]  }
0x1b4: {  	v7 =	vld [tilespmem:s30+$0xFFFFFF20]  }
0x1b5: {  	v9 =	vld [tilespmem:s30+$0xFFFFFF30]  }
0x1b6: {  	v11 =	vld [tilespmem:s30+$0xFFFFFF40]  }
0x1b7: {  	v3 =	vld [tilespmem:s30+$0xFFFFFF50]  }
0x1b8: {  	v2 =	vld [tilespmem:s30+$0xFFFFFF60]  }
0x1b9: {  	v8 =	vld [tilespmem:s30+$0xFFFFFE90]  }
0x1ba: {  	v13 =	vld [tilespmem:s30+$0xFFFFFEA0]  }
0x1bb: {  	v14 =	vld [tilespmem:s30+$0xFFFFFE10]  }
0x1bc: {  	v15 =	vld [tilespmem:s30+$0xFFFFFE20]  }
0x1bd: {  	v16 =	vld [tilespmem:s30+$0xFFFFFE30]  }
0x1be: {  	v17 =	vld [tilespmem:s30+$0xFFFFFE40]  }
0x1bf: {  	v18 =	vld [tilespmem:s30+$0xFFFFFEB0]  }
0x1c0: {  	v19 =	vld [tilespmem:s30+$0xFFFFFEC0]  }
0x1c1: {  	v20 =	vimm.f32 $0.0e+00;
	v21 =	vld [tilespmem:s30+$0xFFFFFED0]  }
0x1c2: {  	v22 =	vld [tilespmem:s30+$0xFFFFFEE0];
	v14 =	vadd.f32 v14, v20;
	v15 =	vadd.f32 v15, v20  }
0x1c3: {  	v23 =	vld [tilespmem:s30+$0xFFFFFE50];
	v16 =	vadd.f32 v16, v20;
	v17 =	vadd.f32 v17, v20  }
0x1c4: {  	v24 =	vld [tilespmem:s30+$0xFFFFFE60];
	v8 =	vadd.f32 v8, v14;
	v13 =	vadd.f32 v13, v15  }
0x1c5: {  	v14 =	vld [tilespmem:s30+$0xFFFFFE70];
	v15 =	vadd.f32 v18, v16;
	v16 =	vadd.f32 v19, v17  }
0x1c6: {  	v17 =	vld [tilespmem:s30+$0xFFFFFE80];
	v6 =	vadd.f32 v6, v8;
	v13 =	vadd.f32 v7, v13  }
0x1c7: {  	v8 =	vld [tilespmem:s30+$0xFFFFFEF0];
	v15 =	vadd.f32 v9, v15;
	v16 =	vadd.f32 v11, v16  }
0x1c8: {  	v11 =	vld [tilespmem:s30+$0xFFFFFF00];
	v7 =	vadd.f32 v4, v6;
	v6 =	vadd.f32 v5, v13  }
0x1c9: {  	v9 =	vld [tilespmem:s30+$0xFFFFFF70];
	v5 =	vadd.f32 v10, v15;
	v4 =	vadd.f32 v12, v16  }
0x1ca: {  	v13 =	vadd.f32 v23, v20;
	v16 =	vadd.f32 v24, v20;
	v12 =	vld [tilespmem:s30+$0xFFFFFF80]  }
0x1cb: {  	v10 =	vld [tilespmem:s30+$0xFFFFFFF0];
	v15 =	vadd.f32 v14, v20;
	v14 =	vadd.f32 v17, v20  }
0x1cc: {  	s29 =	simm.s32 $0x0;
	v17 =	vadd.f32 v21, v13;
	v16 =	vadd.f32 v22, v16;
	v13 =	vld [tilespmem:s30+$0x0];
	s30 =	simm.s32 $0x4D70  }
.LBB2_12:
0x1cd: {  	v18 =	vld [tilespmem:s30+$0xFFFFFF90];
	v8 =	vadd.f32 v8, v15;
	v11 =	vadd.f32 v11, v14  }
0x1ce: {  	v14 =	vld [tilespmem:s30+$0xFFFFFFA0];
	v3 =	vadd.f32 v3, v17;
	v2 =	vadd.f32 v2, v16  }
0x1cf: {  	v15 =	vld [tilespmem:s30+$0xFFFFFFB0];
	v8 =	vadd.f32 v9, v8;
	v9 =	vadd.f32 v12, v11  }
0x1d0: {  	v12 =	vld [tilespmem:s30+$0xFFFFFFC0];
	v16 =	vadd.f32 v0, v3;
	v17 =	vadd.f32 v1, v2  }
0x1d1: {  	v0 =	vld [tilespmem:s30+$0xFFFFFFD0];
	v10 =	vadd.f32 v10, v8;
	v13 =	vadd.f32 v13, v9  }
0x1d2: {  	v1 =	vld [tilespmem:s30+$0xFFFFFFE0]  }
0x1d3: {  	v8 =	vld [tilespmem:s30+$0xFFFFFF10]  }
0x1d4: {  	v9 =	vld [tilespmem:s30+$0xFFFFFF20]  }
0x1d5: {  	v11 =	vld [tilespmem:s30+$0xFFFFFF30]  }
0x1d6: {  	v19 =	vld [tilespmem:s30+$0xFFFFFF40]  }
0x1d7: {  	v3 =	vld [tilespmem:s30+$0xFFFFFF50]  }
0x1d8: {  	v2 =	vld [tilespmem:s30+$0xFFFFFF60]  }
0x1d9: {  	v20 =	vld [tilespmem:s30+$0xFFFFFE90]  }
0x1da: {  	v21 =	vld [tilespmem:s30+$0xFFFFFEA0]  }
0x1db: {  	v22 =	vld [tilespmem:s30+$0xFFFFFE10]  }
0x1dc: {  	v23 =	vld [tilespmem:s30+$0xFFFFFE20]  }
0x1dd: {  	v24 =	vld [tilespmem:s30+$0xFFFFFE30]  }
0x1de: {  	v25 =	vld [tilespmem:s30+$0xFFFFFE40]  }
0x1df: {  	v26 =	vld [tilespmem:s30+$0xFFFFFEB0]  }
0x1e0: {  	v27 =	vld [tilespmem:s30+$0xFFFFFEC0]  }
0x1e1: {  	v28 =	vld [tilespmem:s30+$0xFFFFFED0]  }
0x1e2: {  	v7 =	vadd.f32 v22, v7;
	v6 =	vadd.f32 v23, v6;
	v22 =	vld [tilespmem:s30+$0xFFFFFEE0]  }
0x1e3: {  	v5 =	vadd.f32 v24, v5;
	v4 =	vadd.f32 v25, v4;
	v23 =	vld [tilespmem:s30+$0xFFFFFE50]  }
0x1e4: {  	v7 =	vadd.f32 v20, v7;
	v6 =	vadd.f32 v21, v6;
	v24 =	vld [tilespmem:s30+$0xFFFFFE60]  }
0x1e5: {  	v5 =	vadd.f32 v26, v5;
	v20 =	vld [tilespmem:s30+$0xFFFFFE70];
	v4 =	vadd.f32 v27, v4  }
0x1e6: {  	s29 =	sadd.s32 $0x4, s29;
	v7 =	vadd.f32 v8, v7;
	v6 =	vadd.f32 v9, v6;
	v21 =	vld [tilespmem:s30+$0xFFFFFE80]  }
0x1e7: {  	p1 =	slt.u32 s29, $0xC;
	v5 =	vadd.f32 v11, v5;
	v8 =	vld [tilespmem:s30+$0xFFFFFEF0];
	v4 =	vadd.f32 v19, v4  }
.Ltmp5:
0x1e8: {  	v7 =	vadd.f32 v18, v7;
	v6 =	vadd.f32 v14, v6;
	v11 =	vld [tilespmem:s30+$0xFFFFFF00];
	(pc) =	sbr.rel @p1 .LBB2_12-.Ltmp5, $4  }
0x1e9: {  	v5 =	vadd.f32 v15, v5;
	v9 =	vld [tilespmem:s30+$0xFFFFFF70];
	v4 =	vadd.f32 v12, v4  }
0x1ea: {  	v16 =	vadd.f32 v23, v16;
	v18 =	vadd.f32 v24, v17;
	v12 =	vld [tilespmem:s30+$0xFFFFFF80]  }
0x1eb: {  	v15 =	vadd.f32 v20, v10;
	v14 =	vadd.f32 v21, v13;
	v10 =	vld [tilespmem:s30+$0xFFFFFFF0]  }
0x1ec: {  	v17 =	vadd.f32 v28, v16;
	v16 =	vadd.f32 v22, v18;
	v13 =	vld [tilespmem:s30+$0x0];
	s30 =	sadd.s32 $0x200, s30  }
0x1ed: {  	_ = 	snop  }
0x1ee: {  	v8 =	vadd.f32 v8, v15;
	v7 =	vmul.f32 $6.250000000e-02, v7;
	v3 =	vadd.f32 v3, v17  }
0x1ef: {  	v11 =	vadd.f32 v11, v14;
	v6 =	vmul.f32 $6.250000000e-02, v6;
	v2 =	vadd.f32 v2, v16  }
0x1f0: {  	v57 =	vmul.f32 $6.250000000e-02, v5;
	v8 =	vadd.f32 v9, v8;
	[tilespmem:$0x5880] =	vst v7;
	v0 =	vadd.f32 v0, v3  }
0x1f1: {  	v59 =	vmul.f32 $6.250000000e-02, v4;
	v58 =	vadd.f32 v12, v11;
	[tilespmem:$0x5890] =	vst v6;
	v1 =	vadd.f32 v1, v2  }
0x1f2: {  	[tilespmem:$0x58A0] =	vst v57;
	v60 =	vadd.f32 v10, v8;
	v0 =	vmul.f32 $6.250000000e-02, v0  }
0x1f3: {  	[tilespmem:$0x58B0] =	vst v59;
	v61 =	vadd.f32 v13, v58;
	v1 =	vmul.f32 $6.250000000e-02, v1  }
0x1f4: {  	v62 =	vmul.f32 $6.250000000e-02, v60;
	[tilespmem:$0x58C0] =	vst v0  }
0x1f5: {  	v63 =	vmul.f32 $6.250000000e-02, v61;
	[tilespmem:$0x58D0] =	vst v1  }
0x1f6: {  	[tilespmem:$0x58E0] =	vst v62  }
0x1f7: {  	s29 =	simm.s32 @!p0 $0x3;
	[tilespmem:$0x58F0] =	vst v63  }
0x1f8: {  	[hbm4b:s11+s4] =	stream.linear.scatter [tilespmem:s25], [sflag:$0x4], $0x100, $0x38;
	[tilespmem:$0x5A00] =	vst v63  }
0x1f9: {  	_ =	swait.ge @!p0 [sflag:s29], $0x400  }
0x1fa: {  	[sflag:s29] =	ssyncset.done @!p0 $0x0  }
0x1fb: {  	s30 =	simm.s32 @!p0 $0x5200;
	[sflag:s29] =	ssyncadd.s32 @!p0 $0xFFFFFC00;
	s29 =	simm.s32 @!p0 $0x0  }
0x1fc: {  	[hbm4b:s12+s29] =	stream.linear.scatter @!p0 [tilespmem:s30], [sflag:$0x5], $0x400, $0x38;
	[tilespmem:$0x5A00] =	vst v63  }
0x1fd: {  	s29 =	simm.s32 @!p0 $0x5  }
0x1fe: {  	_ =	swait.ge @!p0 [sflag:s29], $0x400  }
0x1ff: {  	[sflag:s29] =	ssyncset.done @!p0 $0x0  }
0x200: {  	[sflag:s29] =	ssyncadd.s32 @!p0 $0xFFFFFC00  }
0x201: {  	_ =	swait.ge [sflag:s26], $0x100  }
0x202: {  	[sflag:s26] =	ssyncset.done $0x0  }
0x203: {  	s28 =	sadd.s32 $0x1, s28;
	[sflag:s26] =	ssyncadd.s32 $0xFFFFFF00  }
0x204: {  	p1 =	sne.s32 s28, s13;
	_ =	swait.ge [sflag:s26], $0x100  }
.Ltmp6:
0x205: {  	[sflag:s26] =	ssyncset.done $0x0;
	(pc) =	sbr.rel @p1 .LBB2_1-.Ltmp6, $4  }
0x206: {  	[sflag:s26] =	ssyncadd.s32 $0xFFFFFF00  }
0x207: {  	_ =	swait.ge [sflag:s26], $0x100  }
0x208: {  	[sflag:s26] =	ssyncset.done $0x0  }
0x209: {  	[sflag:s26] =	ssyncadd.s32 $0xFFFFFF00  }
0x20a: {  	_ =	sfence.sel $0x180000  }
0x20b: {  	[bflag:$0x0] =	sbarrier.arrive $0xFFFF  }
0x20c: {  	p0 =	sne.s32 s2, $0x0;
	_ =	strace $0x90000047  }
0x20d: {  	s0 =	sadd.s32 @!p0 $0x100000, s0;
	[bflag:$0x2] =	sbarrier.arrive $0xFFFF  }
0x20e: {  	[sflag:s0] =	ssyncadd.tile.s32 @!p0 $0x1;
	_ =	shalt  }
.Lfunc_end2:
_tile_overlayer_lowered:
.L_overlay_start_2:
0x20f: {  	(tag) =	ssettag $0x2  }
0x210: {  	s0 =	rddreg [dreg:$0x0];
	s2 =	stileid.u32  }
0x211: {  	s1 =	rddreg [dreg:$0x1];
	p0 =	sne.s32 s2, $0x0  }
0x212: {  	s3 =	rddreg [dreg:$0x2];
	[bflag:$0x3] =	sbarrier.arrive $0xFFFF;
	s2 =	simm.s32 @!p0 $0x1C05  }
0x213: {  	[timem:s3], [sflag:s2] =	dma.local @!p0 [hbm:s0], s1  }
0x214: {  	s0 =	simm.s32 @!p0 $0x5  }
0x215: {  	_ =	swait.ge @!p0 [sflag:s0], s1  }
0x216: {  	s1 =	ssub.s32 @!p0 $0x0, s1;
	[sflag:s0] =	ssyncset.done @!p0 $0x0  }
0x217: {  	[sflag:s0] =	ssyncadd.s32 @!p0 s1  }
0x218: {  	[bflag:$0x3] =	sbarrier.arrive $0xFFFF  }
0x219: {  	_ =	shalt  }

</sc_bundles>
